<compile_context>
chip_gen: v7x
topology: tpu7x:2x2x1
jax: 0.10.2.dev20260603
libtpu: 0.0.44.dev20260713+nightly
codegen_flags: <defaults>
</compile_context>

<pallas_src>
import math

import jax
import jax.numpy as jnp
from jax import lax
from jax.experimental import pallas as pl
from jax.experimental.pallas import tpu as pltpu
from jax.experimental.pallas import tpu_sc as plsc

HID = 64
K = 32
N = 4096
NLIG = 1024
BLK = 256
NW = 32
GCH = 128

_IMAX = 2147483647
_LOWMASK = 4095


def _silu(x):
    return x / (1.0 + jnp.exp(-x))


def _build_body(pos_ref, posT_ref, nbr_ref, d2e_ref):
    blk = pl.program_id(0)
    pb = pos_ref[...]
    pT = posT_ref[...]
    d2 = ((pb[:, 0:1] - pT[0:1, :]) ** 2 + (pb[:, 1:2] - pT[1:2, :]) ** 2
          + (pb[:, 2:3] - pT[2:3, :]) ** 2)
    c_fine, c_coarse = jnp.float32(0.05749), jnp.float32(0.11499)
    cnt = jnp.sum((d2 < c_fine).astype(jnp.float32), axis=1, keepdims=True)
    fine = cnt >= 48.0
    scale = jnp.where(fine, jnp.float32(2.0 ** 35), jnp.float32(2.0 ** 34))
    clamp = jnp.where(fine, c_fine, c_coarse)
    q = (jnp.minimum(d2, clamp) * scale).astype(jnp.int32)
    col = lax.broadcasted_iota(jnp.int32, (BLK, N), 1)
    keys = (q & ~_LOWMASK) | col
    row = blk * BLK + lax.broadcasted_iota(jnp.int32, (BLK, N), 0)
    keys = jnp.where(col == row, _IMAX, keys)
    prev = jnp.full((BLK, 1), -1, jnp.int32)
    cols = []
    for _ in range(K):
        cand = jnp.where(keys > prev, keys, _IMAX)
        prev = jnp.min(cand, axis=1, keepdims=True)
        cols.append(prev)
    kk = jnp.concatenate(cols, axis=1)
    nbr_ref[...] = jnp.concatenate(
        [kk & _LOWMASK, jnp.zeros((BLK, 128 - K), jnp.int32)], axis=1)
    inv = jnp.where(fine, jnp.float32(2.0 ** -35), jnp.float32(2.0 ** -34))
    d2e_ref[...] = (kk & ~_LOWMASK).astype(jnp.float32) * inv


def _build(pos8, posT8):
    return pl.pallas_call(
        _build_body,
        grid=(N // BLK,),
        in_specs=[
            pl.BlockSpec((BLK, 8), lambda i: (i, 0)),
            pl.BlockSpec((8, N), lambda i: (0, 0)),
        ],
        out_specs=[
            pl.BlockSpec((BLK, 128), lambda i: (i, 0)),
            pl.BlockSpec((BLK, K), lambda i: (i, 0)),
        ],
        out_shape=[
            jax.ShapeDtypeStruct((N, 128), jnp.int32),
            jax.ShapeDtypeStruct((N, K), jnp.float32),
        ],
    )(pos8, posT8)


def _init_body(ligf_ref, protf_ref, semb_ref,
               ligW_ref, ligb_ref, protW_ref, protb_ref,
               tmW1_ref, tmb1_ref, tmW2_ref, tmb2_ref,
               eWa_ref, eba_ref, eWb_ref,
               x_ref, a_ref, b_ref):
    tv = _silu(jnp.dot(semb_ref[...], tmW1_ref[...],
                       preferred_element_type=jnp.float32) + tmb1_ref[...])
    tv = jnp.dot(tv, tmW2_ref[...], preferred_element_type=jnp.float32) + tmb2_ref[...]
    x_lig = (jnp.dot(ligf_ref[...], ligW_ref[...],
                     preferred_element_type=jnp.float32) + ligb_ref[...] + tv)
    x_prot = (jnp.dot(protf_ref[...], protW_ref[...],
                      preferred_element_type=jnp.float32) + protb_ref[...])
    x = jnp.concatenate([x_lig, x_prot], axis=0)
    x_ref[...] = x
    a_ref[...] = jnp.dot(x, eWa_ref[...], preferred_element_type=jnp.float32) + eba_ref[...]
    xb = jnp.dot(x, eWb_ref[...], preferred_element_type=jnp.float32)
    b_ref[...] = jnp.concatenate([xb, jnp.zeros_like(xb)], axis=1)


def _init(ligf, protf, semb, ligW, ligb, protW, protb,
          tmW1, tmb1, tmW2, tmb2, eWa, eba, eWb):
    return pl.pallas_call(
        _init_body,
        out_shape=[jax.ShapeDtypeStruct((N, HID), jnp.float32)] * 2
        + [jax.ShapeDtypeStruct((N, 2 * HID), jnp.float32)],
    )(ligf, protf, semb, ligW, ligb, protW, protb,
      tmW1, tmb1, tmW2, tmb2, eWa, eba, eWb)


def _gather(table, idxflat, n_nodes):
    NB = 4
    RCH = GCH // K
    nw = n_nodes // NW
    ns = nw // (RCH * NB)
    mesh = plsc.VectorSubcoreMesh(core_axis_name="c", subcore_axis_name="s")

    def body(tab_h, idx_h, out_h, idxbuf_v, flat_v, rows_v, gsem, csem):
        wid = lax.axis_index("s") * 2 + lax.axis_index("c")
        base = wid * nw
        pltpu.sync_copy(idx_h.at[pl.ds(base * 128, nw * 128)],
                        idxbuf_v.at[pl.ds(0, nw * 128)])

        def compact(c, carry):
            for j in range(K // 16):
                flat_v[pl.ds(c * K + j * 16, 16)] = (
                    idxbuf_v[pl.ds(c * 128 + j * 16, 16)])
            return carry

        lax.fori_loop(0, nw, compact, 0)

        def superstep(s, carry):
            @pl.when(s > 0)
            def _():
                for b in range(NB):
                    pltpu.make_async_copy(
                        rows_v.at[b], out_h.at[pl.ds(0, GCH)], csem).wait()

            descs = []
            for b in range(NB):
                e = (s * NB + b) * GCH
                descs.append(pltpu.async_copy(
                    tab_h.at[flat_v.at[pl.ds(e, GCH)]], rows_v.at[b], gsem))
            for d in descs:
                d.wait()
            for b in range(NB):
                e = (s * NB + b) * GCH
                pltpu.async_copy(
                    rows_v.at[b], out_h.at[pl.ds(base * K + e, GCH)], csem)
            return carry

        lax.fori_loop(0, ns, superstep, 0)
        for b in range(NB):
            pltpu.make_async_copy(
                rows_v.at[b], out_h.at[pl.ds(0, GCH)], csem).wait()

    return pl.kernel(
        body,
        out_type=jax.ShapeDtypeStruct((n_nodes * K, 2 * HID), jnp.float32),
        mesh=mesh,
        scratch_types=[
            pltpu.VMEM((128 * nw,), jnp.int32),
            pltpu.VMEM((nw * K,), jnp.int32),
            pltpu.VMEM((NB, GCH, 2 * HID), jnp.float32),
            pltpu.SemaphoreType.DMA,
            pltpu.SemaphoreType.DMA,
        ],
    )(table, idxflat)


def _conv_body(h_ref, a_ref, bg_ref, d2e_ref,
               w1c_ref, eW2_ref, eb2_ref,
               nWa_ref, nWb_ref, nb1_ref, nW2_ref, nb2_ref,
               xWa_ref, xba_ref, xWb_ref,
               hn_ref, an_ref, bn_ref):
    bg = bg_ref[...].reshape(BLK, K, 2 * HID)
    a128 = jnp.concatenate([a_ref[...], jnp.zeros((BLK, HID), jnp.float32)],
                           axis=1)
    pre = (bg + a128[:, None, :]
           + d2e_ref[...][:, :, None] * w1c_ref[...][0][None, None, :])
    m1 = _silu(pre).reshape(BLK * K, 2 * HID)
    m2 = _silu(jnp.dot(m1, eW2_ref[...],
                       preferred_element_type=jnp.float32) + eb2_ref[...])
    agg = jnp.sum(m2.reshape(BLK, K, HID), axis=1)
    n1 = _silu(jnp.dot(h_ref[...], nWa_ref[...], preferred_element_type=jnp.float32)
               + jnp.dot(agg, nWb_ref[...], preferred_element_type=jnp.float32)
               + nb1_ref[...])
    hn = jnp.dot(n1, nW2_ref[...], preferred_element_type=jnp.float32) + nb2_ref[...]
    hn_ref[...] = hn
    an_ref[...] = jnp.dot(hn, xWa_ref[...], preferred_element_type=jnp.float32) + xba_ref[...]
    hb = jnp.dot(hn, xWb_ref[...], preferred_element_type=jnp.float32)
    bn_ref[...] = jnp.concatenate([hb, jnp.zeros_like(hb)], axis=1)


def _conv(h, a, bg, d2e, w1c, eW2, eb2, nWa, nWb, nb1, nW2, nb2, xWa, xba, xWb):
    wspec = lambda s: pl.BlockSpec(s, lambda i: (0,) * len(s))
    return pl.pallas_call(
        _conv_body,
        grid=(N // BLK,),
        in_specs=[
            pl.BlockSpec((BLK, HID), lambda i: (i, 0)),
            pl.BlockSpec((BLK, HID), lambda i: (i, 0)),
            pl.BlockSpec((BLK * K, 2 * HID), lambda i: (i, 0)),
            pl.BlockSpec((BLK, K), lambda i: (i, 0)),
            wspec((1, 2 * HID)), wspec((2 * HID, HID)), wspec((1, HID)),
            wspec((HID, HID)), wspec((HID, HID)), wspec((1, HID)),
            wspec((HID, HID)), wspec((1, HID)),
            wspec((HID, HID)), wspec((1, HID)), wspec((HID, HID)),
        ],
        out_specs=[pl.BlockSpec((BLK, HID), lambda i: (i, 0))] * 2
        + [pl.BlockSpec((BLK, 2 * HID), lambda i: (i, 0))],
        out_shape=[jax.ShapeDtypeStruct((N, HID), jnp.float32)] * 2
        + [jax.ShapeDtypeStruct((N, 2 * HID), jnp.float32)],
    )(h, a, bg, d2e, w1c, eW2, eb2, nWa, nWb, nb1, nW2, nb2, xWa, xba, xWb)


def _conv3_body(h_ref, a_ref, bg_ref, d2e_ref,
                w1c_ref, eW2_ref, eb2_ref,
                nWa_ref, nWb_ref, nb1_ref, nW2_ref, nb2_ref,
                rW1_ref, rb1_ref, rW2_ref, rb2_ref,
                out_ref, acc_ref):
    blk = pl.program_id(0)
    bg = bg_ref[...].reshape(BLK, K, 2 * HID)
    a128 = jnp.concatenate([a_ref[...], jnp.zeros((BLK, HID), jnp.float32)],
                           axis=1)
    pre = (bg + a128[:, None, :]
           + d2e_ref[...][:, :, None] * w1c_ref[...][0][None, None, :])
    m1 = _silu(pre).reshape(BLK * K, 2 * HID)
    m2 = _silu(jnp.dot(m1, eW2_ref[...],
                       preferred_element_type=jnp.float32) + eb2_ref[...])
    agg = jnp.sum(m2.reshape(BLK, K, HID), axis=1)
    n1 = _silu(jnp.dot(h_ref[...], nWa_ref[...], preferred_element_type=jnp.float32)
               + jnp.dot(agg, nWb_ref[...], preferred_element_type=jnp.float32)
               + nb1_ref[...])
    hn = jnp.dot(n1, nW2_ref[...], preferred_element_type=jnp.float32) + nb2_ref[...]
    psum = jnp.sum(hn, axis=0, keepdims=True)

    @pl.when(blk == 0)
    def _():
        acc_ref[...] = jnp.zeros_like(acc_ref)

    acc_ref[...] += psum

    @pl.when(blk == (NLIG // BLK) - 1)
    def _():
        r = acc_ref[...] * (1.0 / NLIG)
        o1 = _silu(jnp.dot(r, rW1_ref[...],
                           preferred_element_type=jnp.float32) + rb1_ref[...])
        out_ref[...] = (jnp.dot(o1, rW2_ref[...],
                                preferred_element_type=jnp.float32) + rb2_ref[...])


def _conv3(h, a, bg, d2e, w1c, eW2, eb2, nWa, nWb, nb1, nW2, nb2,
           rW1, rb1, rW2, rb2):
    wspec = lambda s: pl.BlockSpec(s, lambda i: (0,) * len(s))
    return pl.pallas_call(
        _conv3_body,
        grid=(NLIG // BLK,),
        in_specs=[
            pl.BlockSpec((BLK, HID), lambda i: (i, 0)),
            pl.BlockSpec((BLK, HID), lambda i: (i, 0)),
            pl.BlockSpec((BLK * K, 2 * HID), lambda i: (i, 0)),
            pl.BlockSpec((BLK, K), lambda i: (i, 0)),
            wspec((1, 2 * HID)), wspec((2 * HID, HID)), wspec((1, HID)),
            wspec((HID, HID)), wspec((HID, HID)), wspec((1, HID)),
            wspec((HID, HID)), wspec((1, HID)),
            wspec((HID, HID)), wspec((1, HID)), wspec((HID, 1)), wspec((1, 1)),
        ],
        out_specs=[pl.BlockSpec((1, 1), lambda i: (0, 0))],
        out_shape=[jax.ShapeDtypeStruct((1, 1), jnp.float32)],
        scratch_shapes=[pltpu.VMEM((1, HID), jnp.float32)],
    )(h, a, bg, d2e, w1c, eW2, eb2, nWa, nWb, nb1, nW2, nb2,
      rW1, rb1, rW2, rb2)[0]


def kernel(lig_pos, lig_feat, prot_pos, prot_feat, t, params):
    p = params
    pos = jnp.concatenate([lig_pos, prot_pos], axis=0)
    pos8 = jnp.pad(pos, ((0, 0), (0, 5)))
    posT8 = pos8.T

    half = HID // 2
    freqs = jnp.exp(jnp.arange(half, dtype=jnp.float32)
                    * (-math.log(10000.0) / (half - 1)))
    emb = t[:, None] * freqs[None, :]
    semb = jnp.concatenate([jnp.sin(emb), jnp.cos(emb)], axis=-1)

    ligf = jnp.pad(lig_feat, ((0, 0), (0, 1)))
    ligW = jnp.pad(p['lig_W'], ((0, 1), (0, 0)))
    protf = jnp.pad(prot_feat, ((0, 0), (0, 8)))
    protW = jnp.pad(p['prot_W'], ((0, 8), (0, 0)))

    def esplit(l):
        W = p['c%d_eW1' % l]
        return (W[:HID], W[HID:2 * HID],
                jnp.pad(W[2 * HID:2 * HID + 1], ((0, 0), (0, HID))))

    def ew2pad(l):
        return jnp.pad(p['c%d_eW2' % l], ((0, HID), (0, 0)))

    def nsplit(l):
        W = p['c%d_nW1' % l]
        return W[:HID], W[HID:]

    r2 = lambda v: v.reshape(1, -1)

    nbrp, d2e = _build(pos8, posT8)
    idxflat = nbrp.reshape(-1)

    eWa1, eWb1, w1c1 = esplit(1)
    x, a1, b1 = _init(ligf, protf, semb,
                      ligW, r2(p['lig_b']), protW, r2(p['prot_b']),
                      p['tm_W1'], r2(p['tm_b1']), p['tm_W2'], r2(p['tm_b2']),
                      eWa1, r2(p['c1_eb1']), eWb1)

    eWa2, eWb2, w1c2 = esplit(2)
    eWa3, eWb3, w1c3 = esplit(3)
    nWa1, nWb1 = nsplit(1)
    nWa2, nWb2 = nsplit(2)
    nWa3, nWb3 = nsplit(3)

    bg1 = _gather(b1, idxflat, N)
    h2, a2, b2 = _conv(x, a1, bg1, d2e,
                       w1c1, ew2pad(1), r2(p['c1_eb2']),
                       nWa1, nWb1, r2(p['c1_nb1']), p['c1_nW2'], r2(p['c1_nb2']),
                       eWa2, r2(p['c2_eb1']), eWb2)

    bg2 = _gather(b2, idxflat, N)
    h3, a3, b3 = _conv(h2, a2, bg2, d2e,
                       w1c2, ew2pad(2), r2(p['c2_eb2']),
                       nWa2, nWb2, r2(p['c2_nb1']), p['c2_nW2'], r2(p['c2_nb2']),
                       eWa3, r2(p['c3_eb1']), eWb3)

    bg3 = _gather(b3, idxflat, NLIG)
    out = _conv3(h3, a3, bg3, d2e,
                 w1c3, ew2pad(3), r2(p['c3_eb2']),
                 nWa3, nWb3, r2(p['c3_nb1']), p['c3_nW2'], r2(p['c3_nb2']),
                 p['r_W1'], r2(p['r_b1']), p['r_W2'], r2(p['r_b2']))
    return out

# --- scband reference (transcript-rebuilt; emitter-appended) ---
"""Pipeline reference for scband-time-aware-affinity-predictor-47502338294067 (READ-ONLY COPY).

The authoritative reference and input builder live on the scoring server;
editing this copy changes nothing except your own understanding.
"""

import jax, jax.numpy as jnp
import numpy as np
import math

HID = 64
RADIUS = 5.0
MAXN = 32

def _silu(x):
    return x * jax.nn.sigmoid(x)

def _lin(k, fi, fo):
    W = jax.random.normal(k, (fi, fo), dtype=jnp.float32) / np.sqrt(fi)
    b = jnp.zeros((fo,), dtype=jnp.float32)
    return W, b

def setup_inputs(seed: int = 0):
    key = jax.random.key(seed)
    ks = jax.random.split(key, 32)
    N_LIG, N_PROT = 1024, 3072
    lig_pos = jax.random.uniform(ks[0], (N_LIG, 3), dtype=jnp.float32)
    lig_feat = jax.random.normal(ks[1], (N_LIG, 15), dtype=jnp.float32)
    prot_pos = jax.random.uniform(ks[2], (N_PROT, 3), dtype=jnp.float32)
    prot_feat = jax.random.normal(ks[3], (N_PROT, 8), dtype=jnp.float32)
    t = jax.random.uniform(ks[4], (1,), dtype=jnp.float32)
    p = {}
    p['lig_W'], p['lig_b'] = _lin(ks[5], 15, HID)
    p['prot_W'], p['prot_b'] = _lin(ks[6], 8, HID)
    p['tm_W1'], p['tm_b1'] = _lin(ks[7], HID, HID)
    p['tm_W2'], p['tm_b2'] = _lin(ks[8], HID, HID)
    ki = 9
    for l in (1, 2, 3):
        p['c%d_eW1' % l], p['c%d_eb1' % l] = _lin(ks[ki], 2 * HID + 1, HID); ki += 1
        p['c%d_eW2' % l], p['c%d_eb2' % l] = _lin(ks[ki], HID, HID); ki += 1
        p['c%d_nW1' % l], p['c%d_nb1' % l] = _lin(ks[ki], 2 * HID, HID); ki += 1
        p['c%d_nW2' % l], p['c%d_nb2' % l] = _lin(ks[ki], HID, HID); ki += 1
    p['r_W1'], p['r_b1'] = _lin(ks[ki], HID, HID); ki += 1
    p['r_W2'], p['r_b2'] = _lin(ks[ki], HID, 1)
    return {'lig_pos': lig_pos, 'lig_feat': lig_feat, 'prot_pos': prot_pos,
            'prot_feat': prot_feat, 't': t, 'params': p}

def _time_embedding(t, dim):
    half = dim // 2
    emb = math.log(10000.0) / (half - 1)
    emb = jnp.exp(jnp.arange(half, dtype=jnp.float32) * -emb)
    emb = t[:, None] * emb[None, :]
    return jnp.concatenate([jnp.sin(emb), jnp.cos(emb)], axis=-1)

def _build_edges(pos, r=RADIUS, max_neighbors=MAXN):
    # radius_graph(pos, r=5.0) with torch_cluster default max_num_neighbors=32,
    # emulated as nearest-32-within-radius via dense distances + top_k.
    d2 = jnp.sum((pos[:, None, :] - pos[None, :, :]) ** 2, axis=-1)
    valid = (d2 < r * r) & (d2 > 0.0)  # exclude self-loops
    neg = jnp.where(valid, -d2, -jnp.inf)
    vals, idx = jax.lax.top_k(neg, max_neighbors)
    mask = jnp.isfinite(vals).astype(jnp.float32)
    return idx, mask

def _egnn_conv(h, pos, nbr, mask, p, l):
    h_j = h[nbr]                                            # gather [N, 32, H]
    h_i = jnp.broadcast_to(h[:, None, :], h_j.shape)
    d2 = jnp.sum((pos[:, None, :] - pos[nbr]) ** 2, axis=-1, keepdims=True)
    e = jnp.concatenate([h_i, h_j, d2], axis=-1)
    m = _silu(e @ p['c%d_eW1' % l] + p['c%d_eb1' % l])
    m = _silu(m @ p['c%d_eW2' % l] + p['c%d_eb2' % l])
    agg = jnp.sum(m * mask[..., None], axis=1)              # masked scatter-add equivalent
    n_in = jnp.concatenate([h, agg], axis=-1)
    out = _silu(n_in @ p['c%d_nW1' % l] + p['c%d_nb1' % l])
    return out @ p['c%d_nW2' % l] + p['c%d_nb2' % l]

def _forward(lig_pos, lig_feat, prot_pos, prot_feat, t, params, nbr, mask):
    t_emb = _time_embedding(t, HID)
    t_emb = _silu(t_emb @ params['tm_W1'] + params['tm_b1']) @ params['tm_W2'] + params['tm_b2']
    x_lig = lig_feat @ params['lig_W'] + params['lig_b'] + t_emb
    x_prot = prot_feat @ params['prot_W'] + params['prot_b']
    x = jnp.concatenate([x_lig, x_prot], axis=0)
    pos = jnp.concatenate([lig_pos, prot_pos], axis=0)
    for l in (1, 2, 3):
        x = _egnn_conv(x, pos, nbr, mask, params, l)
    n_lig = lig_pos.shape[0]
    readout = jnp.mean(x[:n_lig], axis=0, keepdims=True)   # global_mean_pool, single graph
    h = _silu(readout @ params['r_W1'] + params['r_b1'])
    return h @ params['r_W2'] + params['r_b2']

def reference(lig_pos, lig_feat, prot_pos, prot_feat, t, params):
    pos = jnp.concatenate([lig_pos, prot_pos], axis=0)
    nbr, mask = _build_edges(pos)
    return _forward(lig_pos, lig_feat, prot_pos, prot_feat, t, params, nbr, mask)

if __name__ == "__main__":
    import jax
    _d = setup_inputs()
    print(jax.jit(kernel)(*tuple(_d.values())))

</pallas_src>

<mosaic_0001>
#map = affine_map<(d0, d1) -> (0, 0)>
#map1 = affine_map<(d0, d1) -> (0)>
module attributes {stable_mosaic.version = 14 : i64} {
  func.func @body(%arg0: i32, %arg1: i32, %arg2: memref<4096x128xf32, #tpu.memory_space<hbm>>, %arg3: memref<524288xi32, #tpu.memory_space<hbm>>, %arg4: memref<131072x128xf32, #tpu.memory_space<hbm>>, %arg5: memref<16384xi32, #tpu.memory_space<vmem>>, %arg6: memref<4096xi32, #tpu.memory_space<vmem>>, %arg7: memref<4x128x128xf32, #tpu.memory_space<vmem>>, %arg8: memref<!tpu.dma_semaphore, #tpu.memory_space<semaphore_mem>>, %arg9: memref<!tpu.dma_semaphore, #tpu.memory_space<semaphore_mem>>) attributes {dimension_semantics = [#tpu.dimension_semantics<core_parallel>, #tpu.dimension_semantics<subcore_parallel>], iteration_bounds = array<i64: 2, 16>, scalar_prefetch = 0 : i64, scratch_operands = 5 : i64, tpu.core_type = #tpu.core_type<sc_vector_subcore>, window_params = [{transform_indices = #map}, {transform_indices = #map1}, {transform_indices = #map}]} {
    %mul3A = arith.constant 2 : i32
    %mul3A_0 = arith.muli %arg1, %mul3A : i32
    %add3A = arith.addi %mul3A_0, %arg0 : i32
    %mul3A_1 = arith.constant 128 : i32
    %mul3A_2 = arith.muli %add3A, %mul3A_1 : i32
    %mul3A_3 = arith.constant 128 : i32
    %mul3A_4 = arith.muli %mul3A_2, %mul3A_3 : i32
    "tpu.region"() ({
      %run_scoped3A = tpu.sem_alloc : memref<!tpu.dma_semaphore, #tpu.memory_space<semaphore_mem>>
      %dma_start3A = arith.constant 0 : i32
      %dma_start3A_75 = tpu.memref_slice %arg5[%dma_start3A] : memref<16384xi32, #tpu.memory_space<vmem>> -> memref<16384xi32, #tpu.memory_space<vmem>>
      %dma_start3A_76 = tpu.memref_slice %arg3[%mul3A_4] : memref<524288xi32, #tpu.memory_space<hbm>> -> memref<16384xi32, #tpu.memory_space<hbm>>
      %dma_start3A_77 = arith.constant 0 : i32
      %dma_start3A_78 = tpu.memref_slice %arg5[%dma_start3A_77] : memref<16384xi32, #tpu.memory_space<vmem>> -> memref<16384xi32, #tpu.memory_space<vmem>>
      %dma_start3A_79 = tpu.memref_slice %arg3[%mul3A_4] : memref<524288xi32, #tpu.memory_space<hbm>> -> memref<16384xi32, #tpu.memory_space<hbm>>
      tpu.enqueue_dma source(%dma_start3A_79 : memref<16384xi32, #tpu.memory_space<hbm>>) target(%dma_start3A_78 : memref<16384xi32, #tpu.memory_space<vmem>>) target_semaphore(%run_scoped3A : memref<!tpu.dma_semaphore, #tpu.memory_space<semaphore_mem>>)
      %dma_wait3A_80 = arith.constant 0 : i32
      %dma_wait3A_81 = tpu.memref_slice %arg5[%dma_wait3A_80] : memref<16384xi32, #tpu.memory_space<vmem>> -> memref<16384xi32, #tpu.memory_space<vmem>>
      %dma_wait3A_82 = tpu.memref_slice %arg3[%mul3A_4] : memref<524288xi32, #tpu.memory_space<hbm>> -> memref<16384xi32, #tpu.memory_space<hbm>>
      %dma_wait3A_83 = arith.constant 0 : i32
      %dma_wait3A_84 = tpu.memref_slice %arg5[%dma_wait3A_83] : memref<16384xi32, #tpu.memory_space<vmem>> -> memref<16384xi32, #tpu.memory_space<vmem>>
      %dma_wait3A_85 = tpu.memref_slice %arg3[%mul3A_4] : memref<524288xi32, #tpu.memory_space<hbm>> -> memref<16384xi32, #tpu.memory_space<hbm>>
      tpu.wait_dma2 semaphore(%run_scoped3A : memref<!tpu.dma_semaphore, #tpu.memory_space<semaphore_mem>>) src(%dma_wait3A_85 : memref<16384xi32, #tpu.memory_space<hbm>>) dst(%dma_wait3A_84 : memref<16384xi32, #tpu.memory_space<vmem>>)
      tpu.yield
    }) : () -> ()
    %scan3A = arith.constant 0 : i32
    %scan3A_5 = arith.constant 0 : i32
    %scan3A_6 = arith.constant 128 : i32
    %scan3A_7 = arith.addi %scan3A_5, %scan3A_6 : i32
    %scan3A_8 = arith.constant 1 : i32
    scf.for %scan3A_75 = %scan3A_5 to %scan3A_7 step %scan3A_8  : i32 {
      %mul3A_76 = arith.constant 128 : i32
      %mul3A_77 = arith.muli %scan3A_75, %mul3A_76 : i32
      %add3A_78 = arith.constant 0 : i32
      %add3A_79 = arith.addi %mul3A_77, %add3A_78 : i32
      %get3A = arith.index_cast %add3A_79 : i32 to index
      %get3A_80 = tpu.vector_load %arg5[%get3A] {strides = array<i32>} : memref<16384xi32, #tpu.memory_space<vmem>>, vector<16xi32>,
      %get3A_81 = vector.shape_cast %get3A_80 : vector<16xi32> to vector<16xi32>
      %mul3A_82 = arith.constant 32 : i32
      %mul3A_83 = arith.muli %scan3A_75, %mul3A_82 : i32
      %add3A_84 = arith.constant 0 : i32
      %add3A_85 = arith.addi %mul3A_83, %add3A_84 : i32
      %swap3A = arith.index_cast %add3A_85 : i32 to index
      %swap3A_86 = tpu.vector_load %arg6[%swap3A] {strides = array<i32>} : memref<4096xi32, #tpu.memory_space<vmem>>, vector<16xi32>,
      %swap3A_87 = vector.shape_cast %swap3A_86 : vector<16xi32> to vector<16xi32>
      %swap3A_88 = vector.shape_cast %get3A_81 : vector<16xi32> to vector<16xi32>
      tpu.vector_store %arg6[%swap3A], %swap3A_88 {strides = array<i32>} : memref<4096xi32, #tpu.memory_space<vmem>>, vector<16xi32>,
      %mul3A_89 = arith.constant 128 : i32
      %mul3A_90 = arith.muli %scan3A_75, %mul3A_89 : i32
      %add3A_91 = arith.constant 16 : i32
      %add3A_92 = arith.addi %mul3A_90, %add3A_91 : i32
      %get3A_93 = arith.index_cast %add3A_92 : i32 to index
      %get3A_94 = tpu.vector_load %arg5[%get3A_93] {strides = array<i32>} : memref<16384xi32, #tpu.memory_space<vmem>>, vector<16xi32>,
      %get3A_95 = vector.shape_cast %get3A_94 : vector<16xi32> to vector<16xi32>
      %mul3A_96 = arith.constant 32 : i32
      %mul3A_97 = arith.muli %scan3A_75, %mul3A_96 : i32
      %add3A_98 = arith.constant 16 : i32
      %add3A_99 = arith.addi %mul3A_97, %add3A_98 : i32
      %swap3A_100 = arith.index_cast %add3A_99 : i32 to index
      %swap3A_101 = tpu.vector_load %arg6[%swap3A_100] {strides = array<i32>} : memref<4096xi32, #tpu.memory_space<vmem>>, vector<16xi32>,
      %swap3A_102 = vector.shape_cast %swap3A_101 : vector<16xi32> to vector<16xi32>
      %swap3A_103 = vector.shape_cast %get3A_95 : vector<16xi32> to vector<16xi32>
      tpu.vector_store %arg6[%swap3A_100], %swap3A_103 {strides = array<i32>} : memref<4096xi32, #tpu.memory_space<vmem>>, vector<16xi32>,
    }
    %scan3A_9 = arith.constant 128 : i32
    %scan3A_10 = arith.constant 0 : i32
    %scan3A_11 = arith.constant 0 : i32
    %scan3A_12 = arith.constant 8 : i32
    %scan3A_13 = arith.addi %scan3A_11, %scan3A_12 : i32
    %scan3A_14 = arith.constant 1 : i32
    scf.for %scan3A_75 = %scan3A_11 to %scan3A_13 step %scan3A_14  : i32 {
      %gt3A = arith.constant 0 : i32
      %gt3A_76 = arith.cmpi sgt, %scan3A_75, %gt3A : i32
      %convert_element_type3A = arith.extui %gt3A_76 : i1 to i32
      %cond3A = arith.constant 0 : i32
      %cond3A_77 = arith.cmpi ne, %convert_element_type3A, %cond3A : i32
      scf.if %cond3A_77 {
        %dma_wait3A_261 = arith.constant 0 : i32
        %dma_wait3A_262 = arith.constant 0 : i32
        %dma_wait3A_263 = arith.constant 0 : i32
        %dma_wait3A_264 = tpu.memref_slice %arg7[%dma_wait3A_261, %dma_wait3A_262, %dma_wait3A_263] : memref<4x128x128xf32, #tpu.memory_space<vmem>> -> memref<1x128x128xf32, #tpu.memory_space<vmem>>
        %dma_wait3A_265 = tpu.memref_squeeze %dma_wait3A_264 : memref<1x128x128xf32, #tpu.memory_space<vmem>> -> memref<128x128xf32, #tpu.memory_space<vmem>>
        %dma_wait3A_266 = arith.constant 0 : i32
        %dma_wait3A_267 = arith.constant 0 : i32
        %dma_wait3A_268 = tpu.memref_slice %arg4[%dma_wait3A_266, %dma_wait3A_267] : memref<131072x128xf32, #tpu.memory_space<hbm>> -> memref<128x128xf32, #tpu.memory_space<hbm>>
        %dma_wait3A_269 = arith.constant 0 : i32
        %dma_wait3A_270 = arith.constant 0 : i32
        %dma_wait3A_271 = tpu.memref_slice %arg4[%dma_wait3A_269, %dma_wait3A_270] : memref<131072x128xf32, #tpu.memory_space<hbm>> -> memref<128x128xf32, #tpu.memory_space<hbm>>
        %dma_wait3A_272 = arith.constant 0 : i32
        %dma_wait3A_273 = arith.constant 0 : i32
        %dma_wait3A_274 = tpu.memref_slice %arg7[%dma_wait3A_261, %dma_wait3A_272, %dma_wait3A_273] : memref<4x128x128xf32, #tpu.memory_space<vmem>> -> memref<1x128x128xf32, #tpu.memory_space<vmem>>
        %dma_wait3A_275 = tpu.memref_squeeze %dma_wait3A_274 : memref<1x128x128xf32, #tpu.memory_space<vmem>> -> memref<128x128xf32, #tpu.memory_space<vmem>>
        tpu.wait_dma2 semaphore(%arg9 : memref<!tpu.dma_semaphore, #tpu.memory_space<semaphore_mem>>) src(%dma_wait3A_275 : memref<128x128xf32, #tpu.memory_space<vmem>>) dst(%dma_wait3A_271 : memref<128x128xf32, #tpu.memory_space<hbm>>)
        %dma_wait3A_276 = arith.constant 1 : i32
        %dma_wait3A_277 = arith.constant 0 : i32
        %dma_wait3A_278 = arith.constant 0 : i32
        %dma_wait3A_279 = tpu.memref_slice %arg7[%dma_wait3A_276, %dma_wait3A_277, %dma_wait3A_278] : memref<4x128x128xf32, #tpu.memory_space<vmem>> -> memref<1x128x128xf32, #tpu.memory_space<vmem>>
        %dma_wait3A_280 = tpu.memref_squeeze %dma_wait3A_279 : memref<1x128x128xf32, #tpu.memory_space<vmem>> -> memref<128x128xf32, #tpu.memory_space<vmem>>
        %dma_wait3A_281 = arith.constant 0 : i32
        %dma_wait3A_282 = arith.constant 0 : i32
        %dma_wait3A_283 = tpu.memref_slice %arg4[%dma_wait3A_281, %dma_wait3A_282] : memref<131072x128xf32, #tpu.memory_space<hbm>> -> memref<128x128xf32, #tpu.memory_space<hbm>>
        %dma_wait3A_284 = arith.constant 0 : i32
        %dma_wait3A_285 = arith.constant 0 : i32
        %dma_wait3A_286 = tpu.memref_slice %arg4[%dma_wait3A_284, %dma_wait3A_285] : memref<131072x128xf32, #tpu.memory_space<hbm>> -> memref<128x128xf32, #tpu.memory_space<hbm>>
        %dma_wait3A_287 = arith.constant 0 : i32
        %dma_wait3A_288 = arith.constant 0 : i32
        %dma_wait3A_289 = tpu.memref_slice %arg7[%dma_wait3A_276, %dma_wait3A_287, %dma_wait3A_288] : memref<4x128x128xf32, #tpu.memory_space<vmem>> -> memref<1x128x128xf32, #tpu.memory_space<vmem>>
        %dma_wait3A_290 = tpu.memref_squeeze %dma_wait3A_289 : memref<1x128x128xf32, #tpu.memory_space<vmem>> -> memref<128x128xf32, #tpu.memory_space<vmem>>
        tpu.wait_dma2 semaphore(%arg9 : memref<!tpu.dma_semaphore, #tpu.memory_space<semaphore_mem>>) src(%dma_wait3A_290 : memref<128x128xf32, #tpu.memory_space<vmem>>) dst(%dma_wait3A_286 : memref<128x128xf32, #tpu.memory_space<hbm>>)
        %dma_wait3A_291 = arith.constant 2 : i32
        %dma_wait3A_292 = arith.constant 0 : i32
        %dma_wait3A_293 = arith.constant 0 : i32
        %dma_wait3A_294 = tpu.memref_slice %arg7[%dma_wait3A_291, %dma_wait3A_292, %dma_wait3A_293] : memref<4x128x128xf32, #tpu.memory_space<vmem>> -> memref<1x128x128xf32, #tpu.memory_space<vmem>>
        %dma_wait3A_295 = tpu.memref_squeeze %dma_wait3A_294 : memref<1x128x128xf32, #tpu.memory_space<vmem>> -> memref<128x128xf32, #tpu.memory_space<vmem>>
        %dma_wait3A_296 = arith.constant 0 : i32
        %dma_wait3A_297 = arith.constant 0 : i32
        %dma_wait3A_298 = tpu.memref_slice %arg4[%dma_wait3A_296, %dma_wait3A_297] : memref<131072x128xf32, #tpu.memory_space<hbm>> -> memref<128x128xf32, #tpu.memory_space<hbm>>
        %dma_wait3A_299 = arith.constant 0 : i32
        %dma_wait3A_300 = arith.constant 0 : i32
        %dma_wait3A_301 = tpu.memref_slice %arg4[%dma_wait3A_299, %dma_wait3A_300] : memref<131072x128xf32, #tpu.memory_space<hbm>> -> memref<128x128xf32, #tpu.memory_space<hbm>>
        %dma_wait3A_302 = arith.constant 0 : i32
        %dma_wait3A_303 = arith.constant 0 : i32
        %dma_wait3A_304 = tpu.memref_slice %arg7[%dma_wait3A_291, %dma_wait3A_302, %dma_wait3A_303] : memref<4x128x128xf32, #tpu.memory_space<vmem>> -> memref<1x128x128xf32, #tpu.memory_space<vmem>>
        %dma_wait3A_305 = tpu.memref_squeeze %dma_wait3A_304 : memref<1x128x128xf32, #tpu.memory_space<vmem>> -> memref<128x128xf32, #tpu.memory_space<vmem>>
        tpu.wait_dma2 semaphore(%arg9 : memref<!tpu.dma_semaphore, #tpu.memory_space<semaphore_mem>>) src(%dma_wait3A_305 : memref<128x128xf32, #tpu.memory_space<vmem>>) dst(%dma_wait3A_301 : memref<128x128xf32, #tpu.memory_space<hbm>>)
        %dma_wait3A_306 = arith.constant 3 : i32
        %dma_wait3A_307 = arith.constant 0 : i32
        %dma_wait3A_308 = arith.constant 0 : i32
        %dma_wait3A_309 = tpu.memref_slice %arg7[%dma_wait3A_306, %dma_wait3A_307, %dma_wait3A_308] : memref<4x128x128xf32, #tpu.memory_space<vmem>> -> memref<1x128x128xf32, #tpu.memory_space<vmem>>
        %dma_wait3A_310 = tpu.memref_squeeze %dma_wait3A_309 : memref<1x128x128xf32, #tpu.memory_space<vmem>> -> memref<128x128xf32, #tpu.memory_space<vmem>>
        %dma_wait3A_311 = arith.constant 0 : i32
        %dma_wait3A_312 = arith.constant 0 : i32
        %dma_wait3A_313 = tpu.memref_slice %arg4[%dma_wait3A_311, %dma_wait3A_312] : memref<131072x128xf32, #tpu.memory_space<hbm>> -> memref<128x128xf32, #tpu.memory_space<hbm>>
        %dma_wait3A_314 = arith.constant 0 : i32
        %dma_wait3A_315 = arith.constant 0 : i32
        %dma_wait3A_316 = tpu.memref_slice %arg4[%dma_wait3A_314, %dma_wait3A_315] : memref<131072x128xf32, #tpu.memory_space<hbm>> -> memref<128x128xf32, #tpu.memory_space<hbm>>
        %dma_wait3A_317 = arith.constant 0 : i32
        %dma_wait3A_318 = arith.constant 0 : i32
        %dma_wait3A_319 = tpu.memref_slice %arg7[%dma_wait3A_306, %dma_wait3A_317, %dma_wait3A_318] : memref<4x128x128xf32, #tpu.memory_space<vmem>> -> memref<1x128x128xf32, #tpu.memory_space<vmem>>
        %dma_wait3A_320 = tpu.memref_squeeze %dma_wait3A_319 : memref<1x128x128xf32, #tpu.memory_space<vmem>> -> memref<128x128xf32, #tpu.memory_space<vmem>>
        tpu.wait_dma2 semaphore(%arg9 : memref<!tpu.dma_semaphore, #tpu.memory_space<semaphore_mem>>) src(%dma_wait3A_320 : memref<128x128xf32, #tpu.memory_space<vmem>>) dst(%dma_wait3A_316 : memref<128x128xf32, #tpu.memory_space<hbm>>)
      } else {
      }
      %mul3A_78 = arith.constant 4 : i32
      %mul3A_79 = arith.muli %scan3A_75, %mul3A_78 : i32
      %add3A_80 = arith.constant 0 : i32
      %add3A_81 = arith.addi %mul3A_79, %add3A_80 : i32
      %mul3A_82 = arith.constant 128 : i32
      %mul3A_83 = arith.muli %add3A_81, %mul3A_82 : i32
      %dma_start3A = arith.constant 0 : i32
      %dma_start3A_84 = arith.constant 0 : i32
      %dma_start3A_85 = arith.constant 0 : i32
      %dma_start3A_86 = tpu.memref_slice %arg7[%dma_start3A, %dma_start3A_84, %dma_start3A_85] : memref<4x128x128xf32, #tpu.memory_space<vmem>> -> memref<1x128x128xf32, #tpu.memory_space<vmem>>
      %dma_start3A_87 = tpu.memref_squeeze %dma_start3A_86 : memref<1x128x128xf32, #tpu.memory_space<vmem>> -> memref<128x128xf32, #tpu.memory_space<vmem>>
      %dma_start3A_88 = tpu.memref_slice %arg6[%mul3A_83] : memref<4096xi32, #tpu.memory_space<vmem>> -> memref<128xi32, #tpu.memory_space<vmem>>
      %dma_start3A_89 = arith.constant 0 : i32
      %dma_start3A_90 = arith.constant 0 : i32
      %dma_start3A_91 = tpu.memref_slice %arg2[%dma_start3A_89, %dma_start3A_90] : memref<4096x128xf32, #tpu.memory_space<hbm>> -> memref<4096x128xf32, #tpu.memory_space<hbm>>
      tpu.enqueue_indirect_dma source(%dma_start3A_91 : memref<4096x128xf32, #tpu.memory_space<hbm>>) target(%dma_start3A_87 : memref<128x128xf32, #tpu.memory_space<vmem>>) offsets(%dma_start3A_88 : memref<128xi32, #tpu.memory_space<vmem>>) semaphore(%arg8 : memref<!tpu.dma_semaphore, #tpu.memory_space<semaphore_mem>>)
      %mul3A_92 = arith.constant 4 : i32
      %mul3A_93 = arith.muli %scan3A_75, %mul3A_92 : i32
      %add3A_94 = arith.constant 1 : i32
      %add3A_95 = arith.addi %mul3A_93, %add3A_94 : i32
      %mul3A_96 = arith.constant 128 : i32
      %mul3A_97 = arith.muli %add3A_95, %mul3A_96 : i32
      %dma_start3A_98 = arith.constant 1 : i32
      %dma_start3A_99 = arith.constant 0 : i32
      %dma_start3A_100 = arith.constant 0 : i32
      %dma_start3A_101 = tpu.memref_slice %arg7[%dma_start3A_98, %dma_start3A_99, %dma_start3A_100] : memref<4x128x128xf32, #tpu.memory_space<vmem>> -> memref<1x128x128xf32, #tpu.memory_space<vmem>>
      %dma_start3A_102 = tpu.memref_squeeze %dma_start3A_101 : memref<1x128x128xf32, #tpu.memory_space<vmem>> -> memref<128x128xf32, #tpu.memory_space<vmem>>
      %dma_start3A_103 = tpu.memref_slice %arg6[%mul3A_97] : memref<4096xi32, #tpu.memory_space<vmem>> -> memref<128xi32, #tpu.memory_space<vmem>>
      %dma_start3A_104 = arith.constant 0 : i32
      %dma_start3A_105 = arith.constant 0 : i32
      %dma_start3A_106 = tpu.memref_slice %arg2[%dma_start3A_104, %dma_start3A_105] : memref<4096x128xf32, #tpu.memory_space<hbm>> -> memref<4096x128xf32, #tpu.memory_space<hbm>>
      tpu.enqueue_indirect_dma source(%dma_start3A_106 : memref<4096x128xf32, #tpu.memory_space<hbm>>) target(%dma_start3A_102 : memref<128x128xf32, #tpu.memory_space<vmem>>) offsets(%dma_start3A_103 : memref<128xi32, #tpu.memory_space<vmem>>) semaphore(%arg8 : memref<!tpu.dma_semaphore, #tpu.memory_space<semaphore_mem>>)
      %mul3A_107 = arith.constant 4 : i32
      %mul3A_108 = arith.muli %scan3A_75, %mul3A_107 : i32
      %add3A_109 = arith.constant 2 : i32
      %add3A_110 = arith.addi %mul3A_108, %add3A_109 : i32
      %mul3A_111 = arith.constant 128 : i32
      %mul3A_112 = arith.muli %add3A_110, %mul3A_111 : i32
      %dma_start3A_113 = arith.constant 2 : i32
      %dma_start3A_114 = arith.constant 0 : i32
      %dma_start3A_115 = arith.constant 0 : i32
      %dma_start3A_116 = tpu.memref_slice %arg7[%dma_start3A_113, %dma_start3A_114, %dma_start3A_115] : memref<4x128x128xf32, #tpu.memory_space<vmem>> -> memref<1x128x128xf32, #tpu.memory_space<vmem>>
      %dma_start3A_117 = tpu.memref_squeeze %dma_start3A_116 : memref<1x128x128xf32, #tpu.memory_space<vmem>> -> memref<128x128xf32, #tpu.memory_space<vmem>>
      %dma_start3A_118 = tpu.memref_slice %arg6[%mul3A_112] : memref<4096xi32, #tpu.memory_space<vmem>> -> memref<128xi32, #tpu.memory_space<vmem>>
      %dma_start3A_119 = arith.constant 0 : i32
      %dma_start3A_120 = arith.constant 0 : i32
      %dma_start3A_121 = tpu.memref_slice %arg2[%dma_start3A_119, %dma_start3A_120] : memref<4096x128xf32, #tpu.memory_space<hbm>> -> memref<4096x128xf32, #tpu.memory_space<hbm>>
      tpu.enqueue_indirect_dma source(%dma_start3A_121 : memref<4096x128xf32, #tpu.memory_space<hbm>>) target(%dma_start3A_117 : memref<128x128xf32, #tpu.memory_space<vmem>>) offsets(%dma_start3A_118 : memref<128xi32, #tpu.memory_space<vmem>>) semaphore(%arg8 : memref<!tpu.dma_semaphore, #tpu.memory_space<semaphore_mem>>)
      %mul3A_122 = arith.constant 4 : i32
      %mul3A_123 = arith.muli %scan3A_75, %mul3A_122 : i32
      %add3A_124 = arith.constant 3 : i32
      %add3A_125 = arith.addi %mul3A_123, %add3A_124 : i32
      %mul3A_126 = arith.constant 128 : i32
      %mul3A_127 = arith.muli %add3A_125, %mul3A_126 : i32
      %dma_start3A_128 = arith.constant 3 : i32
      %dma_start3A_129 = arith.constant 0 : i32
      %dma_start3A_130 = arith.constant 0 : i32
      %dma_start3A_131 = tpu.memref_slice %arg7[%dma_start3A_128, %dma_start3A_129, %dma_start3A_130] : memref<4x128x128xf32, #tpu.memory_space<vmem>> -> memref<1x128x128xf32, #tpu.memory_space<vmem>>
      %dma_start3A_132 = tpu.memref_squeeze %dma_start3A_131 : memref<1x128x128xf32, #tpu.memory_space<vmem>> -> memref<128x128xf32, #tpu.memory_space<vmem>>
      %dma_start3A_133 = tpu.memref_slice %arg6[%mul3A_127] : memref<4096xi32, #tpu.memory_space<vmem>> -> memref<128xi32, #tpu.memory_space<vmem>>
      %dma_start3A_134 = arith.constant 0 : i32
      %dma_start3A_135 = arith.constant 0 : i32
      %dma_start3A_136 = tpu.memref_slice %arg2[%dma_start3A_134, %dma_start3A_135] : memref<4096x128xf32, #tpu.memory_space<hbm>> -> memref<4096x128xf32, #tpu.memory_space<hbm>>
      tpu.enqueue_indirect_dma source(%dma_start3A_136 : memref<4096x128xf32, #tpu.memory_space<hbm>>) target(%dma_start3A_132 : memref<128x128xf32, #tpu.memory_space<vmem>>) offsets(%dma_start3A_133 : memref<128xi32, #tpu.memory_space<vmem>>) semaphore(%arg8 : memref<!tpu.dma_semaphore, #tpu.memory_space<semaphore_mem>>)
      %dma_wait3A_137 = arith.constant 0 : i32
      %dma_wait3A_138 = arith.constant 0 : i32
      %dma_wait3A_139 = arith.constant 0 : i32
      %dma_wait3A_140 = tpu.memref_slice %arg7[%dma_wait3A_137, %dma_wait3A_138, %dma_wait3A_139] : memref<4x128x128xf32, #tpu.memory_space<vmem>> -> memref<1x128x128xf32, #tpu.memory_space<vmem>>
      %dma_wait3A_141 = tpu.memref_squeeze %dma_wait3A_140 : memref<1x128x128xf32, #tpu.memory_space<vmem>> -> memref<128x128xf32, #tpu.memory_space<vmem>>
      %dma_wait3A_142 = tpu.memref_slice %arg6[%mul3A_83] : memref<4096xi32, #tpu.memory_space<vmem>> -> memref<128xi32, #tpu.memory_space<vmem>>
      %dma_wait3A_143 = arith.constant 0 : i32
      %dma_wait3A_144 = arith.constant 0 : i32
      %dma_wait3A_145 = tpu.memref_slice %arg2[%dma_wait3A_143, %dma_wait3A_144] : memref<4096x128xf32, #tpu.memory_space<hbm>> -> memref<4096x128xf32, #tpu.memory_space<hbm>>
      tpu.wait_indirect_dma semaphore(%arg8 : memref<!tpu.dma_semaphore, #tpu.memory_space<semaphore_mem>>) src(%dma_wait3A_145 : memref<4096x128xf32, #tpu.memory_space<hbm>>) dst(%dma_wait3A_141 : memref<128x128xf32, #tpu.memory_space<vmem>>)
      %dma_wait3A_146 = arith.constant 1 : i32
      %dma_wait3A_147 = arith.constant 0 : i32
      %dma_wait3A_148 = arith.constant 0 : i32
      %dma_wait3A_149 = tpu.memref_slice %arg7[%dma_wait3A_146, %dma_wait3A_147, %dma_wait3A_148] : memref<4x128x128xf32, #tpu.memory_space<vmem>> -> memref<1x128x128xf32, #tpu.memory_space<vmem>>
      %dma_wait3A_150 = tpu.memref_squeeze %dma_wait3A_149 : memref<1x128x128xf32, #tpu.memory_space<vmem>> -> memref<128x128xf32, #tpu.memory_space<vmem>>
      %dma_wait3A_151 = tpu.memref_slice %arg6[%mul3A_97] : memref<4096xi32, #tpu.memory_space<vmem>> -> memref<128xi32, #tpu.memory_space<vmem>>
      %dma_wait3A_152 = arith.constant 0 : i32
      %dma_wait3A_153 = arith.constant 0 : i32
      %dma_wait3A_154 = tpu.memref_slice %arg2[%dma_wait3A_152, %dma_wait3A_153] : memref<4096x128xf32, #tpu.memory_space<hbm>> -> memref<4096x128xf32, #tpu.memory_space<hbm>>
      tpu.wait_indirect_dma semaphore(%arg8 : memref<!tpu.dma_semaphore, #tpu.memory_space<semaphore_mem>>) src(%dma_wait3A_154 : memref<4096x128xf32, #tpu.memory_space<hbm>>) dst(%dma_wait3A_150 : memref<128x128xf32, #tpu.memory_space<vmem>>)
      %dma_wait3A_155 = arith.constant 2 : i32
      %dma_wait3A_156 = arith.constant 0 : i32
      %dma_wait3A_157 = arith.constant 0 : i32
      %dma_wait3A_158 = tpu.memref_slice %arg7[%dma_wait3A_155, %dma_wait3A_156, %dma_wait3A_157] : memref<4x128x128xf32, #tpu.memory_space<vmem>> -> memref<1x128x128xf32, #tpu.memory_space<vmem>>
      %dma_wait3A_159 = tpu.memref_squeeze %dma_wait3A_158 : memref<1x128x128xf32, #tpu.memory_space<vmem>> -> memref<128x128xf32, #tpu.memory_space<vmem>>
      %dma_wait3A_160 = tpu.memref_slice %arg6[%mul3A_112] : memref<4096xi32, #tpu.memory_space<vmem>> -> memref<128xi32, #tpu.memory_space<vmem>>
      %dma_wait3A_161 = arith.constant 0 : i32
      %dma_wait3A_162 = arith.constant 0 : i32
      %dma_wait3A_163 = tpu.memref_slice %arg2[%dma_wait3A_161, %dma_wait3A_162] : memref<4096x128xf32, #tpu.memory_space<hbm>> -> memref<4096x128xf32, #tpu.memory_space<hbm>>
      tpu.wait_indirect_dma semaphore(%arg8 : memref<!tpu.dma_semaphore, #tpu.memory_space<semaphore_mem>>) src(%dma_wait3A_163 : memref<4096x128xf32, #tpu.memory_space<hbm>>) dst(%dma_wait3A_159 : memref<128x128xf32, #tpu.memory_space<vmem>>)
      %dma_wait3A_164 = arith.constant 3 : i32
      %dma_wait3A_165 = arith.constant 0 : i32
      %dma_wait3A_166 = arith.constant 0 : i32
      %dma_wait3A_167 = tpu.memref_slice %arg7[%dma_wait3A_164, %dma_wait3A_165, %dma_wait3A_166] : memref<4x128x128xf32, #tpu.memory_space<vmem>> -> memref<1x128x128xf32, #tpu.memory_space<vmem>>
      %dma_wait3A_168 = tpu.memref_squeeze %dma_wait3A_167 : memref<1x128x128xf32, #tpu.memory_space<vmem>> -> memref<128x128xf32, #tpu.memory_space<vmem>>
      %dma_wait3A_169 = tpu.memref_slice %arg6[%mul3A_127] : memref<4096xi32, #tpu.memory_space<vmem>> -> memref<128xi32, #tpu.memory_space<vmem>>
      %dma_wait3A_170 = arith.constant 0 : i32
      %dma_wait3A_171 = arith.constant 0 : i32
      %dma_wait3A_172 = tpu.memref_slice %arg2[%dma_wait3A_170, %dma_wait3A_171] : memref<4096x128xf32, #tpu.memory_space<hbm>> -> memref<4096x128xf32, #tpu.memory_space<hbm>>
      tpu.wait_indirect_dma semaphore(%arg8 : memref<!tpu.dma_semaphore, #tpu.memory_space<semaphore_mem>>) src(%dma_wait3A_172 : memref<4096x128xf32, #tpu.memory_space<hbm>>) dst(%dma_wait3A_168 : memref<128x128xf32, #tpu.memory_space<vmem>>)
      %mul3A_173 = arith.constant 4 : i32
      %mul3A_174 = arith.muli %scan3A_75, %mul3A_173 : i32
      %add3A_175 = arith.constant 0 : i32
      %add3A_176 = arith.addi %mul3A_174, %add3A_175 : i32
      %mul3A_177 = arith.constant 128 : i32
      %mul3A_178 = arith.muli %add3A_176, %mul3A_177 : i32
      %mul3A_179 = arith.constant 32 : i32
      %mul3A_180 = arith.muli %mul3A_2, %mul3A_179 : i32
      %add3A_181 = arith.addi %mul3A_180, %mul3A_178 : i32
      %dma_start3A_182 = arith.constant 0 : i32
      %dma_start3A_183 = arith.constant 0 : i32
      %dma_start3A_184 = arith.constant 0 : i32
      %dma_start3A_185 = tpu.memref_slice %arg7[%dma_start3A_182, %dma_start3A_183, %dma_start3A_184] : memref<4x128x128xf32, #tpu.memory_space<vmem>> -> memref<1x128x128xf32, #tpu.memory_space<vmem>>
      %dma_start3A_186 = tpu.memref_squeeze %dma_start3A_185 : memref<1x128x128xf32, #tpu.memory_space<vmem>> -> memref<128x128xf32, #tpu.memory_space<vmem>>
      %dma_start3A_187 = arith.constant 0 : i32
      %dma_start3A_188 = tpu.memref_slice %arg4[%add3A_181, %dma_start3A_187] : memref<131072x128xf32, #tpu.memory_space<hbm>> -> memref<128x128xf32, #tpu.memory_space<hbm>>
      %dma_start3A_189 = arith.constant 0 : i32
      %dma_start3A_190 = tpu.memref_slice %arg4[%add3A_181, %dma_start3A_189] : memref<131072x128xf32, #tpu.memory_space<hbm>> -> memref<128x128xf32, #tpu.memory_space<hbm>>
      %dma_start3A_191 = arith.constant 0 : i32
      %dma_start3A_192 = arith.constant 0 : i32
      %dma_start3A_193 = tpu.memref_slice %arg7[%dma_start3A_182, %dma_start3A_191, %dma_start3A_192] : memref<4x128x128xf32, #tpu.memory_space<vmem>> -> memref<1x128x128xf32, #tpu.memory_space<vmem>>
      %dma_start3A_194 = tpu.memref_squeeze %dma_start3A_193 : memref<1x128x128xf32, #tpu.memory_space<vmem>> -> memref<128x128xf32, #tpu.memory_space<vmem>>
      tpu.enqueue_dma source(%dma_start3A_194 : memref<128x128xf32, #tpu.memory_space<vmem>>) target(%dma_start3A_190 : memref<128x128xf32, #tpu.memory_space<hbm>>) target_semaphore(%arg9 : memref<!tpu.dma_semaphore, #tpu.memory_space<semaphore_mem>>)
      %mul3A_195 = arith.constant 4 : i32
      %mul3A_196 = arith.muli %scan3A_75, %mul3A_195 : i32
      %add3A_197 = arith.constant 1 : i32
      %add3A_198 = arith.addi %mul3A_196, %add3A_197 : i32
      %mul3A_199 = arith.constant 128 : i32
      %mul3A_200 = arith.muli %add3A_198, %mul3A_199 : i32
      %mul3A_201 = arith.constant 32 : i32
      %mul3A_202 = arith.muli %mul3A_2, %mul3A_201 : i32
      %add3A_203 = arith.addi %mul3A_202, %mul3A_200 : i32
      %dma_start3A_204 = arith.constant 1 : i32
      %dma_start3A_205 = arith.constant 0 : i32
      %dma_start3A_206 = arith.constant 0 : i32
      %dma_start3A_207 = tpu.memref_slice %arg7[%dma_start3A_204, %dma_start3A_205, %dma_start3A_206] : memref<4x128x128xf32, #tpu.memory_space<vmem>> -> memref<1x128x128xf32, #tpu.memory_space<vmem>>
      %dma_start3A_208 = tpu.memref_squeeze %dma_start3A_207 : memref<1x128x128xf32, #tpu.memory_space<vmem>> -> memref<128x128xf32, #tpu.memory_space<vmem>>
      %dma_start3A_209 = arith.constant 0 : i32
      %dma_start3A_210 = tpu.memref_slice %arg4[%add3A_203, %dma_start3A_209] : memref<131072x128xf32, #tpu.memory_space<hbm>> -> memref<128x128xf32, #tpu.memory_space<hbm>>
      %dma_start3A_211 = arith.constant 0 : i32
      %dma_start3A_212 = tpu.memref_slice %arg4[%add3A_203, %dma_start3A_211] : memref<131072x128xf32, #tpu.memory_space<hbm>> -> memref<128x128xf32, #tpu.memory_space<hbm>>
      %dma_start3A_213 = arith.constant 0 : i32
      %dma_start3A_214 = arith.constant 0 : i32
      %dma_start3A_215 = tpu.memref_slice %arg7[%dma_start3A_204, %dma_start3A_213, %dma_start3A_214] : memref<4x128x128xf32, #tpu.memory_space<vmem>> -> memref<1x128x128xf32, #tpu.memory_space<vmem>>
      %dma_start3A_216 = tpu.memref_squeeze %dma_start3A_215 : memref<1x128x128xf32, #tpu.memory_space<vmem>> -> memref<128x128xf32, #tpu.memory_space<vmem>>
      tpu.enqueue_dma source(%dma_start3A_216 : memref<128x128xf32, #tpu.memory_space<vmem>>) target(%dma_start3A_212 : memref<128x128xf32, #tpu.memory_space<hbm>>) target_semaphore(%arg9 : memref<!tpu.dma_semaphore, #tpu.memory_space<semaphore_mem>>)
      %mul3A_217 = arith.constant 4 : i32
      %mul3A_218 = arith.muli %scan3A_75, %mul3A_217 : i32
      %add3A_219 = arith.constant 2 : i32
      %add3A_220 = arith.addi %mul3A_218, %add3A_219 : i32
      %mul3A_221 = arith.constant 128 : i32
      %mul3A_222 = arith.muli %add3A_220, %mul3A_221 : i32
      %mul3A_223 = arith.constant 32 : i32
      %mul3A_224 = arith.muli %mul3A_2, %mul3A_223 : i32
      %add3A_225 = arith.addi %mul3A_224, %mul3A_222 : i32
      %dma_start3A_226 = arith.constant 2 : i32
      %dma_start3A_227 = arith.constant 0 : i32
      %dma_start3A_228 = arith.constant 0 : i32
      %dma_start3A_229 = tpu.memref_slice %arg7[%dma_start3A_226, %dma_start3A_227, %dma_start3A_228] : memref<4x128x128xf32, #tpu.memory_space<vmem>> -> memref<1x128x128xf32, #tpu.memory_space<vmem>>
      %dma_start3A_230 = tpu.memref_squeeze %dma_start3A_229 : memref<1x128x128xf32, #tpu.memory_space<vmem>> -> memref<128x128xf32, #tpu.memory_space<vmem>>
      %dma_start3A_231 = arith.constant 0 : i32
      %dma_start3A_232 = tpu.memref_slice %arg4[%add3A_225, %dma_start3A_231] : memref<131072x128xf32, #tpu.memory_space<hbm>> -> memref<128x128xf32, #tpu.memory_space<hbm>>
      %dma_start3A_233 = arith.constant 0 : i32
      %dma_start3A_234 = tpu.memref_slice %arg4[%add3A_225, %dma_start3A_233] : memref<131072x128xf32, #tpu.memory_space<hbm>> -> memref<128x128xf32, #tpu.memory_space<hbm>>
      %dma_start3A_235 = arith.constant 0 : i32
      %dma_start3A_236 = arith.constant 0 : i32
      %dma_start3A_237 = tpu.memref_slice %arg7[%dma_start3A_226, %dma_start3A_235, %dma_start3A_236] : memref<4x128x128xf32, #tpu.memory_space<vmem>> -> memref<1x128x128xf32, #tpu.memory_space<vmem>>
      %dma_start3A_238 = tpu.memref_squeeze %dma_start3A_237 : memref<1x128x128xf32, #tpu.memory_space<vmem>> -> memref<128x128xf32, #tpu.memory_space<vmem>>
      tpu.enqueue_dma source(%dma_start3A_238 : memref<128x128xf32, #tpu.memory_space<vmem>>) target(%dma_start3A_234 : memref<128x128xf32, #tpu.memory_space<hbm>>) target_semaphore(%arg9 : memref<!tpu.dma_semaphore, #tpu.memory_space<semaphore_mem>>)
      %mul3A_239 = arith.constant 4 : i32
      %mul3A_240 = arith.muli %scan3A_75, %mul3A_239 : i32
      %add3A_241 = arith.constant 3 : i32
      %add3A_242 = arith.addi %mul3A_240, %add3A_241 : i32
      %mul3A_243 = arith.constant 128 : i32
      %mul3A_244 = arith.muli %add3A_242, %mul3A_243 : i32
      %mul3A_245 = arith.constant 32 : i32
      %mul3A_246 = arith.muli %mul3A_2, %mul3A_245 : i32
      %add3A_247 = arith.addi %mul3A_246, %mul3A_244 : i32
      %dma_start3A_248 = arith.constant 3 : i32
      %dma_start3A_249 = arith.constant 0 : i32
      %dma_start3A_250 = arith.constant 0 : i32
      %dma_start3A_251 = tpu.memref_slice %arg7[%dma_start3A_248, %dma_start3A_249, %dma_start3A_250] : memref<4x128x128xf32, #tpu.memory_space<vmem>> -> memref<1x128x128xf32, #tpu.memory_space<vmem>>
      %dma_start3A_252 = tpu.memref_squeeze %dma_start3A_251 : memref<1x128x128xf32, #tpu.memory_space<vmem>> -> memref<128x128xf32, #tpu.memory_space<vmem>>
      %dma_start3A_253 = arith.constant 0 : i32
      %dma_start3A_254 = tpu.memref_slice %arg4[%add3A_247, %dma_start3A_253] : memref<131072x128xf32, #tpu.memory_space<hbm>> -> memref<128x128xf32, #tpu.memory_space<hbm>>
      %dma_start3A_255 = arith.constant 0 : i32
      %dma_start3A_256 = tpu.memref_slice %arg4[%add3A_247, %dma_start3A_255] : memref<131072x128xf32, #tpu.memory_space<hbm>> -> memref<128x128xf32, #tpu.memory_space<hbm>>
      %dma_start3A_257 = arith.constant 0 : i32
      %dma_start3A_258 = arith.constant 0 : i32
      %dma_start3A_259 = tpu.memref_slice %arg7[%dma_start3A_248, %dma_start3A_257, %dma_start3A_258] : memref<4x128x128xf32, #tpu.memory_space<vmem>> -> memref<1x128x128xf32, #tpu.memory_space<vmem>>
      %dma_start3A_260 = tpu.memref_squeeze %dma_start3A_259 : memref<1x128x128xf32, #tpu.memory_space<vmem>> -> memref<128x128xf32, #tpu.memory_space<vmem>>
      tpu.enqueue_dma source(%dma_start3A_260 : memref<128x128xf32, #tpu.memory_space<vmem>>) target(%dma_start3A_256 : memref<128x128xf32, #tpu.memory_space<hbm>>) target_semaphore(%arg9 : memref<!tpu.dma_semaphore, #tpu.memory_space<semaphore_mem>>)
    }
    %scan3A_15 = arith.constant 8 : i32
    %dma_wait3A = arith.constant 0 : i32
    %dma_wait3A_16 = arith.constant 0 : i32
    %dma_wait3A_17 = arith.constant 0 : i32
    %dma_wait3A_18 = tpu.memref_slice %arg7[%dma_wait3A, %dma_wait3A_16, %dma_wait3A_17] : memref<4x128x128xf32, #tpu.memory_space<vmem>> -> memref<1x128x128xf32, #tpu.memory_space<vmem>>
    %dma_wait3A_19 = tpu.memref_squeeze %dma_wait3A_18 : memref<1x128x128xf32, #tpu.memory_space<vmem>> -> memref<128x128xf32, #tpu.memory_space<vmem>>
    %dma_wait3A_20 = arith.constant 0 : i32
    %dma_wait3A_21 = arith.constant 0 : i32
    %dma_wait3A_22 = tpu.memref_slice %arg4[%dma_wait3A_20, %dma_wait3A_21] : memref<131072x128xf32, #tpu.memory_space<hbm>> -> memref<128x128xf32, #tpu.memory_space<hbm>>
    %dma_wait3A_23 = arith.constant 0 : i32
    %dma_wait3A_24 = arith.constant 0 : i32
    %dma_wait3A_25 = tpu.memref_slice %arg4[%dma_wait3A_23, %dma_wait3A_24] : memref<131072x128xf32, #tpu.memory_space<hbm>> -> memref<128x128xf32, #tpu.memory_space<hbm>>
    %dma_wait3A_26 = arith.constant 0 : i32
    %dma_wait3A_27 = arith.constant 0 : i32
    %dma_wait3A_28 = tpu.memref_slice %arg7[%dma_wait3A, %dma_wait3A_26, %dma_wait3A_27] : memref<4x128x128xf32, #tpu.memory_space<vmem>> -> memref<1x128x128xf32, #tpu.memory_space<vmem>>
    %dma_wait3A_29 = tpu.memref_squeeze %dma_wait3A_28 : memref<1x128x128xf32, #tpu.memory_space<vmem>> -> memref<128x128xf32, #tpu.memory_space<vmem>>
    tpu.wait_dma2 semaphore(%arg9 : memref<!tpu.dma_semaphore, #tpu.memory_space<semaphore_mem>>) src(%dma_wait3A_29 : memref<128x128xf32, #tpu.memory_space<vmem>>) dst(%dma_wait3A_25 : memref<128x128xf32, #tpu.memory_space<hbm>>)
    %dma_wait3A_30 = arith.constant 1 : i32
    %dma_wait3A_31 = arith.constant 0 : i32
    %dma_wait3A_32 = arith.constant 0 : i32
    %dma_wait3A_33 = tpu.memref_slice %arg7[%dma_wait3A_30, %dma_wait3A_31, %dma_wait3A_32] : memref<4x128x128xf32, #tpu.memory_space<vmem>> -> memref<1x128x128xf32, #tpu.memory_space<vmem>>
    %dma_wait3A_34 = tpu.memref_squeeze %dma_wait3A_33 : memref<1x128x128xf32, #tpu.memory_space<vmem>> -> memref<128x128xf32, #tpu.memory_space<vmem>>
    %dma_wait3A_35 = arith.constant 0 : i32
    %dma_wait3A_36 = arith.constant 0 : i32
    %dma_wait3A_37 = tpu.memref_slice %arg4[%dma_wait3A_35, %dma_wait3A_36] : memref<131072x128xf32, #tpu.memory_space<hbm>> -> memref<128x128xf32, #tpu.memory_space<hbm>>
    %dma_wait3A_38 = arith.constant 0 : i32
    %dma_wait3A_39 = arith.constant 0 : i32
    %dma_wait3A_40 = tpu.memref_slice %arg4[%dma_wait3A_38, %dma_wait3A_39] : memref<131072x128xf32, #tpu.memory_space<hbm>> -> memref<128x128xf32, #tpu.memory_space<hbm>>
    %dma_wait3A_41 = arith.constant 0 : i32
    %dma_wait3A_42 = arith.constant 0 : i32
    %dma_wait3A_43 = tpu.memref_slice %arg7[%dma_wait3A_30, %dma_wait3A_41, %dma_wait3A_42] : memref<4x128x128xf32, #tpu.memory_space<vmem>> -> memref<1x128x128xf32, #tpu.memory_space<vmem>>
    %dma_wait3A_44 = tpu.memref_squeeze %dma_wait3A_43 : memref<1x128x128xf32, #tpu.memory_space<vmem>> -> memref<128x128xf32, #tpu.memory_space<vmem>>
    tpu.wait_dma2 semaphore(%arg9 : memref<!tpu.dma_semaphore, #tpu.memory_space<semaphore_mem>>) src(%dma_wait3A_44 : memref<128x128xf32, #tpu.memory_space<vmem>>) dst(%dma_wait3A_40 : memref<128x128xf32, #tpu.memory_space<hbm>>)
    %dma_wait3A_45 = arith.constant 2 : i32
    %dma_wait3A_46 = arith.constant 0 : i32
    %dma_wait3A_47 = arith.constant 0 : i32
    %dma_wait3A_48 = tpu.memref_slice %arg7[%dma_wait3A_45, %dma_wait3A_46, %dma_wait3A_47] : memref<4x128x128xf32, #tpu.memory_space<vmem>> -> memref<1x128x128xf32, #tpu.memory_space<vmem>>
    %dma_wait3A_49 = tpu.memref_squeeze %dma_wait3A_48 : memref<1x128x128xf32, #tpu.memory_space<vmem>> -> memref<128x128xf32, #tpu.memory_space<vmem>>
    %dma_wait3A_50 = arith.constant 0 : i32
    %dma_wait3A_51 = arith.constant 0 : i32
    %dma_wait3A_52 = tpu.memref_slice %arg4[%dma_wait3A_50, %dma_wait3A_51] : memref<131072x128xf32, #tpu.memory_space<hbm>> -> memref<128x128xf32, #tpu.memory_space<hbm>>
    %dma_wait3A_53 = arith.constant 0 : i32
    %dma_wait3A_54 = arith.constant 0 : i32
    %dma_wait3A_55 = tpu.memref_slice %arg4[%dma_wait3A_53, %dma_wait3A_54] : memref<131072x128xf32, #tpu.memory_space<hbm>> -> memref<128x128xf32, #tpu.memory_space<hbm>>
    %dma_wait3A_56 = arith.constant 0 : i32
    %dma_wait3A_57 = arith.constant 0 : i32
    %dma_wait3A_58 = tpu.memref_slice %arg7[%dma_wait3A_45, %dma_wait3A_56, %dma_wait3A_57] : memref<4x128x128xf32, #tpu.memory_space<vmem>> -> memref<1x128x128xf32, #tpu.memory_space<vmem>>
    %dma_wait3A_59 = tpu.memref_squeeze %dma_wait3A_58 : memref<1x128x128xf32, #tpu.memory_space<vmem>> -> memref<128x128xf32, #tpu.memory_space<vmem>>
    tpu.wait_dma2 semaphore(%arg9 : memref<!tpu.dma_semaphore, #tpu.memory_space<semaphore_mem>>) src(%dma_wait3A_59 : memref<128x128xf32, #tpu.memory_space<vmem>>) dst(%dma_wait3A_55 : memref<128x128xf32, #tpu.memory_space<hbm>>)
    %dma_wait3A_60 = arith.constant 3 : i32
    %dma_wait3A_61 = arith.constant 0 : i32
    %dma_wait3A_62 = arith.constant 0 : i32
    %dma_wait3A_63 = tpu.memref_slice %arg7[%dma_wait3A_60, %dma_wait3A_61, %dma_wait3A_62] : memref<4x128x128xf32, #tpu.memory_space<vmem>> -> memref<1x128x128xf32, #tpu.memory_space<vmem>>
    %dma_wait3A_64 = tpu.memref_squeeze %dma_wait3A_63 : memref<1x128x128xf32, #tpu.memory_space<vmem>> -> memref<128x128xf32, #tpu.memory_space<vmem>>
    %dma_wait3A_65 = arith.constant 0 : i32
    %dma_wait3A_66 = arith.constant 0 : i32
    %dma_wait3A_67 = tpu.memref_slice %arg4[%dma_wait3A_65, %dma_wait3A_66] : memref<131072x128xf32, #tpu.memory_space<hbm>> -> memref<128x128xf32, #tpu.memory_space<hbm>>
    %dma_wait3A_68 = arith.constant 0 : i32
    %dma_wait3A_69 = arith.constant 0 : i32
    %dma_wait3A_70 = tpu.memref_slice %arg4[%dma_wait3A_68, %dma_wait3A_69] : memref<131072x128xf32, #tpu.memory_space<hbm>> -> memref<128x128xf32, #tpu.memory_space<hbm>>
    %dma_wait3A_71 = arith.constant 0 : i32
    %dma_wait3A_72 = arith.constant 0 : i32
    %dma_wait3A_73 = tpu.memref_slice %arg7[%dma_wait3A_60, %dma_wait3A_71, %dma_wait3A_72] : memref<4x128x128xf32, #tpu.memory_space<vmem>> -> memref<1x128x128xf32, #tpu.memory_space<vmem>>
    %dma_wait3A_74 = tpu.memref_squeeze %dma_wait3A_73 : memref<1x128x128xf32, #tpu.memory_space<vmem>> -> memref<128x128xf32, #tpu.memory_space<vmem>>
    tpu.wait_dma2 semaphore(%arg9 : memref<!tpu.dma_semaphore, #tpu.memory_space<semaphore_mem>>) src(%dma_wait3A_74 : memref<128x128xf32, #tpu.memory_space<vmem>>) dst(%dma_wait3A_70 : memref<128x128xf32, #tpu.memory_space<hbm>>)
    return
  }
}

#map = affine_map<(d0, d1) -> (0, 0)>
#map1 = affine_map<(d0, d1) -> (0)>
module attributes {stable_mosaic.version = 14 : i64} {
  func.func @body(%arg0: i32, %arg1: i32, %arg2: memref<4096x128xf32, #tpu.memory_space<hbm>>, %arg3: memref<524288xi32, #tpu.memory_space<hbm>>, %arg4: memref<131072x128xf32, #tpu.memory_space<hbm>>, %arg5: memref<16384xi32, #tpu.memory_space<vmem>>, %arg6: memref<4096xi32, #tpu.memory_space<vmem>>, %arg7: memref<4x128x128xf32, #tpu.memory_space<vmem>>, %arg8: memref<!tpu.dma_semaphore, #tpu.memory_space<semaphore_mem>>, %arg9: memref<!tpu.dma_semaphore, #tpu.memory_space<semaphore_mem>>) attributes {dimension_semantics = [#tpu.dimension_semantics<core_parallel>, #tpu.dimension_semantics<subcore_parallel>], iteration_bounds = array<i64: 2, 16>, scalar_prefetch = 0 : i64, scratch_operands = 5 : i64, tpu.core_type = #tpu.core_type<sc_vector_subcore>, window_params = [{transform_indices = #map}, {transform_indices = #map1}, {transform_indices = #map}]} {
    %mul3A = arith.constant 2 : i32
    %mul3A_0 = arith.muli %arg1, %mul3A : i32
    %add3A = arith.addi %mul3A_0, %arg0 : i32
    %mul3A_1 = arith.constant 128 : i32
    %mul3A_2 = arith.muli %add3A, %mul3A_1 : i32
    %mul3A_3 = arith.constant 128 : i32
    %mul3A_4 = arith.muli %mul3A_2, %mul3A_3 : i32
    "tpu.region"() ({
      %run_scoped3A = tpu.sem_alloc : memref<!tpu.dma_semaphore, #tpu.memory_space<semaphore_mem>>
      %dma_start3A = arith.constant 0 : i32
      %dma_start3A_75 = tpu.memref_slice %arg5[%dma_start3A] : memref<16384xi32, #tpu.memory_space<vmem>> -> memref<16384xi32, #tpu.memory_space<vmem>>
      %dma_start3A_76 = tpu.memref_slice %arg3[%mul3A_4] : memref<524288xi32, #tpu.memory_space<hbm>> -> memref<16384xi32, #tpu.memory_space<hbm>>
      %dma_start3A_77 = arith.constant 0 : i32
      %dma_start3A_78 = tpu.memref_slice %arg5[%dma_start3A_77] : memref<16384xi32, #tpu.memory_space<vmem>> -> memref<16384xi32, #tpu.memory_space<vmem>>
      %dma_start3A_79 = tpu.memref_slice %arg3[%mul3A_4] : memref<524288xi32, #tpu.memory_space<hbm>> -> memref<16384xi32, #tpu.memory_space<hbm>>
      tpu.enqueue_dma source(%dma_start3A_79 : memref<16384xi32, #tpu.memory_space<hbm>>) target(%dma_start3A_78 : memref<16384xi32, #tpu.memory_space<vmem>>) target_semaphore(%run_scoped3A : memref<!tpu.dma_semaphore, #tpu.memory_space<semaphore_mem>>)
      %dma_wait3A_80 = arith.constant 0 : i32
      %dma_wait3A_81 = tpu.memref_slice %arg5[%dma_wait3A_80] : memref<16384xi32, #tpu.memory_space<vmem>> -> memref<16384xi32, #tpu.memory_space<vmem>>
      %dma_wait3A_82 = tpu.memref_slice %arg3[%mul3A_4] : memref<524288xi32, #tpu.memory_space<hbm>> -> memref<16384xi32, #tpu.memory_space<hbm>>
      %dma_wait3A_83 = arith.constant 0 : i32
      %dma_wait3A_84 = tpu.memref_slice %arg5[%dma_wait3A_83] : memref<16384xi32, #tpu.memory_space<vmem>> -> memref<16384xi32, #tpu.memory_space<vmem>>
      %dma_wait3A_85 = tpu.memref_slice %arg3[%mul3A_4] : memref<524288xi32, #tpu.memory_space<hbm>> -> memref<16384xi32, #tpu.memory_space<hbm>>
      tpu.wait_dma2 semaphore(%run_scoped3A : memref<!tpu.dma_semaphore, #tpu.memory_space<semaphore_mem>>) src(%dma_wait3A_85 : memref<16384xi32, #tpu.memory_space<hbm>>) dst(%dma_wait3A_84 : memref<16384xi32, #tpu.memory_space<vmem>>)
      tpu.yield
    }) : () -> ()
    %scan3A = arith.constant 0 : i32
    %scan3A_5 = arith.constant 0 : i32
    %scan3A_6 = arith.constant 128 : i32
    %scan3A_7 = arith.addi %scan3A_5, %scan3A_6 : i32
    %scan3A_8 = arith.constant 1 : i32
    scf.for %scan3A_75 = %scan3A_5 to %scan3A_7 step %scan3A_8  : i32 {
      %mul3A_76 = arith.constant 128 : i32
      %mul3A_77 = arith.muli %scan3A_75, %mul3A_76 : i32
      %add3A_78 = arith.constant 0 : i32
      %add3A_79 = arith.addi %mul3A_77, %add3A_78 : i32
      %get3A = arith.index_cast %add3A_79 : i32 to index
      %get3A_80 = tpu.vector_load %arg5[%get3A] {strides = array<i32>} : memref<16384xi32, #tpu.memory_space<vmem>>, vector<16xi32>,
      %get3A_81 = vector.shape_cast %get3A_80 : vector<16xi32> to vector<16xi32>
      %mul3A_82 = arith.constant 32 : i32
      %mul3A_83 = arith.muli %scan3A_75, %mul3A_82 : i32
      %add3A_84 = arith.constant 0 : i32
      %add3A_85 = arith.addi %mul3A_83, %add3A_84 : i32
      %swap3A = arith.index_cast %add3A_85 : i32 to index
      %swap3A_86 = tpu.vector_load %arg6[%swap3A] {strides = array<i32>} : memref<4096xi32, #tpu.memory_space<vmem>>, vector<16xi32>,
      %swap3A_87 = vector.shape_cast %swap3A_86 : vector<16xi32> to vector<16xi32>
      %swap3A_88 = vector.shape_cast %get3A_81 : vector<16xi32> to vector<16xi32>
      tpu.vector_store %arg6[%swap3A], %swap3A_88 {strides = array<i32>} : memref<4096xi32, #tpu.memory_space<vmem>>, vector<16xi32>,
      %mul3A_89 = arith.constant 128 : i32
      %mul3A_90 = arith.muli %scan3A_75, %mul3A_89 : i32
      %add3A_91 = arith.constant 16 : i32
      %add3A_92 = arith.addi %mul3A_90, %add3A_91 : i32
      %get3A_93 = arith.index_cast %add3A_92 : i32 to index
      %get3A_94 = tpu.vector_load %arg5[%get3A_93] {strides = array<i32>} : memref<16384xi32, #tpu.memory_space<vmem>>, vector<16xi32>,
      %get3A_95 = vector.shape_cast %get3A_94 : vector<16xi32> to vector<16xi32>
      %mul3A_96 = arith.constant 32 : i32
      %mul3A_97 = arith.muli %scan3A_75, %mul3A_96 : i32
      %add3A_98 = arith.constant 16 : i32
      %add3A_99 = arith.addi %mul3A_97, %add3A_98 : i32
      %swap3A_100 = arith.index_cast %add3A_99 : i32 to index
      %swap3A_101 = tpu.vector_load %arg6[%swap3A_100] {strides = array<i32>} : memref<4096xi32, #tpu.memory_space<vmem>>, vector<16xi32>,
      %swap3A_102 = vector.shape_cast %swap3A_101 : vector<16xi32> to vector<16xi32>
      %swap3A_103 = vector.shape_cast %get3A_95 : vector<16xi32> to vector<16xi32>
      tpu.vector_store %arg6[%swap3A_100], %swap3A_103 {strides = array<i32>} : memref<4096xi32, #tpu.memory_space<vmem>>, vector<16xi32>,
    }
    %scan3A_9 = arith.constant 128 : i32
    %scan3A_10 = arith.constant 0 : i32
    %scan3A_11 = arith.constant 0 : i32
    %scan3A_12 = arith.constant 8 : i32
    %scan3A_13 = arith.addi %scan3A_11, %scan3A_12 : i32
    %scan3A_14 = arith.constant 1 : i32
    scf.for %scan3A_75 = %scan3A_11 to %scan3A_13 step %scan3A_14  : i32 {
      %gt3A = arith.constant 0 : i32
      %gt3A_76 = arith.cmpi sgt, %scan3A_75, %gt3A : i32
      %convert_element_type3A = arith.extui %gt3A_76 : i1 to i32
      %cond3A = arith.constant 0 : i32
      %cond3A_77 = arith.cmpi ne, %convert_element_type3A, %cond3A : i32
      scf.if %cond3A_77 {
        %dma_wait3A_261 = arith.constant 0 : i32
        %dma_wait3A_262 = arith.constant 0 : i32
        %dma_wait3A_263 = arith.constant 0 : i32
        %dma_wait3A_264 = tpu.memref_slice %arg7[%dma_wait3A_261, %dma_wait3A_262, %dma_wait3A_263] : memref<4x128x128xf32, #tpu.memory_space<vmem>> -> memref<1x128x128xf32, #tpu.memory_space<vmem>>
        %dma_wait3A_265 = tpu.memref_squeeze %dma_wait3A_264 : memref<1x128x128xf32, #tpu.memory_space<vmem>> -> memref<128x128xf32, #tpu.memory_space<vmem>>
        %dma_wait3A_266 = arith.constant 0 : i32
        %dma_wait3A_267 = arith.constant 0 : i32
        %dma_wait3A_268 = tpu.memref_slice %arg4[%dma_wait3A_266, %dma_wait3A_267] : memref<131072x128xf32, #tpu.memory_space<hbm>> -> memref<128x128xf32, #tpu.memory_space<hbm>>
        %dma_wait3A_269 = arith.constant 0 : i32
        %dma_wait3A_270 = arith.constant 0 : i32
        %dma_wait3A_271 = tpu.memref_slice %arg4[%dma_wait3A_269, %dma_wait3A_270] : memref<131072x128xf32, #tpu.memory_space<hbm>> -> memref<128x128xf32, #tpu.memory_space<hbm>>
        %dma_wait3A_272 = arith.constant 0 : i32
        %dma_wait3A_273 = arith.constant 0 : i32
        %dma_wait3A_274 = tpu.memref_slice %arg7[%dma_wait3A_261, %dma_wait3A_272, %dma_wait3A_273] : memref<4x128x128xf32, #tpu.memory_space<vmem>> -> memref<1x128x128xf32, #tpu.memory_space<vmem>>
        %dma_wait3A_275 = tpu.memref_squeeze %dma_wait3A_274 : memref<1x128x128xf32, #tpu.memory_space<vmem>> -> memref<128x128xf32, #tpu.memory_space<vmem>>
        tpu.wait_dma2 semaphore(%arg9 : memref<!tpu.dma_semaphore, #tpu.memory_space<semaphore_mem>>) src(%dma_wait3A_275 : memref<128x128xf32, #tpu.memory_space<vmem>>) dst(%dma_wait3A_271 : memref<128x128xf32, #tpu.memory_space<hbm>>)
        %dma_wait3A_276 = arith.constant 1 : i32
        %dma_wait3A_277 = arith.constant 0 : i32
        %dma_wait3A_278 = arith.constant 0 : i32
        %dma_wait3A_279 = tpu.memref_slice %arg7[%dma_wait3A_276, %dma_wait3A_277, %dma_wait3A_278] : memref<4x128x128xf32, #tpu.memory_space<vmem>> -> memref<1x128x128xf32, #tpu.memory_space<vmem>>
        %dma_wait3A_280 = tpu.memref_squeeze %dma_wait3A_279 : memref<1x128x128xf32, #tpu.memory_space<vmem>> -> memref<128x128xf32, #tpu.memory_space<vmem>>
        %dma_wait3A_281 = arith.constant 0 : i32
        %dma_wait3A_282 = arith.constant 0 : i32
        %dma_wait3A_283 = tpu.memref_slice %arg4[%dma_wait3A_281, %dma_wait3A_282] : memref<131072x128xf32, #tpu.memory_space<hbm>> -> memref<128x128xf32, #tpu.memory_space<hbm>>
        %dma_wait3A_284 = arith.constant 0 : i32
        %dma_wait3A_285 = arith.constant 0 : i32
        %dma_wait3A_286 = tpu.memref_slice %arg4[%dma_wait3A_284, %dma_wait3A_285] : memref<131072x128xf32, #tpu.memory_space<hbm>> -> memref<128x128xf32, #tpu.memory_space<hbm>>
        %dma_wait3A_287 = arith.constant 0 : i32
        %dma_wait3A_288 = arith.constant 0 : i32
        %dma_wait3A_289 = tpu.memref_slice %arg7[%dma_wait3A_276, %dma_wait3A_287, %dma_wait3A_288] : memref<4x128x128xf32, #tpu.memory_space<vmem>> -> memref<1x128x128xf32, #tpu.memory_space<vmem>>
        %dma_wait3A_290 = tpu.memref_squeeze %dma_wait3A_289 : memref<1x128x128xf32, #tpu.memory_space<vmem>> -> memref<128x128xf32, #tpu.memory_space<vmem>>
        tpu.wait_dma2 semaphore(%arg9 : memref<!tpu.dma_semaphore, #tpu.memory_space<semaphore_mem>>) src(%dma_wait3A_290 : memref<128x128xf32, #tpu.memory_space<vmem>>) dst(%dma_wait3A_286 : memref<128x128xf32, #tpu.memory_space<hbm>>)
        %dma_wait3A_291 = arith.constant 2 : i32
        %dma_wait3A_292 = arith.constant 0 : i32
        %dma_wait3A_293 = arith.constant 0 : i32
        %dma_wait3A_294 = tpu.memref_slice %arg7[%dma_wait3A_291, %dma_wait3A_292, %dma_wait3A_293] : memref<4x128x128xf32, #tpu.memory_space<vmem>> -> memref<1x128x128xf32, #tpu.memory_space<vmem>>
        %dma_wait3A_295 = tpu.memref_squeeze %dma_wait3A_294 : memref<1x128x128xf32, #tpu.memory_space<vmem>> -> memref<128x128xf32, #tpu.memory_space<vmem>>
        %dma_wait3A_296 = arith.constant 0 : i32
        %dma_wait3A_297 = arith.constant 0 : i32
        %dma_wait3A_298 = tpu.memref_slice %arg4[%dma_wait3A_296, %dma_wait3A_297] : memref<131072x128xf32, #tpu.memory_space<hbm>> -> memref<128x128xf32, #tpu.memory_space<hbm>>
        %dma_wait3A_299 = arith.constant 0 : i32
        %dma_wait3A_300 = arith.constant 0 : i32
        %dma_wait3A_301 = tpu.memref_slice %arg4[%dma_wait3A_299, %dma_wait3A_300] : memref<131072x128xf32, #tpu.memory_space<hbm>> -> memref<128x128xf32, #tpu.memory_space<hbm>>
        %dma_wait3A_302 = arith.constant 0 : i32
        %dma_wait3A_303 = arith.constant 0 : i32
        %dma_wait3A_304 = tpu.memref_slice %arg7[%dma_wait3A_291, %dma_wait3A_302, %dma_wait3A_303] : memref<4x128x128xf32, #tpu.memory_space<vmem>> -> memref<1x128x128xf32, #tpu.memory_space<vmem>>
        %dma_wait3A_305 = tpu.memref_squeeze %dma_wait3A_304 : memref<1x128x128xf32, #tpu.memory_space<vmem>> -> memref<128x128xf32, #tpu.memory_space<vmem>>
        tpu.wait_dma2 semaphore(%arg9 : memref<!tpu.dma_semaphore, #tpu.memory_space<semaphore_mem>>) src(%dma_wait3A_305 : memref<128x128xf32, #tpu.memory_space<vmem>>) dst(%dma_wait3A_301 : memref<128x128xf32, #tpu.memory_space<hbm>>)
        %dma_wait3A_306 = arith.constant 3 : i32
        %dma_wait3A_307 = arith.constant 0 : i32
        %dma_wait3A_308 = arith.constant 0 : i32
        %dma_wait3A_309 = tpu.memref_slice %arg7[%dma_wait3A_306, %dma_wait3A_307, %dma_wait3A_308] : memref<4x128x128xf32, #tpu.memory_space<vmem>> -> memref<1x128x128xf32, #tpu.memory_space<vmem>>
        %dma_wait3A_310 = tpu.memref_squeeze %dma_wait3A_309 : memref<1x128x128xf32, #tpu.memory_space<vmem>> -> memref<128x128xf32, #tpu.memory_space<vmem>>
        %dma_wait3A_311 = arith.constant 0 : i32
        %dma_wait3A_312 = arith.constant 0 : i32
        %dma_wait3A_313 = tpu.memref_slice %arg4[%dma_wait3A_311, %dma_wait3A_312] : memref<131072x128xf32, #tpu.memory_space<hbm>> -> memref<128x128xf32, #tpu.memory_space<hbm>>
        %dma_wait3A_314 = arith.constant 0 : i32
        %dma_wait3A_315 = arith.constant 0 : i32
        %dma_wait3A_316 = tpu.memref_slice %arg4[%dma_wait3A_314, %dma_wait3A_315] : memref<131072x128xf32, #tpu.memory_space<hbm>> -> memref<128x128xf32, #tpu.memory_space<hbm>>
        %dma_wait3A_317 = arith.constant 0 : i32
        %dma_wait3A_318 = arith.constant 0 : i32
        %dma_wait3A_319 = tpu.memref_slice %arg7[%dma_wait3A_306, %dma_wait3A_317, %dma_wait3A_318] : memref<4x128x128xf32, #tpu.memory_space<vmem>> -> memref<1x128x128xf32, #tpu.memory_space<vmem>>
        %dma_wait3A_320 = tpu.memref_squeeze %dma_wait3A_319 : memref<1x128x128xf32, #tpu.memory_space<vmem>> -> memref<128x128xf32, #tpu.memory_space<vmem>>
        tpu.wait_dma2 semaphore(%arg9 : memref<!tpu.dma_semaphore, #tpu.memory_space<semaphore_mem>>) src(%dma_wait3A_320 : memref<128x128xf32, #tpu.memory_space<vmem>>) dst(%dma_wait3A_316 : memref<128x128xf32, #tpu.memory_space<hbm>>)
      } else {
      }
      %mul3A_78 = arith.constant 4 : i32
      %mul3A_79 = arith.muli %scan3A_75, %mul3A_78 : i32
      %add3A_80 = arith.constant 0 : i32
      %add3A_81 = arith.addi %mul3A_79, %add3A_80 : i32
      %mul3A_82 = arith.constant 128 : i32
      %mul3A_83 = arith.muli %add3A_81, %mul3A_82 : i32
      %dma_start3A = arith.constant 0 : i32
      %dma_start3A_84 = arith.constant 0 : i32
      %dma_start3A_85 = arith.constant 0 : i32
      %dma_start3A_86 = tpu.memref_slice %arg7[%dma_start3A, %dma_start3A_84, %dma_start3A_85] : memref<4x128x128xf32, #tpu.memory_space<vmem>> -> memref<1x128x128xf32, #tpu.memory_space<vmem>>
      %dma_start3A_87 = tpu.memref_squeeze %dma_start3A_86 : memref<1x128x128xf32, #tpu.memory_space<vmem>> -> memref<128x128xf32, #tpu.memory_space<vmem>>
      %dma_start3A_88 = tpu.memref_slice %arg6[%mul3A_83] : memref<4096xi32, #tpu.memory_space<vmem>> -> memref<128xi32, #tpu.memory_space<vmem>>
      %dma_start3A_89 = arith.constant 0 : i32
      %dma_start3A_90 = arith.constant 0 : i32
      %dma_start3A_91 = tpu.memref_slice %arg2[%dma_start3A_89, %dma_start3A_90] : memref<4096x128xf32, #tpu.memory_space<hbm>> -> memref<4096x128xf32, #tpu.memory_space<hbm>>
      tpu.enqueue_indirect_dma source(%dma_start3A_91 : memref<4096x128xf32, #tpu.memory_space<hbm>>) target(%dma_start3A_87 : memref<128x128xf32, #tpu.memory_space<vmem>>) offsets(%dma_start3A_88 : memref<128xi32, #tpu.memory_space<vmem>>) semaphore(%arg8 : memref<!tpu.dma_semaphore, #tpu.memory_space<semaphore_mem>>)
      %mul3A_92 = arith.constant 4 : i32
      %mul3A_93 = arith.muli %scan3A_75, %mul3A_92 : i32
      %add3A_94 = arith.constant 1 : i32
      %add3A_95 = arith.addi %mul3A_93, %add3A_94 : i32
      %mul3A_96 = arith.constant 128 : i32
      %mul3A_97 = arith.muli %add3A_95, %mul3A_96 : i32
      %dma_start3A_98 = arith.constant 1 : i32
      %dma_start3A_99 = arith.constant 0 : i32
      %dma_start3A_100 = arith.constant 0 : i32
      %dma_start3A_101 = tpu.memref_slice %arg7[%dma_start3A_98, %dma_start3A_99, %dma_start3A_100] : memref<4x128x128xf32, #tpu.memory_space<vmem>> -> memref<1x128x128xf32, #tpu.memory_space<vmem>>
      %dma_start3A_102 = tpu.memref_squeeze %dma_start3A_101 : memref<1x128x128xf32, #tpu.memory_space<vmem>> -> memref<128x128xf32, #tpu.memory_space<vmem>>
      %dma_start3A_103 = tpu.memref_slice %arg6[%mul3A_97] : memref<4096xi32, #tpu.memory_space<vmem>> -> memref<128xi32, #tpu.memory_space<vmem>>
      %dma_start3A_104 = arith.constant 0 : i32
      %dma_start3A_105 = arith.constant 0 : i32
      %dma_start3A_106 = tpu.memref_slice %arg2[%dma_start3A_104, %dma_start3A_105] : memref<4096x128xf32, #tpu.memory_space<hbm>> -> memref<4096x128xf32, #tpu.memory_space<hbm>>
      tpu.enqueue_indirect_dma source(%dma_start3A_106 : memref<4096x128xf32, #tpu.memory_space<hbm>>) target(%dma_start3A_102 : memref<128x128xf32, #tpu.memory_space<vmem>>) offsets(%dma_start3A_103 : memref<128xi32, #tpu.memory_space<vmem>>) semaphore(%arg8 : memref<!tpu.dma_semaphore, #tpu.memory_space<semaphore_mem>>)
      %mul3A_107 = arith.constant 4 : i32
      %mul3A_108 = arith.muli %scan3A_75, %mul3A_107 : i32
      %add3A_109 = arith.constant 2 : i32
      %add3A_110 = arith.addi %mul3A_108, %add3A_109 : i32
      %mul3A_111 = arith.constant 128 : i32
      %mul3A_112 = arith.muli %add3A_110, %mul3A_111 : i32
      %dma_start3A_113 = arith.constant 2 : i32
      %dma_start3A_114 = arith.constant 0 : i32
      %dma_start3A_115 = arith.constant 0 : i32
      %dma_start3A_116 = tpu.memref_slice %arg7[%dma_start3A_113, %dma_start3A_114, %dma_start3A_115] : memref<4x128x128xf32, #tpu.memory_space<vmem>> -> memref<1x128x128xf32, #tpu.memory_space<vmem>>
      %dma_start3A_117 = tpu.memref_squeeze %dma_start3A_116 : memref<1x128x128xf32, #tpu.memory_space<vmem>> -> memref<128x128xf32, #tpu.memory_space<vmem>>
      %dma_start3A_118 = tpu.memref_slice %arg6[%mul3A_112] : memref<4096xi32, #tpu.memory_space<vmem>> -> memref<128xi32, #tpu.memory_space<vmem>>
      %dma_start3A_119 = arith.constant 0 : i32
      %dma_start3A_120 = arith.constant 0 : i32
      %dma_start3A_121 = tpu.memref_slice %arg2[%dma_start3A_119, %dma_start3A_120] : memref<4096x128xf32, #tpu.memory_space<hbm>> -> memref<4096x128xf32, #tpu.memory_space<hbm>>
      tpu.enqueue_indirect_dma source(%dma_start3A_121 : memref<4096x128xf32, #tpu.memory_space<hbm>>) target(%dma_start3A_117 : memref<128x128xf32, #tpu.memory_space<vmem>>) offsets(%dma_start3A_118 : memref<128xi32, #tpu.memory_space<vmem>>) semaphore(%arg8 : memref<!tpu.dma_semaphore, #tpu.memory_space<semaphore_mem>>)
      %mul3A_122 = arith.constant 4 : i32
      %mul3A_123 = arith.muli %scan3A_75, %mul3A_122 : i32
      %add3A_124 = arith.constant 3 : i32
      %add3A_125 = arith.addi %mul3A_123, %add3A_124 : i32
      %mul3A_126 = arith.constant 128 : i32
      %mul3A_127 = arith.muli %add3A_125, %mul3A_126 : i32
      %dma_start3A_128 = arith.constant 3 : i32
      %dma_start3A_129 = arith.constant 0 : i32
      %dma_start3A_130 = arith.constant 0 : i32
      %dma_start3A_131 = tpu.memref_slice %arg7[%dma_start3A_128, %dma_start3A_129, %dma_start3A_130] : memref<4x128x128xf32, #tpu.memory_space<vmem>> -> memref<1x128x128xf32, #tpu.memory_space<vmem>>
      %dma_start3A_132 = tpu.memref_squeeze %dma_start3A_131 : memref<1x128x128xf32, #tpu.memory_space<vmem>> -> memref<128x128xf32, #tpu.memory_space<vmem>>
      %dma_start3A_133 = tpu.memref_slice %arg6[%mul3A_127] : memref<4096xi32, #tpu.memory_space<vmem>> -> memref<128xi32, #tpu.memory_space<vmem>>
      %dma_start3A_134 = arith.constant 0 : i32
      %dma_start3A_135 = arith.constant 0 : i32
      %dma_start3A_136 = tpu.memref_slice %arg2[%dma_start3A_134, %dma_start3A_135] : memref<4096x128xf32, #tpu.memory_space<hbm>> -> memref<4096x128xf32, #tpu.memory_space<hbm>>
      tpu.enqueue_indirect_dma source(%dma_start3A_136 : memref<4096x128xf32, #tpu.memory_space<hbm>>) target(%dma_start3A_132 : memref<128x128xf32, #tpu.memory_space<vmem>>) offsets(%dma_start3A_133 : memref<128xi32, #tpu.memory_space<vmem>>) semaphore(%arg8 : memref<!tpu.dma_semaphore, #tpu.memory_space<semaphore_mem>>)
      %dma_wait3A_137 = arith.constant 0 : i32
      %dma_wait3A_138 = arith.constant 0 : i32
      %dma_wait3A_139 = arith.constant 0 : i32
      %dma_wait3A_140 = tpu.memref_slice %arg7[%dma_wait3A_137, %dma_wait3A_138, %dma_wait3A_139] : memref<4x128x128xf32, #tpu.memory_space<vmem>> -> memref<1x128x128xf32, #tpu.memory_space<vmem>>
      %dma_wait3A_141 = tpu.memref_squeeze %dma_wait3A_140 : memref<1x128x128xf32, #tpu.memory_space<vmem>> -> memref<128x128xf32, #tpu.memory_space<vmem>>
      %dma_wait3A_142 = tpu.memref_slice %arg6[%mul3A_83] : memref<4096xi32, #tpu.memory_space<vmem>> -> memref<128xi32, #tpu.memory_space<vmem>>
      %dma_wait3A_143 = arith.constant 0 : i32
      %dma_wait3A_144 = arith.constant 0 : i32
      %dma_wait3A_145 = tpu.memref_slice %arg2[%dma_wait3A_143, %dma_wait3A_144] : memref<4096x128xf32, #tpu.memory_space<hbm>> -> memref<4096x128xf32, #tpu.memory_space<hbm>>
      tpu.wait_indirect_dma semaphore(%arg8 : memref<!tpu.dma_semaphore, #tpu.memory_space<semaphore_mem>>) src(%dma_wait3A_145 : memref<4096x128xf32, #tpu.memory_space<hbm>>) dst(%dma_wait3A_141 : memref<128x128xf32, #tpu.memory_space<vmem>>)
      %dma_wait3A_146 = arith.constant 1 : i32
      %dma_wait3A_147 = arith.constant 0 : i32
      %dma_wait3A_148 = arith.constant 0 : i32
      %dma_wait3A_149 = tpu.memref_slice %arg7[%dma_wait3A_146, %dma_wait3A_147, %dma_wait3A_148] : memref<4x128x128xf32, #tpu.memory_space<vmem>> -> memref<1x128x128xf32, #tpu.memory_space<vmem>>
      %dma_wait3A_150 = tpu.memref_squeeze %dma_wait3A_149 : memref<1x128x128xf32, #tpu.memory_space<vmem>> -> memref<128x128xf32, #tpu.memory_space<vmem>>
      %dma_wait3A_151 = tpu.memref_slice %arg6[%mul3A_97] : memref<4096xi32, #tpu.memory_space<vmem>> -> memref<128xi32, #tpu.memory_space<vmem>>
      %dma_wait3A_152 = arith.constant 0 : i32
      %dma_wait3A_153 = arith.constant 0 : i32
      %dma_wait3A_154 = tpu.memref_slice %arg2[%dma_wait3A_152, %dma_wait3A_153] : memref<4096x128xf32, #tpu.memory_space<hbm>> -> memref<4096x128xf32, #tpu.memory_space<hbm>>
      tpu.wait_indirect_dma semaphore(%arg8 : memref<!tpu.dma_semaphore, #tpu.memory_space<semaphore_mem>>) src(%dma_wait3A_154 : memref<4096x128xf32, #tpu.memory_space<hbm>>) dst(%dma_wait3A_150 : memref<128x128xf32, #tpu.memory_space<vmem>>)
      %dma_wait3A_155 = arith.constant 2 : i32
      %dma_wait3A_156 = arith.constant 0 : i32
      %dma_wait3A_157 = arith.constant 0 : i32
      %dma_wait3A_158 = tpu.memref_slice %arg7[%dma_wait3A_155, %dma_wait3A_156, %dma_wait3A_157] : memref<4x128x128xf32, #tpu.memory_space<vmem>> -> memref<1x128x128xf32, #tpu.memory_space<vmem>>
      %dma_wait3A_159 = tpu.memref_squeeze %dma_wait3A_158 : memref<1x128x128xf32, #tpu.memory_space<vmem>> -> memref<128x128xf32, #tpu.memory_space<vmem>>
      %dma_wait3A_160 = tpu.memref_slice %arg6[%mul3A_112] : memref<4096xi32, #tpu.memory_space<vmem>> -> memref<128xi32, #tpu.memory_space<vmem>>
      %dma_wait3A_161 = arith.constant 0 : i32
      %dma_wait3A_162 = arith.constant 0 : i32
      %dma_wait3A_163 = tpu.memref_slice %arg2[%dma_wait3A_161, %dma_wait3A_162] : memref<4096x128xf32, #tpu.memory_space<hbm>> -> memref<4096x128xf32, #tpu.memory_space<hbm>>
      tpu.wait_indirect_dma semaphore(%arg8 : memref<!tpu.dma_semaphore, #tpu.memory_space<semaphore_mem>>) src(%dma_wait3A_163 : memref<4096x128xf32, #tpu.memory_space<hbm>>) dst(%dma_wait3A_159 : memref<128x128xf32, #tpu.memory_space<vmem>>)
      %dma_wait3A_164 = arith.constant 3 : i32
      %dma_wait3A_165 = arith.constant 0 : i32
      %dma_wait3A_166 = arith.constant 0 : i32
      %dma_wait3A_167 = tpu.memref_slice %arg7[%dma_wait3A_164, %dma_wait3A_165, %dma_wait3A_166] : memref<4x128x128xf32, #tpu.memory_space<vmem>> -> memref<1x128x128xf32, #tpu.memory_space<vmem>>
      %dma_wait3A_168 = tpu.memref_squeeze %dma_wait3A_167 : memref<1x128x128xf32, #tpu.memory_space<vmem>> -> memref<128x128xf32, #tpu.memory_space<vmem>>
      %dma_wait3A_169 = tpu.memref_slice %arg6[%mul3A_127] : memref<4096xi32, #tpu.memory_space<vmem>> -> memref<128xi32, #tpu.memory_space<vmem>>
      %dma_wait3A_170 = arith.constant 0 : i32
      %dma_wait3A_171 = arith.constant 0 : i32
      %dma_wait3A_172 = tpu.memref_slice %arg2[%dma_wait3A_170, %dma_wait3A_171] : memref<4096x128xf32, #tpu.memory_space<hbm>> -> memref<4096x128xf32, #tpu.memory_space<hbm>>
      tpu.wait_indirect_dma semaphore(%arg8 : memref<!tpu.dma_semaphore, #tpu.memory_space<semaphore_mem>>) src(%dma_wait3A_172 : memref<4096x128xf32, #tpu.memory_space<hbm>>) dst(%dma_wait3A_168 : memref<128x128xf32, #tpu.memory_space<vmem>>)
      %mul3A_173 = arith.constant 4 : i32
      %mul3A_174 = arith.muli %scan3A_75, %mul3A_173 : i32
      %add3A_175 = arith.constant 0 : i32
      %add3A_176 = arith.addi %mul3A_174, %add3A_175 : i32
      %mul3A_177 = arith.constant 128 : i32
      %mul3A_178 = arith.muli %add3A_176, %mul3A_177 : i32
      %mul3A_179 = arith.constant 32 : i32
      %mul3A_180 = arith.muli %mul3A_2, %mul3A_179 : i32
      %add3A_181 = arith.addi %mul3A_180, %mul3A_178 : i32
      %dma_start3A_182 = arith.constant 0 : i32
      %dma_start3A_183 = arith.constant 0 : i32
      %dma_start3A_184 = arith.constant 0 : i32
      %dma_start3A_185 = tpu.memref_slice %arg7[%dma_start3A_182, %dma_start3A_183, %dma_start3A_184] : memref<4x128x128xf32, #tpu.memory_space<vmem>> -> memref<1x128x128xf32, #tpu.memory_space<vmem>>
      %dma_start3A_186 = tpu.memref_squeeze %dma_start3A_185 : memref<1x128x128xf32, #tpu.memory_space<vmem>> -> memref<128x128xf32, #tpu.memory_space<vmem>>
      %dma_start3A_187 = arith.constant 0 : i32
      %dma_start3A_188 = tpu.memref_slice %arg4[%add3A_181, %dma_start3A_187] : memref<131072x128xf32, #tpu.memory_space<hbm>> -> memref<128x128xf32, #tpu.memory_space<hbm>>
      %dma_start3A_189 = arith.constant 0 : i32
      %dma_start3A_190 = tpu.memref_slice %arg4[%add3A_181, %dma_start3A_189] : memref<131072x128xf32, #tpu.memory_space<hbm>> -> memref<128x128xf32, #tpu.memory_space<hbm>>
      %dma_start3A_191 = arith.constant 0 : i32
      %dma_start3A_192 = arith.constant 0 : i32
      %dma_start3A_193 = tpu.memref_slice %arg7[%dma_start3A_182, %dma_start3A_191, %dma_start3A_192] : memref<4x128x128xf32, #tpu.memory_space<vmem>> -> memref<1x128x128xf32, #tpu.memory_space<vmem>>
      %dma_start3A_194 = tpu.memref_squeeze %dma_start3A_193 : memref<1x128x128xf32, #tpu.memory_space<vmem>> -> memref<128x128xf32, #tpu.memory_space<vmem>>
      tpu.enqueue_dma source(%dma_start3A_194 : memref<128x128xf32, #tpu.memory_space<vmem>>) target(%dma_start3A_190 : memref<128x128xf32, #tpu.memory_space<hbm>>) target_semaphore(%arg9 : memref<!tpu.dma_semaphore, #tpu.memory_space<semaphore_mem>>)
      %mul3A_195 = arith.constant 4 : i32
      %mul3A_196 = arith.muli %scan3A_75, %mul3A_195 : i32
      %add3A_197 = arith.constant 1 : i32
      %add3A_198 = arith.addi %mul3A_196, %add3A_197 : i32
      %mul3A_199 = arith.constant 128 : i32
      %mul3A_200 = arith.muli %add3A_198, %mul3A_199 : i32
      %mul3A_201 = arith.constant 32 : i32
      %mul3A_202 = arith.muli %mul3A_2, %mul3A_201 : i32
      %add3A_203 = arith.addi %mul3A_202, %mul3A_200 : i32
      %dma_start3A_204 = arith.constant 1 : i32
      %dma_start3A_205 = arith.constant 0 : i32
      %dma_start3A_206 = arith.constant 0 : i32
      %dma_start3A_207 = tpu.memref_slice %arg7[%dma_start3A_204, %dma_start3A_205, %dma_start3A_206] : memref<4x128x128xf32, #tpu.memory_space<vmem>> -> memref<1x128x128xf32, #tpu.memory_space<vmem>>
      %dma_start3A_208 = tpu.memref_squeeze %dma_start3A_207 : memref<1x128x128xf32, #tpu.memory_space<vmem>> -> memref<128x128xf32, #tpu.memory_space<vmem>>
      %dma_start3A_209 = arith.constant 0 : i32
      %dma_start3A_210 = tpu.memref_slice %arg4[%add3A_203, %dma_start3A_209] : memref<131072x128xf32, #tpu.memory_space<hbm>> -> memref<128x128xf32, #tpu.memory_space<hbm>>
      %dma_start3A_211 = arith.constant 0 : i32
      %dma_start3A_212 = tpu.memref_slice %arg4[%add3A_203, %dma_start3A_211] : memref<131072x128xf32, #tpu.memory_space<hbm>> -> memref<128x128xf32, #tpu.memory_space<hbm>>
      %dma_start3A_213 = arith.constant 0 : i32
      %dma_start3A_214 = arith.constant 0 : i32
      %dma_start3A_215 = tpu.memref_slice %arg7[%dma_start3A_204, %dma_start3A_213, %dma_start3A_214] : memref<4x128x128xf32, #tpu.memory_space<vmem>> -> memref<1x128x128xf32, #tpu.memory_space<vmem>>
      %dma_start3A_216 = tpu.memref_squeeze %dma_start3A_215 : memref<1x128x128xf32, #tpu.memory_space<vmem>> -> memref<128x128xf32, #tpu.memory_space<vmem>>
      tpu.enqueue_dma source(%dma_start3A_216 : memref<128x128xf32, #tpu.memory_space<vmem>>) target(%dma_start3A_212 : memref<128x128xf32, #tpu.memory_space<hbm>>) target_semaphore(%arg9 : memref<!tpu.dma_semaphore, #tpu.memory_space<semaphore_mem>>)
      %mul3A_217 = arith.constant 4 : i32
      %mul3A_218 = arith.muli %scan3A_75, %mul3A_217 : i32
      %add3A_219 = arith.constant 2 : i32
      %add3A_220 = arith.addi %mul3A_218, %add3A_219 : i32
      %mul3A_221 = arith.constant 128 : i32
      %mul3A_222 = arith.muli %add3A_220, %mul3A_221 : i32
      %mul3A_223 = arith.constant 32 : i32
      %mul3A_224 = arith.muli %mul3A_2, %mul3A_223 : i32
      %add3A_225 = arith.addi %mul3A_224, %mul3A_222 : i32
      %dma_start3A_226 = arith.constant 2 : i32
      %dma_start3A_227 = arith.constant 0 : i32
      %dma_start3A_228 = arith.constant 0 : i32
      %dma_start3A_229 = tpu.memref_slice %arg7[%dma_start3A_226, %dma_start3A_227, %dma_start3A_228] : memref<4x128x128xf32, #tpu.memory_space<vmem>> -> memref<1x128x128xf32, #tpu.memory_space<vmem>>
      %dma_start3A_230 = tpu.memref_squeeze %dma_start3A_229 : memref<1x128x128xf32, #tpu.memory_space<vmem>> -> memref<128x128xf32, #tpu.memory_space<vmem>>
      %dma_start3A_231 = arith.constant 0 : i32
      %dma_start3A_232 = tpu.memref_slice %arg4[%add3A_225, %dma_start3A_231] : memref<131072x128xf32, #tpu.memory_space<hbm>> -> memref<128x128xf32, #tpu.memory_space<hbm>>
      %dma_start3A_233 = arith.constant 0 : i32
      %dma_start3A_234 = tpu.memref_slice %arg4[%add3A_225, %dma_start3A_233] : memref<131072x128xf32, #tpu.memory_space<hbm>> -> memref<128x128xf32, #tpu.memory_space<hbm>>
      %dma_start3A_235 = arith.constant 0 : i32
      %dma_start3A_236 = arith.constant 0 : i32
      %dma_start3A_237 = tpu.memref_slice %arg7[%dma_start3A_226, %dma_start3A_235, %dma_start3A_236] : memref<4x128x128xf32, #tpu.memory_space<vmem>> -> memref<1x128x128xf32, #tpu.memory_space<vmem>>
      %dma_start3A_238 = tpu.memref_squeeze %dma_start3A_237 : memref<1x128x128xf32, #tpu.memory_space<vmem>> -> memref<128x128xf32, #tpu.memory_space<vmem>>
      tpu.enqueue_dma source(%dma_start3A_238 : memref<128x128xf32, #tpu.memory_space<vmem>>) target(%dma_start3A_234 : memref<128x128xf32, #tpu.memory_space<hbm>>) target_semaphore(%arg9 : memref<!tpu.dma_semaphore, #tpu.memory_space<semaphore_mem>>)
      %mul3A_239 = arith.constant 4 : i32
      %mul3A_240 = arith.muli %scan3A_75, %mul3A_239 : i32
      %add3A_241 = arith.constant 3 : i32
      %add3A_242 = arith.addi %mul3A_240, %add3A_241 : i32
      %mul3A_243 = arith.constant 128 : i32
      %mul3A_244 = arith.muli %add3A_242, %mul3A_243 : i32
      %mul3A_245 = arith.constant 32 : i32
      %mul3A_246 = arith.muli %mul3A_2, %mul3A_245 : i32
      %add3A_247 = arith.addi %mul3A_246, %mul3A_244 : i32
      %dma_start3A_248 = arith.constant 3 : i32
      %dma_start3A_249 = arith.constant 0 : i32
      %dma_start3A_250 = arith.constant 0 : i32
      %dma_start3A_251 = tpu.memref_slice %arg7[%dma_start3A_248, %dma_start3A_249, %dma_start3A_250] : memref<4x128x128xf32, #tpu.memory_space<vmem>> -> memref<1x128x128xf32, #tpu.memory_space<vmem>>
      %dma_start3A_252 = tpu.memref_squeeze %dma_start3A_251 : memref<1x128x128xf32, #tpu.memory_space<vmem>> -> memref<128x128xf32, #tpu.memory_space<vmem>>
      %dma_start3A_253 = arith.constant 0 : i32
      %dma_start3A_254 = tpu.memref_slice %arg4[%add3A_247, %dma_start3A_253] : memref<131072x128xf32, #tpu.memory_space<hbm>> -> memref<128x128xf32, #tpu.memory_space<hbm>>
      %dma_start3A_255 = arith.constant 0 : i32
      %dma_start3A_256 = tpu.memref_slice %arg4[%add3A_247, %dma_start3A_255] : memref<131072x128xf32, #tpu.memory_space<hbm>> -> memref<128x128xf32, #tpu.memory_space<hbm>>
      %dma_start3A_257 = arith.constant 0 : i32
      %dma_start3A_258 = arith.constant 0 : i32
      %dma_start3A_259 = tpu.memref_slice %arg7[%dma_start3A_248, %dma_start3A_257, %dma_start3A_258] : memref<4x128x128xf32, #tpu.memory_space<vmem>> -> memref<1x128x128xf32, #tpu.memory_space<vmem>>
      %dma_start3A_260 = tpu.memref_squeeze %dma_start3A_259 : memref<1x128x128xf32, #tpu.memory_space<vmem>> -> memref<128x128xf32, #tpu.memory_space<vmem>>
      tpu.enqueue_dma source(%dma_start3A_260 : memref<128x128xf32, #tpu.memory_space<vmem>>) target(%dma_start3A_256 : memref<128x128xf32, #tpu.memory_space<hbm>>) target_semaphore(%arg9 : memref<!tpu.dma_semaphore, #tpu.memory_space<semaphore_mem>>)
    }
    %scan3A_15 = arith.constant 8 : i32
    %dma_wait3A = arith.constant 0 : i32
    %dma_wait3A_16 = arith.constant 0 : i32
    %dma_wait3A_17 = arith.constant 0 : i32
    %dma_wait3A_18 = tpu.memref_slice %arg7[%dma_wait3A, %dma_wait3A_16, %dma_wait3A_17] : memref<4x128x128xf32, #tpu.memory_space<vmem>> -> memref<1x128x128xf32, #tpu.memory_space<vmem>>
    %dma_wait3A_19 = tpu.memref_squeeze %dma_wait3A_18 : memref<1x128x128xf32, #tpu.memory_space<vmem>> -> memref<128x128xf32, #tpu.memory_space<vmem>>
    %dma_wait3A_20 = arith.constant 0 : i32
    %dma_wait3A_21 = arith.constant 0 : i32
    %dma_wait3A_22 = tpu.memref_slice %arg4[%dma_wait3A_20, %dma_wait3A_21] : memref<131072x128xf32, #tpu.memory_space<hbm>> -> memref<128x128xf32, #tpu.memory_space<hbm>>
    %dma_wait3A_23 = arith.constant 0 : i32
    %dma_wait3A_24 = arith.constant 0 : i32
    %dma_wait3A_25 = tpu.memref_slice %arg4[%dma_wait3A_23, %dma_wait3A_24] : memref<131072x128xf32, #tpu.memory_space<hbm>> -> memref<128x128xf32, #tpu.memory_space<hbm>>
    %dma_wait3A_26 = arith.constant 0 : i32
    %dma_wait3A_27 = arith.constant 0 : i32
    %dma_wait3A_28 = tpu.memref_slice %arg7[%dma_wait3A, %dma_wait3A_26, %dma_wait3A_27] : memref<4x128x128xf32, #tpu.memory_space<vmem>> -> memref<1x128x128xf32, #tpu.memory_space<vmem>>
    %dma_wait3A_29 = tpu.memref_squeeze %dma_wait3A_28 : memref<1x128x128xf32, #tpu.memory_space<vmem>> -> memref<128x128xf32, #tpu.memory_space<vmem>>
    tpu.wait_dma2 semaphore(%arg9 : memref<!tpu.dma_semaphore, #tpu.memory_space<semaphore_mem>>) src(%dma_wait3A_29 : memref<128x128xf32, #tpu.memory_space<vmem>>) dst(%dma_wait3A_25 : memref<128x128xf32, #tpu.memory_space<hbm>>)
    %dma_wait3A_30 = arith.constant 1 : i32
    %dma_wait3A_31 = arith.constant 0 : i32
    %dma_wait3A_32 = arith.constant 0 : i32
    %dma_wait3A_33 = tpu.memref_slice %arg7[%dma_wait3A_30, %dma_wait3A_31, %dma_wait3A_32] : memref<4x128x128xf32, #tpu.memory_space<vmem>> -> memref<1x128x128xf32, #tpu.memory_space<vmem>>
    %dma_wait3A_34 = tpu.memref_squeeze %dma_wait3A_33 : memref<1x128x128xf32, #tpu.memory_space<vmem>> -> memref<128x128xf32, #tpu.memory_space<vmem>>
    %dma_wait3A_35 = arith.constant 0 : i32
    %dma_wait3A_36 = arith.constant 0 : i32
    %dma_wait3A_37 = tpu.memref_slice %arg4[%dma_wait3A_35, %dma_wait3A_36] : memref<131072x128xf32, #tpu.memory_space<hbm>> -> memref<128x128xf32, #tpu.memory_space<hbm>>
    %dma_wait3A_38 = arith.constant 0 : i32
    %dma_wait3A_39 = arith.constant 0 : i32
    %dma_wait3A_40 = tpu.memref_slice %arg4[%dma_wait3A_38, %dma_wait3A_39] : memref<131072x128xf32, #tpu.memory_space<hbm>> -> memref<128x128xf32, #tpu.memory_space<hbm>>
    %dma_wait3A_41 = arith.constant 0 : i32
    %dma_wait3A_42 = arith.constant 0 : i32
    %dma_wait3A_43 = tpu.memref_slice %arg7[%dma_wait3A_30, %dma_wait3A_41, %dma_wait3A_42] : memref<4x128x128xf32, #tpu.memory_space<vmem>> -> memref<1x128x128xf32, #tpu.memory_space<vmem>>
    %dma_wait3A_44 = tpu.memref_squeeze %dma_wait3A_43 : memref<1x128x128xf32, #tpu.memory_space<vmem>> -> memref<128x128xf32, #tpu.memory_space<vmem>>
    tpu.wait_dma2 semaphore(%arg9 : memref<!tpu.dma_semaphore, #tpu.memory_space<semaphore_mem>>) src(%dma_wait3A_44 : memref<128x128xf32, #tpu.memory_space<vmem>>) dst(%dma_wait3A_40 : memref<128x128xf32, #tpu.memory_space<hbm>>)
    %dma_wait3A_45 = arith.constant 2 : i32
    %dma_wait3A_46 = arith.constant 0 : i32
    %dma_wait3A_47 = arith.constant 0 : i32
    %dma_wait3A_48 = tpu.memref_slice %arg7[%dma_wait3A_45, %dma_wait3A_46, %dma_wait3A_47] : memref<4x128x128xf32, #tpu.memory_space<vmem>> -> memref<1x128x128xf32, #tpu.memory_space<vmem>>
    %dma_wait3A_49 = tpu.memref_squeeze %dma_wait3A_48 : memref<1x128x128xf32, #tpu.memory_space<vmem>> -> memref<128x128xf32, #tpu.memory_space<vmem>>
    %dma_wait3A_50 = arith.constant 0 : i32
    %dma_wait3A_51 = arith.constant 0 : i32
    %dma_wait3A_52 = tpu.memref_slice %arg4[%dma_wait3A_50, %dma_wait3A_51] : memref<131072x128xf32, #tpu.memory_space<hbm>> -> memref<128x128xf32, #tpu.memory_space<hbm>>
    %dma_wait3A_53 = arith.constant 0 : i32
    %dma_wait3A_54 = arith.constant 0 : i32
    %dma_wait3A_55 = tpu.memref_slice %arg4[%dma_wait3A_53, %dma_wait3A_54] : memref<131072x128xf32, #tpu.memory_space<hbm>> -> memref<128x128xf32, #tpu.memory_space<hbm>>
    %dma_wait3A_56 = arith.constant 0 : i32
    %dma_wait3A_57 = arith.constant 0 : i32
    %dma_wait3A_58 = tpu.memref_slice %arg7[%dma_wait3A_45, %dma_wait3A_56, %dma_wait3A_57] : memref<4x128x128xf32, #tpu.memory_space<vmem>> -> memref<1x128x128xf32, #tpu.memory_space<vmem>>
    %dma_wait3A_59 = tpu.memref_squeeze %dma_wait3A_58 : memref<1x128x128xf32, #tpu.memory_space<vmem>> -> memref<128x128xf32, #tpu.memory_space<vmem>>
    tpu.wait_dma2 semaphore(%arg9 : memref<!tpu.dma_semaphore, #tpu.memory_space<semaphore_mem>>) src(%dma_wait3A_59 : memref<128x128xf32, #tpu.memory_space<vmem>>) dst(%dma_wait3A_55 : memref<128x128xf32, #tpu.memory_space<hbm>>)
    %dma_wait3A_60 = arith.constant 3 : i32
    %dma_wait3A_61 = arith.constant 0 : i32
    %dma_wait3A_62 = arith.constant 0 : i32
    %dma_wait3A_63 = tpu.memref_slice %arg7[%dma_wait3A_60, %dma_wait3A_61, %dma_wait3A_62] : memref<4x128x128xf32, #tpu.memory_space<vmem>> -> memref<1x128x128xf32, #tpu.memory_space<vmem>>
    %dma_wait3A_64 = tpu.memref_squeeze %dma_wait3A_63 : memref<1x128x128xf32, #tpu.memory_space<vmem>> -> memref<128x128xf32, #tpu.memory_space<vmem>>
    %dma_wait3A_65 = arith.constant 0 : i32
    %dma_wait3A_66 = arith.constant 0 : i32
    %dma_wait3A_67 = tpu.memref_slice %arg4[%dma_wait3A_65, %dma_wait3A_66] : memref<131072x128xf32, #tpu.memory_space<hbm>> -> memref<128x128xf32, #tpu.memory_space<hbm>>
    %dma_wait3A_68 = arith.constant 0 : i32
    %dma_wait3A_69 = arith.constant 0 : i32
    %dma_wait3A_70 = tpu.memref_slice %arg4[%dma_wait3A_68, %dma_wait3A_69] : memref<131072x128xf32, #tpu.memory_space<hbm>> -> memref<128x128xf32, #tpu.memory_space<hbm>>
    %dma_wait3A_71 = arith.constant 0 : i32
    %dma_wait3A_72 = arith.constant 0 : i32
    %dma_wait3A_73 = tpu.memref_slice %arg7[%dma_wait3A_60, %dma_wait3A_71, %dma_wait3A_72] : memref<4x128x128xf32, #tpu.memory_space<vmem>> -> memref<1x128x128xf32, #tpu.memory_space<vmem>>
    %dma_wait3A_74 = tpu.memref_squeeze %dma_wait3A_73 : memref<1x128x128xf32, #tpu.memory_space<vmem>> -> memref<128x128xf32, #tpu.memory_space<vmem>>
    tpu.wait_dma2 semaphore(%arg9 : memref<!tpu.dma_semaphore, #tpu.memory_space<semaphore_mem>>) src(%dma_wait3A_74 : memref<128x128xf32, #tpu.memory_space<vmem>>) dst(%dma_wait3A_70 : memref<128x128xf32, #tpu.memory_space<hbm>>)
    return
  }
}

#map = affine_map<(d0, d1) -> (0, 0)>
#map1 = affine_map<(d0, d1) -> (0)>
module attributes {stable_mosaic.version = 14 : i64} {
  func.func @body(%arg0: i32, %arg1: i32, %arg2: memref<4096x128xf32, #tpu.memory_space<hbm>>, %arg3: memref<524288xi32, #tpu.memory_space<hbm>>, %arg4: memref<32768x128xf32, #tpu.memory_space<hbm>>, %arg5: memref<4096xi32, #tpu.memory_space<vmem>>, %arg6: memref<1024xi32, #tpu.memory_space<vmem>>, %arg7: memref<4x128x128xf32, #tpu.memory_space<vmem>>, %arg8: memref<!tpu.dma_semaphore, #tpu.memory_space<semaphore_mem>>, %arg9: memref<!tpu.dma_semaphore, #tpu.memory_space<semaphore_mem>>) attributes {dimension_semantics = [#tpu.dimension_semantics<core_parallel>, #tpu.dimension_semantics<subcore_parallel>], iteration_bounds = array<i64: 2, 16>, scalar_prefetch = 0 : i64, scratch_operands = 5 : i64, tpu.core_type = #tpu.core_type<sc_vector_subcore>, window_params = [{transform_indices = #map}, {transform_indices = #map1}, {transform_indices = #map}]} {
    %mul3A = arith.constant 2 : i32
    %mul3A_0 = arith.muli %arg1, %mul3A : i32
    %add3A = arith.addi %mul3A_0, %arg0 : i32
    %mul3A_1 = arith.constant 32 : i32
    %mul3A_2 = arith.muli %add3A, %mul3A_1 : i32
    %mul3A_3 = arith.constant 128 : i32
    %mul3A_4 = arith.muli %mul3A_2, %mul3A_3 : i32
    "tpu.region"() ({
      %run_scoped3A = tpu.sem_alloc : memref<!tpu.dma_semaphore, #tpu.memory_space<semaphore_mem>>
      %dma_start3A = arith.constant 0 : i32
      %dma_start3A_75 = tpu.memref_slice %arg5[%dma_start3A] : memref<4096xi32, #tpu.memory_space<vmem>> -> memref<4096xi32, #tpu.memory_space<vmem>>
      %dma_start3A_76 = tpu.memref_slice %arg3[%mul3A_4] : memref<524288xi32, #tpu.memory_space<hbm>> -> memref<4096xi32, #tpu.memory_space<hbm>>
      %dma_start3A_77 = arith.constant 0 : i32
      %dma_start3A_78 = tpu.memref_slice %arg5[%dma_start3A_77] : memref<4096xi32, #tpu.memory_space<vmem>> -> memref<4096xi32, #tpu.memory_space<vmem>>
      %dma_start3A_79 = tpu.memref_slice %arg3[%mul3A_4] : memref<524288xi32, #tpu.memory_space<hbm>> -> memref<4096xi32, #tpu.memory_space<hbm>>
      tpu.enqueue_dma source(%dma_start3A_79 : memref<4096xi32, #tpu.memory_space<hbm>>) target(%dma_start3A_78 : memref<4096xi32, #tpu.memory_space<vmem>>) target_semaphore(%run_scoped3A : memref<!tpu.dma_semaphore, #tpu.memory_space<semaphore_mem>>)
      %dma_wait3A_80 = arith.constant 0 : i32
      %dma_wait3A_81 = tpu.memref_slice %arg5[%dma_wait3A_80] : memref<4096xi32, #tpu.memory_space<vmem>> -> memref<4096xi32, #tpu.memory_space<vmem>>
      %dma_wait3A_82 = tpu.memref_slice %arg3[%mul3A_4] : memref<524288xi32, #tpu.memory_space<hbm>> -> memref<4096xi32, #tpu.memory_space<hbm>>
      %dma_wait3A_83 = arith.constant 0 : i32
      %dma_wait3A_84 = tpu.memref_slice %arg5[%dma_wait3A_83] : memref<4096xi32, #tpu.memory_space<vmem>> -> memref<4096xi32, #tpu.memory_space<vmem>>
      %dma_wait3A_85 = tpu.memref_slice %arg3[%mul3A_4] : memref<524288xi32, #tpu.memory_space<hbm>> -> memref<4096xi32, #tpu.memory_space<hbm>>
      tpu.wait_dma2 semaphore(%run_scoped3A : memref<!tpu.dma_semaphore, #tpu.memory_space<semaphore_mem>>) src(%dma_wait3A_85 : memref<4096xi32, #tpu.memory_space<hbm>>) dst(%dma_wait3A_84 : memref<4096xi32, #tpu.memory_space<vmem>>)
      tpu.yield
    }) : () -> ()
    %scan3A = arith.constant 0 : i32
    %scan3A_5 = arith.constant 0 : i32
    %scan3A_6 = arith.constant 32 : i32
    %scan3A_7 = arith.addi %scan3A_5, %scan3A_6 : i32
    %scan3A_8 = arith.constant 1 : i32
    scf.for %scan3A_75 = %scan3A_5 to %scan3A_7 step %scan3A_8  : i32 {
      %mul3A_76 = arith.constant 128 : i32
      %mul3A_77 = arith.muli %scan3A_75, %mul3A_76 : i32
      %add3A_78 = arith.constant 0 : i32
      %add3A_79 = arith.addi %mul3A_77, %add3A_78 : i32
      %get3A = arith.index_cast %add3A_79 : i32 to index
      %get3A_80 = tpu.vector_load %arg5[%get3A] {strides = array<i32>} : memref<4096xi32, #tpu.memory_space<vmem>>, vector<16xi32>,
      %get3A_81 = vector.shape_cast %get3A_80 : vector<16xi32> to vector<16xi32>
      %mul3A_82 = arith.constant 32 : i32
      %mul3A_83 = arith.muli %scan3A_75, %mul3A_82 : i32
      %add3A_84 = arith.constant 0 : i32
      %add3A_85 = arith.addi %mul3A_83, %add3A_84 : i32
      %swap3A = arith.index_cast %add3A_85 : i32 to index
      %swap3A_86 = tpu.vector_load %arg6[%swap3A] {strides = array<i32>} : memref<1024xi32, #tpu.memory_space<vmem>>, vector<16xi32>,
      %swap3A_87 = vector.shape_cast %swap3A_86 : vector<16xi32> to vector<16xi32>
      %swap3A_88 = vector.shape_cast %get3A_81 : vector<16xi32> to vector<16xi32>
      tpu.vector_store %arg6[%swap3A], %swap3A_88 {strides = array<i32>} : memref<1024xi32, #tpu.memory_space<vmem>>, vector<16xi32>,
      %mul3A_89 = arith.constant 128 : i32
      %mul3A_90 = arith.muli %scan3A_75, %mul3A_89 : i32
      %add3A_91 = arith.constant 16 : i32
      %add3A_92 = arith.addi %mul3A_90, %add3A_91 : i32
      %get3A_93 = arith.index_cast %add3A_92 : i32 to index
      %get3A_94 = tpu.vector_load %arg5[%get3A_93] {strides = array<i32>} : memref<4096xi32, #tpu.memory_space<vmem>>, vector<16xi32>,
      %get3A_95 = vector.shape_cast %get3A_94 : vector<16xi32> to vector<16xi32>
      %mul3A_96 = arith.constant 32 : i32
      %mul3A_97 = arith.muli %scan3A_75, %mul3A_96 : i32
      %add3A_98 = arith.constant 16 : i32
      %add3A_99 = arith.addi %mul3A_97, %add3A_98 : i32
      %swap3A_100 = arith.index_cast %add3A_99 : i32 to index
      %swap3A_101 = tpu.vector_load %arg6[%swap3A_100] {strides = array<i32>} : memref<1024xi32, #tpu.memory_space<vmem>>, vector<16xi32>,
      %swap3A_102 = vector.shape_cast %swap3A_101 : vector<16xi32> to vector<16xi32>
      %swap3A_103 = vector.shape_cast %get3A_95 : vector<16xi32> to vector<16xi32>
      tpu.vector_store %arg6[%swap3A_100], %swap3A_103 {strides = array<i32>} : memref<1024xi32, #tpu.memory_space<vmem>>, vector<16xi32>,
    }
    %scan3A_9 = arith.constant 32 : i32
    %scan3A_10 = arith.constant 0 : i32
    %scan3A_11 = arith.constant 0 : i32
    %scan3A_12 = arith.constant 2 : i32
    %scan3A_13 = arith.addi %scan3A_11, %scan3A_12 : i32
    %scan3A_14 = arith.constant 1 : i32
    scf.for %scan3A_75 = %scan3A_11 to %scan3A_13 step %scan3A_14  : i32 {
      %gt3A = arith.constant 0 : i32
      %gt3A_76 = arith.cmpi sgt, %scan3A_75, %gt3A : i32
      %convert_element_type3A = arith.extui %gt3A_76 : i1 to i32
      %cond3A = arith.constant 0 : i32
      %cond3A_77 = arith.cmpi ne, %convert_element_type3A, %cond3A : i32
      scf.if %cond3A_77 {
        %dma_wait3A_261 = arith.constant 0 : i32
        %dma_wait3A_262 = arith.constant 0 : i32
        %dma_wait3A_263 = arith.constant 0 : i32
        %dma_wait3A_264 = tpu.memref_slice %arg7[%dma_wait3A_261, %dma_wait3A_262, %dma_wait3A_263] : memref<4x128x128xf32, #tpu.memory_space<vmem>> -> memref<1x128x128xf32, #tpu.memory_space<vmem>>
        %dma_wait3A_265 = tpu.memref_squeeze %dma_wait3A_264 : memref<1x128x128xf32, #tpu.memory_space<vmem>> -> memref<128x128xf32, #tpu.memory_space<vmem>>
        %dma_wait3A_266 = arith.constant 0 : i32
        %dma_wait3A_267 = arith.constant 0 : i32
        %dma_wait3A_268 = tpu.memref_slice %arg4[%dma_wait3A_266, %dma_wait3A_267] : memref<32768x128xf32, #tpu.memory_space<hbm>> -> memref<128x128xf32, #tpu.memory_space<hbm>>
        %dma_wait3A_269 = arith.constant 0 : i32
        %dma_wait3A_270 = arith.constant 0 : i32
        %dma_wait3A_271 = tpu.memref_slice %arg4[%dma_wait3A_269, %dma_wait3A_270] : memref<32768x128xf32, #tpu.memory_space<hbm>> -> memref<128x128xf32, #tpu.memory_space<hbm>>
        %dma_wait3A_272 = arith.constant 0 : i32
        %dma_wait3A_273 = arith.constant 0 : i32
        %dma_wait3A_274 = tpu.memref_slice %arg7[%dma_wait3A_261, %dma_wait3A_272, %dma_wait3A_273] : memref<4x128x128xf32, #tpu.memory_space<vmem>> -> memref<1x128x128xf32, #tpu.memory_space<vmem>>
        %dma_wait3A_275 = tpu.memref_squeeze %dma_wait3A_274 : memref<1x128x128xf32, #tpu.memory_space<vmem>> -> memref<128x128xf32, #tpu.memory_space<vmem>>
        tpu.wait_dma2 semaphore(%arg9 : memref<!tpu.dma_semaphore, #tpu.memory_space<semaphore_mem>>) src(%dma_wait3A_275 : memref<128x128xf32, #tpu.memory_space<vmem>>) dst(%dma_wait3A_271 : memref<128x128xf32, #tpu.memory_space<hbm>>)
        %dma_wait3A_276 = arith.constant 1 : i32
        %dma_wait3A_277 = arith.constant 0 : i32
        %dma_wait3A_278 = arith.constant 0 : i32
        %dma_wait3A_279 = tpu.memref_slice %arg7[%dma_wait3A_276, %dma_wait3A_277, %dma_wait3A_278] : memref<4x128x128xf32, #tpu.memory_space<vmem>> -> memref<1x128x128xf32, #tpu.memory_space<vmem>>
        %dma_wait3A_280 = tpu.memref_squeeze %dma_wait3A_279 : memref<1x128x128xf32, #tpu.memory_space<vmem>> -> memref<128x128xf32, #tpu.memory_space<vmem>>
        %dma_wait3A_281 = arith.constant 0 : i32
        %dma_wait3A_282 = arith.constant 0 : i32
        %dma_wait3A_283 = tpu.memref_slice %arg4[%dma_wait3A_281, %dma_wait3A_282] : memref<32768x128xf32, #tpu.memory_space<hbm>> -> memref<128x128xf32, #tpu.memory_space<hbm>>
        %dma_wait3A_284 = arith.constant 0 : i32
        %dma_wait3A_285 = arith.constant 0 : i32
        %dma_wait3A_286 = tpu.memref_slice %arg4[%dma_wait3A_284, %dma_wait3A_285] : memref<32768x128xf32, #tpu.memory_space<hbm>> -> memref<128x128xf32, #tpu.memory_space<hbm>>
        %dma_wait3A_287 = arith.constant 0 : i32
        %dma_wait3A_288 = arith.constant 0 : i32
        %dma_wait3A_289 = tpu.memref_slice %arg7[%dma_wait3A_276, %dma_wait3A_287, %dma_wait3A_288] : memref<4x128x128xf32, #tpu.memory_space<vmem>> -> memref<1x128x128xf32, #tpu.memory_space<vmem>>
        %dma_wait3A_290 = tpu.memref_squeeze %dma_wait3A_289 : memref<1x128x128xf32, #tpu.memory_space<vmem>> -> memref<128x128xf32, #tpu.memory_space<vmem>>
        tpu.wait_dma2 semaphore(%arg9 : memref<!tpu.dma_semaphore, #tpu.memory_space<semaphore_mem>>) src(%dma_wait3A_290 : memref<128x128xf32, #tpu.memory_space<vmem>>) dst(%dma_wait3A_286 : memref<128x128xf32, #tpu.memory_space<hbm>>)
        %dma_wait3A_291 = arith.constant 2 : i32
        %dma_wait3A_292 = arith.constant 0 : i32
        %dma_wait3A_293 = arith.constant 0 : i32
        %dma_wait3A_294 = tpu.memref_slice %arg7[%dma_wait3A_291, %dma_wait3A_292, %dma_wait3A_293] : memref<4x128x128xf32, #tpu.memory_space<vmem>> -> memref<1x128x128xf32, #tpu.memory_space<vmem>>
        %dma_wait3A_295 = tpu.memref_squeeze %dma_wait3A_294 : memref<1x128x128xf32, #tpu.memory_space<vmem>> -> memref<128x128xf32, #tpu.memory_space<vmem>>
        %dma_wait3A_296 = arith.constant 0 : i32
        %dma_wait3A_297 = arith.constant 0 : i32
        %dma_wait3A_298 = tpu.memref_slice %arg4[%dma_wait3A_296, %dma_wait3A_297] : memref<32768x128xf32, #tpu.memory_space<hbm>> -> memref<128x128xf32, #tpu.memory_space<hbm>>
        %dma_wait3A_299 = arith.constant 0 : i32
        %dma_wait3A_300 = arith.constant 0 : i32
        %dma_wait3A_301 = tpu.memref_slice %arg4[%dma_wait3A_299, %dma_wait3A_300] : memref<32768x128xf32, #tpu.memory_space<hbm>> -> memref<128x128xf32, #tpu.memory_space<hbm>>
        %dma_wait3A_302 = arith.constant 0 : i32
        %dma_wait3A_303 = arith.constant 0 : i32
        %dma_wait3A_304 = tpu.memref_slice %arg7[%dma_wait3A_291, %dma_wait3A_302, %dma_wait3A_303] : memref<4x128x128xf32, #tpu.memory_space<vmem>> -> memref<1x128x128xf32, #tpu.memory_space<vmem>>
        %dma_wait3A_305 = tpu.memref_squeeze %dma_wait3A_304 : memref<1x128x128xf32, #tpu.memory_space<vmem>> -> memref<128x128xf32, #tpu.memory_space<vmem>>
        tpu.wait_dma2 semaphore(%arg9 : memref<!tpu.dma_semaphore, #tpu.memory_space<semaphore_mem>>) src(%dma_wait3A_305 : memref<128x128xf32, #tpu.memory_space<vmem>>) dst(%dma_wait3A_301 : memref<128x128xf32, #tpu.memory_space<hbm>>)
        %dma_wait3A_306 = arith.constant 3 : i32
        %dma_wait3A_307 = arith.constant 0 : i32
        %dma_wait3A_308 = arith.constant 0 : i32
        %dma_wait3A_309 = tpu.memref_slice %arg7[%dma_wait3A_306, %dma_wait3A_307, %dma_wait3A_308] : memref<4x128x128xf32, #tpu.memory_space<vmem>> -> memref<1x128x128xf32, #tpu.memory_space<vmem>>
        %dma_wait3A_310 = tpu.memref_squeeze %dma_wait3A_309 : memref<1x128x128xf32, #tpu.memory_space<vmem>> -> memref<128x128xf32, #tpu.memory_space<vmem>>
        %dma_wait3A_311 = arith.constant 0 : i32
        %dma_wait3A_312 = arith.constant 0 : i32
        %dma_wait3A_313 = tpu.memref_slice %arg4[%dma_wait3A_311, %dma_wait3A_312] : memref<32768x128xf32, #tpu.memory_space<hbm>> -> memref<128x128xf32, #tpu.memory_space<hbm>>
        %dma_wait3A_314 = arith.constant 0 : i32
        %dma_wait3A_315 = arith.constant 0 : i32
        %dma_wait3A_316 = tpu.memref_slice %arg4[%dma_wait3A_314, %dma_wait3A_315] : memref<32768x128xf32, #tpu.memory_space<hbm>> -> memref<128x128xf32, #tpu.memory_space<hbm>>
        %dma_wait3A_317 = arith.constant 0 : i32
        %dma_wait3A_318 = arith.constant 0 : i32
        %dma_wait3A_319 = tpu.memref_slice %arg7[%dma_wait3A_306, %dma_wait3A_317, %dma_wait3A_318] : memref<4x128x128xf32, #tpu.memory_space<vmem>> -> memref<1x128x128xf32, #tpu.memory_space<vmem>>
        %dma_wait3A_320 = tpu.memref_squeeze %dma_wait3A_319 : memref<1x128x128xf32, #tpu.memory_space<vmem>> -> memref<128x128xf32, #tpu.memory_space<vmem>>
        tpu.wait_dma2 semaphore(%arg9 : memref<!tpu.dma_semaphore, #tpu.memory_space<semaphore_mem>>) src(%dma_wait3A_320 : memref<128x128xf32, #tpu.memory_space<vmem>>) dst(%dma_wait3A_316 : memref<128x128xf32, #tpu.memory_space<hbm>>)
      } else {
      }
      %mul3A_78 = arith.constant 4 : i32
      %mul3A_79 = arith.muli %scan3A_75, %mul3A_78 : i32
      %add3A_80 = arith.constant 0 : i32
      %add3A_81 = arith.addi %mul3A_79, %add3A_80 : i32
      %mul3A_82 = arith.constant 128 : i32
      %mul3A_83 = arith.muli %add3A_81, %mul3A_82 : i32
      %dma_start3A = arith.constant 0 : i32
      %dma_start3A_84 = arith.constant 0 : i32
      %dma_start3A_85 = arith.constant 0 : i32
      %dma_start3A_86 = tpu.memref_slice %arg7[%dma_start3A, %dma_start3A_84, %dma_start3A_85] : memref<4x128x128xf32, #tpu.memory_space<vmem>> -> memref<1x128x128xf32, #tpu.memory_space<vmem>>
      %dma_start3A_87 = tpu.memref_squeeze %dma_start3A_86 : memref<1x128x128xf32, #tpu.memory_space<vmem>> -> memref<128x128xf32, #tpu.memory_space<vmem>>
      %dma_start3A_88 = tpu.memref_slice %arg6[%mul3A_83] : memref<1024xi32, #tpu.memory_space<vmem>> -> memref<128xi32, #tpu.memory_space<vmem>>
      %dma_start3A_89 = arith.constant 0 : i32
      %dma_start3A_90 = arith.constant 0 : i32
      %dma_start3A_91 = tpu.memref_slice %arg2[%dma_start3A_89, %dma_start3A_90] : memref<4096x128xf32, #tpu.memory_space<hbm>> -> memref<4096x128xf32, #tpu.memory_space<hbm>>
      tpu.enqueue_indirect_dma source(%dma_start3A_91 : memref<4096x128xf32, #tpu.memory_space<hbm>>) target(%dma_start3A_87 : memref<128x128xf32, #tpu.memory_space<vmem>>) offsets(%dma_start3A_88 : memref<128xi32, #tpu.memory_space<vmem>>) semaphore(%arg8 : memref<!tpu.dma_semaphore, #tpu.memory_space<semaphore_mem>>)
      %mul3A_92 = arith.constant 4 : i32
      %mul3A_93 = arith.muli %scan3A_75, %mul3A_92 : i32
      %add3A_94 = arith.constant 1 : i32
      %add3A_95 = arith.addi %mul3A_93, %add3A_94 : i32
      %mul3A_96 = arith.constant 128 : i32
      %mul3A_97 = arith.muli %add3A_95, %mul3A_96 : i32
      %dma_start3A_98 = arith.constant 1 : i32
      %dma_start3A_99 = arith.constant 0 : i32
      %dma_start3A_100 = arith.constant 0 : i32
      %dma_start3A_101 = tpu.memref_slice %arg7[%dma_start3A_98, %dma_start3A_99, %dma_start3A_100] : memref<4x128x128xf32, #tpu.memory_space<vmem>> -> memref<1x128x128xf32, #tpu.memory_space<vmem>>
      %dma_start3A_102 = tpu.memref_squeeze %dma_start3A_101 : memref<1x128x128xf32, #tpu.memory_space<vmem>> -> memref<128x128xf32, #tpu.memory_space<vmem>>
      %dma_start3A_103 = tpu.memref_slice %arg6[%mul3A_97] : memref<1024xi32, #tpu.memory_space<vmem>> -> memref<128xi32, #tpu.memory_space<vmem>>
      %dma_start3A_104 = arith.constant 0 : i32
      %dma_start3A_105 = arith.constant 0 : i32
      %dma_start3A_106 = tpu.memref_slice %arg2[%dma_start3A_104, %dma_start3A_105] : memref<4096x128xf32, #tpu.memory_space<hbm>> -> memref<4096x128xf32, #tpu.memory_space<hbm>>
      tpu.enqueue_indirect_dma source(%dma_start3A_106 : memref<4096x128xf32, #tpu.memory_space<hbm>>) target(%dma_start3A_102 : memref<128x128xf32, #tpu.memory_space<vmem>>) offsets(%dma_start3A_103 : memref<128xi32, #tpu.memory_space<vmem>>) semaphore(%arg8 : memref<!tpu.dma_semaphore, #tpu.memory_space<semaphore_mem>>)
      %mul3A_107 = arith.constant 4 : i32
      %mul3A_108 = arith.muli %scan3A_75, %mul3A_107 : i32
      %add3A_109 = arith.constant 2 : i32
      %add3A_110 = arith.addi %mul3A_108, %add3A_109 : i32
      %mul3A_111 = arith.constant 128 : i32
      %mul3A_112 = arith.muli %add3A_110, %mul3A_111 : i32
      %dma_start3A_113 = arith.constant 2 : i32
      %dma_start3A_114 = arith.constant 0 : i32
      %dma_start3A_115 = arith.constant 0 : i32
      %dma_start3A_116 = tpu.memref_slice %arg7[%dma_start3A_113, %dma_start3A_114, %dma_start3A_115] : memref<4x128x128xf32, #tpu.memory_space<vmem>> -> memref<1x128x128xf32, #tpu.memory_space<vmem>>
      %dma_start3A_117 = tpu.memref_squeeze %dma_start3A_116 : memref<1x128x128xf32, #tpu.memory_space<vmem>> -> memref<128x128xf32, #tpu.memory_space<vmem>>
      %dma_start3A_118 = tpu.memref_slice %arg6[%mul3A_112] : memref<1024xi32, #tpu.memory_space<vmem>> -> memref<128xi32, #tpu.memory_space<vmem>>
      %dma_start3A_119 = arith.constant 0 : i32
      %dma_start3A_120 = arith.constant 0 : i32
      %dma_start3A_121 = tpu.memref_slice %arg2[%dma_start3A_119, %dma_start3A_120] : memref<4096x128xf32, #tpu.memory_space<hbm>> -> memref<4096x128xf32, #tpu.memory_space<hbm>>
      tpu.enqueue_indirect_dma source(%dma_start3A_121 : memref<4096x128xf32, #tpu.memory_space<hbm>>) target(%dma_start3A_117 : memref<128x128xf32, #tpu.memory_space<vmem>>) offsets(%dma_start3A_118 : memref<128xi32, #tpu.memory_space<vmem>>) semaphore(%arg8 : memref<!tpu.dma_semaphore, #tpu.memory_space<semaphore_mem>>)
      %mul3A_122 = arith.constant 4 : i32
      %mul3A_123 = arith.muli %scan3A_75, %mul3A_122 : i32
      %add3A_124 = arith.constant 3 : i32
      %add3A_125 = arith.addi %mul3A_123, %add3A_124 : i32
      %mul3A_126 = arith.constant 128 : i32
      %mul3A_127 = arith.muli %add3A_125, %mul3A_126 : i32
      %dma_start3A_128 = arith.constant 3 : i32
      %dma_start3A_129 = arith.constant 0 : i32
      %dma_start3A_130 = arith.constant 0 : i32
      %dma_start3A_131 = tpu.memref_slice %arg7[%dma_start3A_128, %dma_start3A_129, %dma_start3A_130] : memref<4x128x128xf32, #tpu.memory_space<vmem>> -> memref<1x128x128xf32, #tpu.memory_space<vmem>>
      %dma_start3A_132 = tpu.memref_squeeze %dma_start3A_131 : memref<1x128x128xf32, #tpu.memory_space<vmem>> -> memref<128x128xf32, #tpu.memory_space<vmem>>
      %dma_start3A_133 = tpu.memref_slice %arg6[%mul3A_127] : memref<1024xi32, #tpu.memory_space<vmem>> -> memref<128xi32, #tpu.memory_space<vmem>>
      %dma_start3A_134 = arith.constant 0 : i32
      %dma_start3A_135 = arith.constant 0 : i32
      %dma_start3A_136 = tpu.memref_slice %arg2[%dma_start3A_134, %dma_start3A_135] : memref<4096x128xf32, #tpu.memory_space<hbm>> -> memref<4096x128xf32, #tpu.memory_space<hbm>>
      tpu.enqueue_indirect_dma source(%dma_start3A_136 : memref<4096x128xf32, #tpu.memory_space<hbm>>) target(%dma_start3A_132 : memref<128x128xf32, #tpu.memory_space<vmem>>) offsets(%dma_start3A_133 : memref<128xi32, #tpu.memory_space<vmem>>) semaphore(%arg8 : memref<!tpu.dma_semaphore, #tpu.memory_space<semaphore_mem>>)
      %dma_wait3A_137 = arith.constant 0 : i32
      %dma_wait3A_138 = arith.constant 0 : i32
      %dma_wait3A_139 = arith.constant 0 : i32
      %dma_wait3A_140 = tpu.memref_slice %arg7[%dma_wait3A_137, %dma_wait3A_138, %dma_wait3A_139] : memref<4x128x128xf32, #tpu.memory_space<vmem>> -> memref<1x128x128xf32, #tpu.memory_space<vmem>>
      %dma_wait3A_141 = tpu.memref_squeeze %dma_wait3A_140 : memref<1x128x128xf32, #tpu.memory_space<vmem>> -> memref<128x128xf32, #tpu.memory_space<vmem>>
      %dma_wait3A_142 = tpu.memref_slice %arg6[%mul3A_83] : memref<1024xi32, #tpu.memory_space<vmem>> -> memref<128xi32, #tpu.memory_space<vmem>>
      %dma_wait3A_143 = arith.constant 0 : i32
      %dma_wait3A_144 = arith.constant 0 : i32
      %dma_wait3A_145 = tpu.memref_slice %arg2[%dma_wait3A_143, %dma_wait3A_144] : memref<4096x128xf32, #tpu.memory_space<hbm>> -> memref<4096x128xf32, #tpu.memory_space<hbm>>
      tpu.wait_indirect_dma semaphore(%arg8 : memref<!tpu.dma_semaphore, #tpu.memory_space<semaphore_mem>>) src(%dma_wait3A_145 : memref<4096x128xf32, #tpu.memory_space<hbm>>) dst(%dma_wait3A_141 : memref<128x128xf32, #tpu.memory_space<vmem>>)
      %dma_wait3A_146 = arith.constant 1 : i32
      %dma_wait3A_147 = arith.constant 0 : i32
      %dma_wait3A_148 = arith.constant 0 : i32
      %dma_wait3A_149 = tpu.memref_slice %arg7[%dma_wait3A_146, %dma_wait3A_147, %dma_wait3A_148] : memref<4x128x128xf32, #tpu.memory_space<vmem>> -> memref<1x128x128xf32, #tpu.memory_space<vmem>>
      %dma_wait3A_150 = tpu.memref_squeeze %dma_wait3A_149 : memref<1x128x128xf32, #tpu.memory_space<vmem>> -> memref<128x128xf32, #tpu.memory_space<vmem>>
      %dma_wait3A_151 = tpu.memref_slice %arg6[%mul3A_97] : memref<1024xi32, #tpu.memory_space<vmem>> -> memref<128xi32, #tpu.memory_space<vmem>>
      %dma_wait3A_152 = arith.constant 0 : i32
      %dma_wait3A_153 = arith.constant 0 : i32
      %dma_wait3A_154 = tpu.memref_slice %arg2[%dma_wait3A_152, %dma_wait3A_153] : memref<4096x128xf32, #tpu.memory_space<hbm>> -> memref<4096x128xf32, #tpu.memory_space<hbm>>
      tpu.wait_indirect_dma semaphore(%arg8 : memref<!tpu.dma_semaphore, #tpu.memory_space<semaphore_mem>>) src(%dma_wait3A_154 : memref<4096x128xf32, #tpu.memory_space<hbm>>) dst(%dma_wait3A_150 : memref<128x128xf32, #tpu.memory_space<vmem>>)
      %dma_wait3A_155 = arith.constant 2 : i32
      %dma_wait3A_156 = arith.constant 0 : i32
      %dma_wait3A_157 = arith.constant 0 : i32
      %dma_wait3A_158 = tpu.memref_slice %arg7[%dma_wait3A_155, %dma_wait3A_156, %dma_wait3A_157] : memref<4x128x128xf32, #tpu.memory_space<vmem>> -> memref<1x128x128xf32, #tpu.memory_space<vmem>>
      %dma_wait3A_159 = tpu.memref_squeeze %dma_wait3A_158 : memref<1x128x128xf32, #tpu.memory_space<vmem>> -> memref<128x128xf32, #tpu.memory_space<vmem>>
      %dma_wait3A_160 = tpu.memref_slice %arg6[%mul3A_112] : memref<1024xi32, #tpu.memory_space<vmem>> -> memref<128xi32, #tpu.memory_space<vmem>>
      %dma_wait3A_161 = arith.constant 0 : i32
      %dma_wait3A_162 = arith.constant 0 : i32
      %dma_wait3A_163 = tpu.memref_slice %arg2[%dma_wait3A_161, %dma_wait3A_162] : memref<4096x128xf32, #tpu.memory_space<hbm>> -> memref<4096x128xf32, #tpu.memory_space<hbm>>
      tpu.wait_indirect_dma semaphore(%arg8 : memref<!tpu.dma_semaphore, #tpu.memory_space<semaphore_mem>>) src(%dma_wait3A_163 : memref<4096x128xf32, #tpu.memory_space<hbm>>) dst(%dma_wait3A_159 : memref<128x128xf32, #tpu.memory_space<vmem>>)
      %dma_wait3A_164 = arith.constant 3 : i32
      %dma_wait3A_165 = arith.constant 0 : i32
      %dma_wait3A_166 = arith.constant 0 : i32
      %dma_wait3A_167 = tpu.memref_slice %arg7[%dma_wait3A_164, %dma_wait3A_165, %dma_wait3A_166] : memref<4x128x128xf32, #tpu.memory_space<vmem>> -> memref<1x128x128xf32, #tpu.memory_space<vmem>>
      %dma_wait3A_168 = tpu.memref_squeeze %dma_wait3A_167 : memref<1x128x128xf32, #tpu.memory_space<vmem>> -> memref<128x128xf32, #tpu.memory_space<vmem>>
      %dma_wait3A_169 = tpu.memref_slice %arg6[%mul3A_127] : memref<1024xi32, #tpu.memory_space<vmem>> -> memref<128xi32, #tpu.memory_space<vmem>>
      %dma_wait3A_170 = arith.constant 0 : i32
      %dma_wait3A_171 = arith.constant 0 : i32
      %dma_wait3A_172 = tpu.memref_slice %arg2[%dma_wait3A_170, %dma_wait3A_171] : memref<4096x128xf32, #tpu.memory_space<hbm>> -> memref<4096x128xf32, #tpu.memory_space<hbm>>
      tpu.wait_indirect_dma semaphore(%arg8 : memref<!tpu.dma_semaphore, #tpu.memory_space<semaphore_mem>>) src(%dma_wait3A_172 : memref<4096x128xf32, #tpu.memory_space<hbm>>) dst(%dma_wait3A_168 : memref<128x128xf32, #tpu.memory_space<vmem>>)
      %mul3A_173 = arith.constant 4 : i32
      %mul3A_174 = arith.muli %scan3A_75, %mul3A_173 : i32
      %add3A_175 = arith.constant 0 : i32
      %add3A_176 = arith.addi %mul3A_174, %add3A_175 : i32
      %mul3A_177 = arith.constant 128 : i32
      %mul3A_178 = arith.muli %add3A_176, %mul3A_177 : i32
      %mul3A_179 = arith.constant 32 : i32
      %mul3A_180 = arith.muli %mul3A_2, %mul3A_179 : i32
      %add3A_181 = arith.addi %mul3A_180, %mul3A_178 : i32
      %dma_start3A_182 = arith.constant 0 : i32
      %dma_start3A_183 = arith.constant 0 : i32
      %dma_start3A_184 = arith.constant 0 : i32
      %dma_start3A_185 = tpu.memref_slice %arg7[%dma_start3A_182, %dma_start3A_183, %dma_start3A_184] : memref<4x128x128xf32, #tpu.memory_space<vmem>> -> memref<1x128x128xf32, #tpu.memory_space<vmem>>
      %dma_start3A_186 = tpu.memref_squeeze %dma_start3A_185 : memref<1x128x128xf32, #tpu.memory_space<vmem>> -> memref<128x128xf32, #tpu.memory_space<vmem>>
      %dma_start3A_187 = arith.constant 0 : i32
      %dma_start3A_188 = tpu.memref_slice %arg4[%add3A_181, %dma_start3A_187] : memref<32768x128xf32, #tpu.memory_space<hbm>> -> memref<128x128xf32, #tpu.memory_space<hbm>>
      %dma_start3A_189 = arith.constant 0 : i32
      %dma_start3A_190 = tpu.memref_slice %arg4[%add3A_181, %dma_start3A_189] : memref<32768x128xf32, #tpu.memory_space<hbm>> -> memref<128x128xf32, #tpu.memory_space<hbm>>
      %dma_start3A_191 = arith.constant 0 : i32
      %dma_start3A_192 = arith.constant 0 : i32
      %dma_start3A_193 = tpu.memref_slice %arg7[%dma_start3A_182, %dma_start3A_191, %dma_start3A_192] : memref<4x128x128xf32, #tpu.memory_space<vmem>> -> memref<1x128x128xf32, #tpu.memory_space<vmem>>
      %dma_start3A_194 = tpu.memref_squeeze %dma_start3A_193 : memref<1x128x128xf32, #tpu.memory_space<vmem>> -> memref<128x128xf32, #tpu.memory_space<vmem>>
      tpu.enqueue_dma source(%dma_start3A_194 : memref<128x128xf32, #tpu.memory_space<vmem>>) target(%dma_start3A_190 : memref<128x128xf32, #tpu.memory_space<hbm>>) target_semaphore(%arg9 : memref<!tpu.dma_semaphore, #tpu.memory_space<semaphore_mem>>)
      %mul3A_195 = arith.constant 4 : i32
      %mul3A_196 = arith.muli %scan3A_75, %mul3A_195 : i32
      %add3A_197 = arith.constant 1 : i32
      %add3A_198 = arith.addi %mul3A_196, %add3A_197 : i32
      %mul3A_199 = arith.constant 128 : i32
      %mul3A_200 = arith.muli %add3A_198, %mul3A_199 : i32
      %mul3A_201 = arith.constant 32 : i32
      %mul3A_202 = arith.muli %mul3A_2, %mul3A_201 : i32
      %add3A_203 = arith.addi %mul3A_202, %mul3A_200 : i32
      %dma_start3A_204 = arith.constant 1 : i32
      %dma_start3A_205 = arith.constant 0 : i32
      %dma_start3A_206 = arith.constant 0 : i32
      %dma_start3A_207 = tpu.memref_slice %arg7[%dma_start3A_204, %dma_start3A_205, %dma_start3A_206] : memref<4x128x128xf32, #tpu.memory_space<vmem>> -> memref<1x128x128xf32, #tpu.memory_space<vmem>>
      %dma_start3A_208 = tpu.memref_squeeze %dma_start3A_207 : memref<1x128x128xf32, #tpu.memory_space<vmem>> -> memref<128x128xf32, #tpu.memory_space<vmem>>
      %dma_start3A_209 = arith.constant 0 : i32
      %dma_start3A_210 = tpu.memref_slice %arg4[%add3A_203, %dma_start3A_209] : memref<32768x128xf32, #tpu.memory_space<hbm>> -> memref<128x128xf32, #tpu.memory_space<hbm>>
      %dma_start3A_211 = arith.constant 0 : i32
      %dma_start3A_212 = tpu.memref_slice %arg4[%add3A_203, %dma_start3A_211] : memref<32768x128xf32, #tpu.memory_space<hbm>> -> memref<128x128xf32, #tpu.memory_space<hbm>>
      %dma_start3A_213 = arith.constant 0 : i32
      %dma_start3A_214 = arith.constant 0 : i32
      %dma_start3A_215 = tpu.memref_slice %arg7[%dma_start3A_204, %dma_start3A_213, %dma_start3A_214] : memref<4x128x128xf32, #tpu.memory_space<vmem>> -> memref<1x128x128xf32, #tpu.memory_space<vmem>>
      %dma_start3A_216 = tpu.memref_squeeze %dma_start3A_215 : memref<1x128x128xf32, #tpu.memory_space<vmem>> -> memref<128x128xf32, #tpu.memory_space<vmem>>
      tpu.enqueue_dma source(%dma_start3A_216 : memref<128x128xf32, #tpu.memory_space<vmem>>) target(%dma_start3A_212 : memref<128x128xf32, #tpu.memory_space<hbm>>) target_semaphore(%arg9 : memref<!tpu.dma_semaphore, #tpu.memory_space<semaphore_mem>>)
      %mul3A_217 = arith.constant 4 : i32
      %mul3A_218 = arith.muli %scan3A_75, %mul3A_217 : i32
      %add3A_219 = arith.constant 2 : i32
      %add3A_220 = arith.addi %mul3A_218, %add3A_219 : i32
      %mul3A_221 = arith.constant 128 : i32
      %mul3A_222 = arith.muli %add3A_220, %mul3A_221 : i32
      %mul3A_223 = arith.constant 32 : i32
      %mul3A_224 = arith.muli %mul3A_2, %mul3A_223 : i32
      %add3A_225 = arith.addi %mul3A_224, %mul3A_222 : i32
      %dma_start3A_226 = arith.constant 2 : i32
      %dma_start3A_227 = arith.constant 0 : i32
      %dma_start3A_228 = arith.constant 0 : i32
      %dma_start3A_229 = tpu.memref_slice %arg7[%dma_start3A_226, %dma_start3A_227, %dma_start3A_228] : memref<4x128x128xf32, #tpu.memory_space<vmem>> -> memref<1x128x128xf32, #tpu.memory_space<vmem>>
      %dma_start3A_230 = tpu.memref_squeeze %dma_start3A_229 : memref<1x128x128xf32, #tpu.memory_space<vmem>> -> memref<128x128xf32, #tpu.memory_space<vmem>>
      %dma_start3A_231 = arith.constant 0 : i32
      %dma_start3A_232 = tpu.memref_slice %arg4[%add3A_225, %dma_start3A_231] : memref<32768x128xf32, #tpu.memory_space<hbm>> -> memref<128x128xf32, #tpu.memory_space<hbm>>
      %dma_start3A_233 = arith.constant 0 : i32
      %dma_start3A_234 = tpu.memref_slice %arg4[%add3A_225, %dma_start3A_233] : memref<32768x128xf32, #tpu.memory_space<hbm>> -> memref<128x128xf32, #tpu.memory_space<hbm>>
      %dma_start3A_235 = arith.constant 0 : i32
      %dma_start3A_236 = arith.constant 0 : i32
      %dma_start3A_237 = tpu.memref_slice %arg7[%dma_start3A_226, %dma_start3A_235, %dma_start3A_236] : memref<4x128x128xf32, #tpu.memory_space<vmem>> -> memref<1x128x128xf32, #tpu.memory_space<vmem>>
      %dma_start3A_238 = tpu.memref_squeeze %dma_start3A_237 : memref<1x128x128xf32, #tpu.memory_space<vmem>> -> memref<128x128xf32, #tpu.memory_space<vmem>>
      tpu.enqueue_dma source(%dma_start3A_238 : memref<128x128xf32, #tpu.memory_space<vmem>>) target(%dma_start3A_234 : memref<128x128xf32, #tpu.memory_space<hbm>>) target_semaphore(%arg9 : memref<!tpu.dma_semaphore, #tpu.memory_space<semaphore_mem>>)
      %mul3A_239 = arith.constant 4 : i32
      %mul3A_240 = arith.muli %scan3A_75, %mul3A_239 : i32
      %add3A_241 = arith.constant 3 : i32
      %add3A_242 = arith.addi %mul3A_240, %add3A_241 : i32
      %mul3A_243 = arith.constant 128 : i32
      %mul3A_244 = arith.muli %add3A_242, %mul3A_243 : i32
      %mul3A_245 = arith.constant 32 : i32
      %mul3A_246 = arith.muli %mul3A_2, %mul3A_245 : i32
      %add3A_247 = arith.addi %mul3A_246, %mul3A_244 : i32
      %dma_start3A_248 = arith.constant 3 : i32
      %dma_start3A_249 = arith.constant 0 : i32
      %dma_start3A_250 = arith.constant 0 : i32
      %dma_start3A_251 = tpu.memref_slice %arg7[%dma_start3A_248, %dma_start3A_249, %dma_start3A_250] : memref<4x128x128xf32, #tpu.memory_space<vmem>> -> memref<1x128x128xf32, #tpu.memory_space<vmem>>
      %dma_start3A_252 = tpu.memref_squeeze %dma_start3A_251 : memref<1x128x128xf32, #tpu.memory_space<vmem>> -> memref<128x128xf32, #tpu.memory_space<vmem>>
      %dma_start3A_253 = arith.constant 0 : i32
      %dma_start3A_254 = tpu.memref_slice %arg4[%add3A_247, %dma_start3A_253] : memref<32768x128xf32, #tpu.memory_space<hbm>> -> memref<128x128xf32, #tpu.memory_space<hbm>>
      %dma_start3A_255 = arith.constant 0 : i32
      %dma_start3A_256 = tpu.memref_slice %arg4[%add3A_247, %dma_start3A_255] : memref<32768x128xf32, #tpu.memory_space<hbm>> -> memref<128x128xf32, #tpu.memory_space<hbm>>
      %dma_start3A_257 = arith.constant 0 : i32
      %dma_start3A_258 = arith.constant 0 : i32
      %dma_start3A_259 = tpu.memref_slice %arg7[%dma_start3A_248, %dma_start3A_257, %dma_start3A_258] : memref<4x128x128xf32, #tpu.memory_space<vmem>> -> memref<1x128x128xf32, #tpu.memory_space<vmem>>
      %dma_start3A_260 = tpu.memref_squeeze %dma_start3A_259 : memref<1x128x128xf32, #tpu.memory_space<vmem>> -> memref<128x128xf32, #tpu.memory_space<vmem>>
      tpu.enqueue_dma source(%dma_start3A_260 : memref<128x128xf32, #tpu.memory_space<vmem>>) target(%dma_start3A_256 : memref<128x128xf32, #tpu.memory_space<hbm>>) target_semaphore(%arg9 : memref<!tpu.dma_semaphore, #tpu.memory_space<semaphore_mem>>)
    }
    %scan3A_15 = arith.constant 2 : i32
    %dma_wait3A = arith.constant 0 : i32
    %dma_wait3A_16 = arith.constant 0 : i32
    %dma_wait3A_17 = arith.constant 0 : i32
    %dma_wait3A_18 = tpu.memref_slice %arg7[%dma_wait3A, %dma_wait3A_16, %dma_wait3A_17] : memref<4x128x128xf32, #tpu.memory_space<vmem>> -> memref<1x128x128xf32, #tpu.memory_space<vmem>>
    %dma_wait3A_19 = tpu.memref_squeeze %dma_wait3A_18 : memref<1x128x128xf32, #tpu.memory_space<vmem>> -> memref<128x128xf32, #tpu.memory_space<vmem>>
    %dma_wait3A_20 = arith.constant 0 : i32
    %dma_wait3A_21 = arith.constant 0 : i32
    %dma_wait3A_22 = tpu.memref_slice %arg4[%dma_wait3A_20, %dma_wait3A_21] : memref<32768x128xf32, #tpu.memory_space<hbm>> -> memref<128x128xf32, #tpu.memory_space<hbm>>
    %dma_wait3A_23 = arith.constant 0 : i32
    %dma_wait3A_24 = arith.constant 0 : i32
    %dma_wait3A_25 = tpu.memref_slice %arg4[%dma_wait3A_23, %dma_wait3A_24] : memref<32768x128xf32, #tpu.memory_space<hbm>> -> memref<128x128xf32, #tpu.memory_space<hbm>>
    %dma_wait3A_26 = arith.constant 0 : i32
    %dma_wait3A_27 = arith.constant 0 : i32
    %dma_wait3A_28 = tpu.memref_slice %arg7[%dma_wait3A, %dma_wait3A_26, %dma_wait3A_27] : memref<4x128x128xf32, #tpu.memory_space<vmem>> -> memref<1x128x128xf32, #tpu.memory_space<vmem>>
    %dma_wait3A_29 = tpu.memref_squeeze %dma_wait3A_28 : memref<1x128x128xf32, #tpu.memory_space<vmem>> -> memref<128x128xf32, #tpu.memory_space<vmem>>
    tpu.wait_dma2 semaphore(%arg9 : memref<!tpu.dma_semaphore, #tpu.memory_space<semaphore_mem>>) src(%dma_wait3A_29 : memref<128x128xf32, #tpu.memory_space<vmem>>) dst(%dma_wait3A_25 : memref<128x128xf32, #tpu.memory_space<hbm>>)
    %dma_wait3A_30 = arith.constant 1 : i32
    %dma_wait3A_31 = arith.constant 0 : i32
    %dma_wait3A_32 = arith.constant 0 : i32
    %dma_wait3A_33 = tpu.memref_slice %arg7[%dma_wait3A_30, %dma_wait3A_31, %dma_wait3A_32] : memref<4x128x128xf32, #tpu.memory_space<vmem>> -> memref<1x128x128xf32, #tpu.memory_space<vmem>>
    %dma_wait3A_34 = tpu.memref_squeeze %dma_wait3A_33 : memref<1x128x128xf32, #tpu.memory_space<vmem>> -> memref<128x128xf32, #tpu.memory_space<vmem>>
    %dma_wait3A_35 = arith.constant 0 : i32
    %dma_wait3A_36 = arith.constant 0 : i32
    %dma_wait3A_37 = tpu.memref_slice %arg4[%dma_wait3A_35, %dma_wait3A_36] : memref<32768x128xf32, #tpu.memory_space<hbm>> -> memref<128x128xf32, #tpu.memory_space<hbm>>
    %dma_wait3A_38 = arith.constant 0 : i32
    %dma_wait3A_39 = arith.constant 0 : i32
    %dma_wait3A_40 = tpu.memref_slice %arg4[%dma_wait3A_38, %dma_wait3A_39] : memref<32768x128xf32, #tpu.memory_space<hbm>> -> memref<128x128xf32, #tpu.memory_space<hbm>>
    %dma_wait3A_41 = arith.constant 0 : i32
    %dma_wait3A_42 = arith.constant 0 : i32
    %dma_wait3A_43 = tpu.memref_slice %arg7[%dma_wait3A_30, %dma_wait3A_41, %dma_wait3A_42] : memref<4x128x128xf32, #tpu.memory_space<vmem>> -> memref<1x128x128xf32, #tpu.memory_space<vmem>>
    %dma_wait3A_44 = tpu.memref_squeeze %dma_wait3A_43 : memref<1x128x128xf32, #tpu.memory_space<vmem>> -> memref<128x128xf32, #tpu.memory_space<vmem>>
    tpu.wait_dma2 semaphore(%arg9 : memref<!tpu.dma_semaphore, #tpu.memory_space<semaphore_mem>>) src(%dma_wait3A_44 : memref<128x128xf32, #tpu.memory_space<vmem>>) dst(%dma_wait3A_40 : memref<128x128xf32, #tpu.memory_space<hbm>>)
    %dma_wait3A_45 = arith.constant 2 : i32
    %dma_wait3A_46 = arith.constant 0 : i32
    %dma_wait3A_47 = arith.constant 0 : i32
    %dma_wait3A_48 = tpu.memref_slice %arg7[%dma_wait3A_45, %dma_wait3A_46, %dma_wait3A_47] : memref<4x128x128xf32, #tpu.memory_space<vmem>> -> memref<1x128x128xf32, #tpu.memory_space<vmem>>
    %dma_wait3A_49 = tpu.memref_squeeze %dma_wait3A_48 : memref<1x128x128xf32, #tpu.memory_space<vmem>> -> memref<128x128xf32, #tpu.memory_space<vmem>>
    %dma_wait3A_50 = arith.constant 0 : i32
    %dma_wait3A_51 = arith.constant 0 : i32
    %dma_wait3A_52 = tpu.memref_slice %arg4[%dma_wait3A_50, %dma_wait3A_51] : memref<32768x128xf32, #tpu.memory_space<hbm>> -> memref<128x128xf32, #tpu.memory_space<hbm>>
    %dma_wait3A_53 = arith.constant 0 : i32
    %dma_wait3A_54 = arith.constant 0 : i32
    %dma_wait3A_55 = tpu.memref_slice %arg4[%dma_wait3A_53, %dma_wait3A_54] : memref<32768x128xf32, #tpu.memory_space<hbm>> -> memref<128x128xf32, #tpu.memory_space<hbm>>
    %dma_wait3A_56 = arith.constant 0 : i32
    %dma_wait3A_57 = arith.constant 0 : i32
    %dma_wait3A_58 = tpu.memref_slice %arg7[%dma_wait3A_45, %dma_wait3A_56, %dma_wait3A_57] : memref<4x128x128xf32, #tpu.memory_space<vmem>> -> memref<1x128x128xf32, #tpu.memory_space<vmem>>
    %dma_wait3A_59 = tpu.memref_squeeze %dma_wait3A_58 : memref<1x128x128xf32, #tpu.memory_space<vmem>> -> memref<128x128xf32, #tpu.memory_space<vmem>>
    tpu.wait_dma2 semaphore(%arg9 : memref<!tpu.dma_semaphore, #tpu.memory_space<semaphore_mem>>) src(%dma_wait3A_59 : memref<128x128xf32, #tpu.memory_space<vmem>>) dst(%dma_wait3A_55 : memref<128x128xf32, #tpu.memory_space<hbm>>)
    %dma_wait3A_60 = arith.constant 3 : i32
    %dma_wait3A_61 = arith.constant 0 : i32
    %dma_wait3A_62 = arith.constant 0 : i32
    %dma_wait3A_63 = tpu.memref_slice %arg7[%dma_wait3A_60, %dma_wait3A_61, %dma_wait3A_62] : memref<4x128x128xf32, #tpu.memory_space<vmem>> -> memref<1x128x128xf32, #tpu.memory_space<vmem>>
    %dma_wait3A_64 = tpu.memref_squeeze %dma_wait3A_63 : memref<1x128x128xf32, #tpu.memory_space<vmem>> -> memref<128x128xf32, #tpu.memory_space<vmem>>
    %dma_wait3A_65 = arith.constant 0 : i32
    %dma_wait3A_66 = arith.constant 0 : i32
    %dma_wait3A_67 = tpu.memref_slice %arg4[%dma_wait3A_65, %dma_wait3A_66] : memref<32768x128xf32, #tpu.memory_space<hbm>> -> memref<128x128xf32, #tpu.memory_space<hbm>>
    %dma_wait3A_68 = arith.constant 0 : i32
    %dma_wait3A_69 = arith.constant 0 : i32
    %dma_wait3A_70 = tpu.memref_slice %arg4[%dma_wait3A_68, %dma_wait3A_69] : memref<32768x128xf32, #tpu.memory_space<hbm>> -> memref<128x128xf32, #tpu.memory_space<hbm>>
    %dma_wait3A_71 = arith.constant 0 : i32
    %dma_wait3A_72 = arith.constant 0 : i32
    %dma_wait3A_73 = tpu.memref_slice %arg7[%dma_wait3A_60, %dma_wait3A_71, %dma_wait3A_72] : memref<4x128x128xf32, #tpu.memory_space<vmem>> -> memref<1x128x128xf32, #tpu.memory_space<vmem>>
    %dma_wait3A_74 = tpu.memref_squeeze %dma_wait3A_73 : memref<1x128x128xf32, #tpu.memory_space<vmem>> -> memref<128x128xf32, #tpu.memory_space<vmem>>
    tpu.wait_dma2 semaphore(%arg9 : memref<!tpu.dma_semaphore, #tpu.memory_space<semaphore_mem>>) src(%dma_wait3A_74 : memref<128x128xf32, #tpu.memory_space<vmem>>) dst(%dma_wait3A_70 : memref<128x128xf32, #tpu.memory_space<hbm>>)
    return
  }
}

module attributes {stable_mosaic.version = 14 : i64} {
  func.func @_init_body(%arg0: memref<1024x16xf32, #tpu.memory_space<vmem>>, %arg1: memref<3072x16xf32, #tpu.memory_space<vmem>>, %arg2: memref<1x64xf32, #tpu.memory_space<vmem>>, %arg3: memref<16x64xf32, #tpu.memory_space<vmem>>, %arg4: memref<1x64xf32, #tpu.memory_space<vmem>>, %arg5: memref<16x64xf32, #tpu.memory_space<vmem>>, %arg6: memref<1x64xf32, #tpu.memory_space<vmem>>, %arg7: memref<64x64xf32, #tpu.memory_space<vmem>>, %arg8: memref<1x64xf32, #tpu.memory_space<vmem>>, %arg9: memref<64x64xf32, #tpu.memory_space<vmem>>, %arg10: memref<1x64xf32, #tpu.memory_space<vmem>>, %arg11: memref<64x64xf32, #tpu.memory_space<vmem>>, %arg12: memref<1x64xf32, #tpu.memory_space<vmem>>, %arg13: memref<64x64xf32, #tpu.memory_space<vmem>>, %arg14: memref<4096x64xf32, #tpu.memory_space<vmem>>, %arg15: memref<4096x64xf32, #tpu.memory_space<vmem>>, %arg16: memref<4096x128xf32, #tpu.memory_space<vmem>>) attributes {dimension_semantics = [], scalar_prefetch = 0 : i64, scratch_operands = 0 : i64, tpu.core_type = #tpu.core_type<tc>} {
    %get3A = arith.constant 0 : index
    %get3A_0 = arith.constant 0 : index
    %get3A_1 = vector.load %arg2[%get3A, %get3A_0] : memref<1x64xf32, #tpu.memory_space<vmem>>, vector<1x64xf32>
    %get3A_2 = arith.constant 0 : index
    %get3A_3 = arith.constant 0 : index
    %get3A_4 = vector.load %arg7[%get3A_2, %get3A_3] : memref<64x64xf32, #tpu.memory_space<vmem>>, vector<64x64xf32>
    %dot_general3A = arith.constant dense<0.000000e+00> : vector<1x64xf32>
    %dot_general3A_5 = tpu.matmul %get3A_1, %get3A_4, %dot_general3A {dimension_numbers = #tpu.dot_dimension_numbers<[1], [0], [0], [1], [0, 0, 1, 1], [], []>, transpose_lhs_hint = false} : vector<1x64xf32>, vector<64x64xf32>, vector<1x64xf32> -> vector<1x64xf32>
    %get3A_6 = arith.constant 0 : index
    %get3A_7 = arith.constant 0 : index
    %get3A_8 = vector.load %arg8[%get3A_6, %get3A_7] : memref<1x64xf32, #tpu.memory_space<vmem>>, vector<1x64xf32>
    %add3A = arith.addf %dot_general3A_5, %get3A_8 : vector<1x64xf32>
    %logistic3A = arith.negf %add3A : vector<1x64xf32>
    %logistic3A_9 = math.exp %logistic3A : vector<1x64xf32>
    %logistic3A_10 = arith.constant 1.000000e+00 : f32
    %logistic3A_11 = vector.broadcast %logistic3A_10 : f32 to vector<1x64xf32>
    %logistic3A_12 = arith.addf %logistic3A_11, %logistic3A_9 : vector<1x64xf32>
    %logistic3A_13 = arith.divf %logistic3A_11, %logistic3A_12 : vector<1x64xf32>
    %mul3A = arith.mulf %add3A, %logistic3A_13 : vector<1x64xf32>
    %get3A_14 = arith.constant 0 : index
    %get3A_15 = arith.constant 0 : index
    %get3A_16 = vector.load %arg9[%get3A_14, %get3A_15] : memref<64x64xf32, #tpu.memory_space<vmem>>, vector<64x64xf32>
    %dot_general3A_17 = arith.constant dense<0.000000e+00> : vector<1x64xf32>
    %dot_general3A_18 = tpu.matmul %mul3A, %get3A_16, %dot_general3A_17 {dimension_numbers = #tpu.dot_dimension_numbers<[1], [0], [0], [1], [0, 0, 1, 1], [], []>, transpose_lhs_hint = false} : vector<1x64xf32>, vector<64x64xf32>, vector<1x64xf32> -> vector<1x64xf32>
    %get3A_19 = arith.constant 0 : index
    %get3A_20 = arith.constant 0 : index
    %get3A_21 = vector.load %arg10[%get3A_19, %get3A_20] : memref<1x64xf32, #tpu.memory_space<vmem>>, vector<1x64xf32>
    %add3A_22 = arith.addf %dot_general3A_18, %get3A_21 : vector<1x64xf32>
    %get3A_23 = arith.constant 0 : index
    %get3A_24 = arith.constant 0 : index
    %get3A_25 = vector.load %arg0[%get3A_23, %get3A_24] : memref<1024x16xf32, #tpu.memory_space<vmem>>, vector<1024x16xf32>
    %get3A_26 = arith.constant 0 : index
    %get3A_27 = arith.constant 0 : index
    %get3A_28 = vector.load %arg3[%get3A_26, %get3A_27] : memref<16x64xf32, #tpu.memory_space<vmem>>, vector<16x64xf32>
    %dot_general3A_29 = arith.constant dense<0.000000e+00> : vector<1024x64xf32>
    %dot_general3A_30 = tpu.matmul %get3A_25, %get3A_28, %dot_general3A_29 {dimension_numbers = #tpu.dot_dimension_numbers<[1], [0], [0], [1], [0, 0, 1, 1], [], []>, transpose_lhs_hint = false} : vector<1024x16xf32>, vector<16x64xf32>, vector<1024x64xf32> -> vector<1024x64xf32>
    %get3A_31 = arith.constant 0 : index
    %get3A_32 = arith.constant 0 : index
    %get3A_33 = vector.load %arg4[%get3A_31, %get3A_32] : memref<1x64xf32, #tpu.memory_space<vmem>>, vector<1x64xf32>
    %add3A_34 = vector.broadcast %get3A_33 : vector<1x64xf32> to vector<1024x64xf32>
    %add3A_35 = arith.addf %dot_general3A_30, %add3A_34 : vector<1024x64xf32>
    %add3A_36 = vector.broadcast %add3A_22 : vector<1x64xf32> to vector<1024x64xf32>
    %add3A_37 = arith.addf %add3A_35, %add3A_36 : vector<1024x64xf32>
    %get3A_38 = arith.constant 0 : index
    %get3A_39 = arith.constant 0 : index
    %get3A_40 = vector.load %arg1[%get3A_38, %get3A_39] : memref<3072x16xf32, #tpu.memory_space<vmem>>, vector<3072x16xf32>
    %get3A_41 = arith.constant 0 : index
    %get3A_42 = arith.constant 0 : index
    %get3A_43 = vector.load %arg5[%get3A_41, %get3A_42] : memref<16x64xf32, #tpu.memory_space<vmem>>, vector<16x64xf32>
    %dot_general3A_44 = arith.constant dense<0.000000e+00> : vector<3072x64xf32>
    %dot_general3A_45 = tpu.matmul %get3A_40, %get3A_43, %dot_general3A_44 {dimension_numbers = #tpu.dot_dimension_numbers<[1], [0], [0], [1], [0, 0, 1, 1], [], []>, transpose_lhs_hint = false} : vector<3072x16xf32>, vector<16x64xf32>, vector<3072x64xf32> -> vector<3072x64xf32>
    %get3A_46 = arith.constant 0 : index
    %get3A_47 = arith.constant 0 : index
    %get3A_48 = vector.load %arg6[%get3A_46, %get3A_47] : memref<1x64xf32, #tpu.memory_space<vmem>>, vector<1x64xf32>
    %add3A_49 = vector.broadcast %get3A_48 : vector<1x64xf32> to vector<3072x64xf32>
    %add3A_50 = arith.addf %dot_general3A_45, %add3A_49 : vector<3072x64xf32>
    %concatenate3A = tpu.concatenate %add3A_37, %add3A_50 in 0 : vector<1024x64xf32>, vector<3072x64xf32> -> vector<4096x64xf32>
    %swap3A = arith.constant 0 : index
    %swap3A_51 = arith.constant 0 : index
    %swap3A_52 = vector.load %arg14[%swap3A, %swap3A_51] : memref<4096x64xf32, #tpu.memory_space<vmem>>, vector<4096x64xf32>
    tpu.vector_store %arg14[%swap3A, %swap3A_51], %concatenate3A {strides = array<i32>} : memref<4096x64xf32, #tpu.memory_space<vmem>>, vector<4096x64xf32>,
    %get3A_53 = arith.constant 0 : index
    %get3A_54 = arith.constant 0 : index
    %get3A_55 = vector.load %arg11[%get3A_53, %get3A_54] : memref<64x64xf32, #tpu.memory_space<vmem>>, vector<64x64xf32>
    %dot_general3A_56 = arith.constant dense<0.000000e+00> : vector<4096x64xf32>
    %dot_general3A_57 = tpu.matmul %concatenate3A, %get3A_55, %dot_general3A_56 {dimension_numbers = #tpu.dot_dimension_numbers<[1], [0], [0], [1], [0, 0, 1, 1], [], []>, transpose_lhs_hint = false} : vector<4096x64xf32>, vector<64x64xf32>, vector<4096x64xf32> -> vector<4096x64xf32>
    %get3A_58 = arith.constant 0 : index
    %get3A_59 = arith.constant 0 : index
    %get3A_60 = vector.load %arg12[%get3A_58, %get3A_59] : memref<1x64xf32, #tpu.memory_space<vmem>>, vector<1x64xf32>
    %add3A_61 = vector.broadcast %get3A_60 : vector<1x64xf32> to vector<4096x64xf32>
    %add3A_62 = arith.addf %dot_general3A_57, %add3A_61 : vector<4096x64xf32>
    %swap3A_63 = arith.constant 0 : index
    %swap3A_64 = arith.constant 0 : index
    %swap3A_65 = vector.load %arg15[%swap3A_63, %swap3A_64] : memref<4096x64xf32, #tpu.memory_space<vmem>>, vector<4096x64xf32>
    tpu.vector_store %arg15[%swap3A_63, %swap3A_64], %add3A_62 {strides = array<i32>} : memref<4096x64xf32, #tpu.memory_space<vmem>>, vector<4096x64xf32>,
    %get3A_66 = arith.constant 0 : index
    %get3A_67 = arith.constant 0 : index
    %get3A_68 = vector.load %arg13[%get3A_66, %get3A_67] : memref<64x64xf32, #tpu.memory_space<vmem>>, vector<64x64xf32>
    %dot_general3A_69 = arith.constant dense<0.000000e+00> : vector<4096x64xf32>
    %dot_general3A_70 = tpu.matmul %concatenate3A, %get3A_68, %dot_general3A_69 {dimension_numbers = #tpu.dot_dimension_numbers<[1], [0], [0], [1], [0, 0, 1, 1], [], []>, transpose_lhs_hint = false} : vector<4096x64xf32>, vector<64x64xf32>, vector<4096x64xf32> -> vector<4096x64xf32>
    %broadcast_in_dim3A = arith.constant 0.000000e+00 : f32
    %broadcast_in_dim3A_71 = vector.broadcast %broadcast_in_dim3A : f32 to vector<4096x64xf32>
    %concatenate3A_72 = tpu.concatenate %dot_general3A_70, %broadcast_in_dim3A_71 in 1 : vector<4096x64xf32>, vector<4096x64xf32> -> vector<4096x128xf32>
    %swap3A_73 = arith.constant 0 : index
    %swap3A_74 = arith.constant 0 : index
    %swap3A_75 = vector.load %arg16[%swap3A_73, %swap3A_74] : memref<4096x128xf32, #tpu.memory_space<vmem>>, vector<4096x128xf32>
    tpu.vector_store %arg16[%swap3A_73, %swap3A_74], %concatenate3A_72 {strides = array<i32>} : memref<4096x128xf32, #tpu.memory_space<vmem>>, vector<4096x128xf32>,
    return
  }
}

module attributes {stable_mosaic.version = 14 : i64} {
  func.func @_build_body(%arg0: i32, %arg1: memref<256x8xf32, #tpu.memory_space<vmem>>, %arg2: memref<8x4096xf32, #tpu.memory_space<vmem>>, %arg3: memref<256x128xi32, #tpu.memory_space<vmem>>, %arg4: memref<256x32xf32, #tpu.memory_space<vmem>>) attributes {dimension_semantics = [#tpu.dimension_semantics<arbitrary>], iteration_bounds = array<i64: 16>, scalar_prefetch = 0 : i64, scratch_operands = 0 : i64, tpu.core_type = #tpu.core_type<tc>, window_params = [{transform_indices = @transform_0, window_bounds = array<i64: 256, 8>}, {pipeline_mode = #tpu.pipeline_mode<synchronous>, transform_indices = @transform_1, window_bounds = array<i64: 8, 4096>}, {transform_indices = @transform_2, window_bounds = array<i64: 256, 128>}, {transform_indices = @transform_3, window_bounds = array<i64: 256, 32>}]} {
    %get3A = arith.constant 0 : index
    %get3A_0 = arith.constant 0 : index
    %get3A_1 = vector.load %arg1[%get3A, %get3A_0] : memref<256x8xf32, #tpu.memory_space<vmem>>, vector<256x8xf32>
    %get3A_2 = arith.constant 0 : index
    %get3A_3 = arith.constant 0 : index
    %get3A_4 = vector.load %arg2[%get3A_2, %get3A_3] : memref<8x4096xf32, #tpu.memory_space<vmem>>, vector<8x4096xf32>
    %slice3A = vector.extract_strided_slice %get3A_1 {offsets = [0, 0], sizes = [256, 1], strides = [1, 1]} : vector<256x8xf32> to vector<256x1xf32>
    %slice3A_5 = vector.extract_strided_slice %get3A_4 {offsets = [0, 0], sizes = [1, 4096], strides = [1, 1]} : vector<8x4096xf32> to vector<1x4096xf32>
    %sub3A = vector.broadcast %slice3A : vector<256x1xf32> to vector<256x4096xf32>
    %sub3A_6 = vector.broadcast %slice3A_5 : vector<1x4096xf32> to vector<256x4096xf32>
    %sub3A_7 = arith.subf %sub3A, %sub3A_6 : vector<256x4096xf32>
    %integer_pow3A = arith.mulf %sub3A_7, %sub3A_7 : vector<256x4096xf32>
    %slice3A_8 = vector.extract_strided_slice %get3A_1 {offsets = [0, 1], sizes = [256, 1], strides = [1, 1]} : vector<256x8xf32> to vector<256x1xf32>
    %slice3A_9 = vector.extract_strided_slice %get3A_4 {offsets = [1, 0], sizes = [1, 4096], strides = [1, 1]} : vector<8x4096xf32> to vector<1x4096xf32>
    %sub3A_10 = vector.broadcast %slice3A_8 : vector<256x1xf32> to vector<256x4096xf32>
    %sub3A_11 = vector.broadcast %slice3A_9 : vector<1x4096xf32> to vector<256x4096xf32>
    %sub3A_12 = arith.subf %sub3A_10, %sub3A_11 : vector<256x4096xf32>
    %integer_pow3A_13 = arith.mulf %sub3A_12, %sub3A_12 : vector<256x4096xf32>
    %add3A = arith.addf %integer_pow3A, %integer_pow3A_13 : vector<256x4096xf32>
    %slice3A_14 = vector.extract_strided_slice %get3A_1 {offsets = [0, 2], sizes = [256, 1], strides = [1, 1]} : vector<256x8xf32> to vector<256x1xf32>
    %slice3A_15 = vector.extract_strided_slice %get3A_4 {offsets = [2, 0], sizes = [1, 4096], strides = [1, 1]} : vector<8x4096xf32> to vector<1x4096xf32>
    %sub3A_16 = vector.broadcast %slice3A_14 : vector<256x1xf32> to vector<256x4096xf32>
    %sub3A_17 = vector.broadcast %slice3A_15 : vector<1x4096xf32> to vector<256x4096xf32>
    %sub3A_18 = arith.subf %sub3A_16, %sub3A_17 : vector<256x4096xf32>
    %integer_pow3A_19 = arith.mulf %sub3A_18, %sub3A_18 : vector<256x4096xf32>
    %add3A_20 = arith.addf %add3A, %integer_pow3A_19 : vector<256x4096xf32>
    %lt3A = arith.constant 5.749000e-02 : f32
    %lt3A_21 = vector.broadcast %lt3A : f32 to vector<256x4096xf32>
    %lt3A_22 = arith.cmpf olt, %add3A_20, %lt3A_21 : vector<256x4096xf32>
    %convert_element_type3A = arith.extui %lt3A_22 : vector<256x4096xi1> to vector<256x4096xi32>
    %convert_element_type3A_23 = arith.sitofp %convert_element_type3A : vector<256x4096xi32> to vector<256x4096xf32>
    %reduce_sum3A = arith.constant dense<0.000000e+00> : vector<256xf32>
    %reduce_sum3A_24 = vector.multi_reduction <add>, %convert_element_type3A_23, %reduce_sum3A [1] : vector<256x4096xf32> to vector<256xf32>
    %broadcast_in_dim3A = vector.shape_cast %reduce_sum3A_24 : vector<256xf32> to vector<256x1xf32>
    %ge3A = arith.constant 4.800000e+01 : f32
    %ge3A_25 = vector.broadcast %ge3A : f32 to vector<256x1xf32>
    %ge3A_26 = arith.cmpf oge, %broadcast_in_dim3A, %ge3A_25 : vector<256x1xf32>
    %jit3A = arith.constant 3.43597384E+10 : f32
    %jit3A_27 = arith.constant 1.71798692E+10 : f32
    %broadcast_in_dim3A_28 = vector.broadcast %jit3A : f32 to vector<256x1xf32>
    %broadcast_in_dim3A_29 = vector.broadcast %jit3A_27 : f32 to vector<256x1xf32>
    %select_n3A = arith.select %ge3A_26, %broadcast_in_dim3A_28, %broadcast_in_dim3A_29 : vector<256x1xi1>, vector<256x1xf32>
    %jit3A_30 = arith.constant 5.749000e-02 : f32
    %jit3A_31 = arith.constant 1.149900e-01 : f32
    %broadcast_in_dim3A_32 = vector.broadcast %jit3A_30 : f32 to vector<256x1xf32>
    %broadcast_in_dim3A_33 = vector.broadcast %jit3A_31 : f32 to vector<256x1xf32>
    %select_n3A_34 = arith.select %ge3A_26, %broadcast_in_dim3A_32, %broadcast_in_dim3A_33 : vector<256x1xi1>, vector<256x1xf32>
    %min3A = vector.broadcast %select_n3A_34 : vector<256x1xf32> to vector<256x4096xf32>
    %min3A_35 = arith.minimumf %add3A_20, %min3A : vector<256x4096xf32>
    %mul3A = vector.broadcast %select_n3A : vector<256x1xf32> to vector<256x4096xf32>
    %mul3A_36 = arith.mulf %min3A_35, %mul3A : vector<256x4096xf32>
    %convert_element_type3A_37 = arith.fptosi %mul3A_36 : vector<256x4096xf32> to vector<256x4096xi32>
    %iota3A = tpu.iota {dimensions = array<i32: 1>} : vector<256x4096xi32>
    %and3A = arith.constant -4096 : i32
    %and3A_38 = vector.broadcast %and3A : i32 to vector<256x4096xi32>
    %and3A_39 = arith.andi %convert_element_type3A_37, %and3A_38 : vector<256x4096xi32>
    %or3A = arith.ori %and3A_39, %iota3A : vector<256x4096xi32>
    %mul3A_40 = arith.constant 256 : i32
    %mul3A_41 = arith.muli %arg0, %mul3A_40 : i32
    %iota3A_42 = tpu.iota {dimensions = array<i32: 0>} : vector<256x4096xi32>
    %add3A_43 = vector.broadcast %mul3A_41 : i32 to vector<256x4096xi32>
    %add3A_44 = arith.addi %add3A_43, %iota3A_42 : vector<256x4096xi32>
    %eq3A = arith.cmpi eq, %iota3A, %add3A_44 : vector<256x4096xi32>
    %jit3A_45 = arith.constant 2147483647 : i32
    %broadcast_in_dim3A_46 = vector.broadcast %jit3A_45 : i32 to vector<256x4096xi32>
    %select_n3A_47 = arith.select %eq3A, %broadcast_in_dim3A_46, %or3A : vector<256x4096xi1>, vector<256x4096xi32>
    %broadcast_in_dim3A_48 = arith.constant -1 : i32
    %broadcast_in_dim3A_49 = vector.broadcast %broadcast_in_dim3A_48 : i32 to vector<256x1xi32>
    %gt3A = vector.broadcast %broadcast_in_dim3A_49 : vector<256x1xi32> to vector<256x4096xi32>
    %gt3A_50 = arith.cmpi sgt, %select_n3A_47, %gt3A : vector<256x4096xi32>
    %jit3A_51 = arith.constant 2147483647 : i32
    %broadcast_in_dim3A_52 = vector.broadcast %jit3A_51 : i32 to vector<256x4096xi32>
    %select_n3A_53 = arith.select %gt3A_50, %select_n3A_47, %broadcast_in_dim3A_52 : vector<256x4096xi1>, vector<256x4096xi32>
    %reduce_min3A = arith.constant dense<2147483647> : vector<256xi32>
    %reduce_min3A_54 = vector.multi_reduction <minsi>, %select_n3A_53, %reduce_min3A [1] : vector<256x4096xi32> to vector<256xi32>
    %broadcast_in_dim3A_55 = vector.shape_cast %reduce_min3A_54 : vector<256xi32> to vector<256x1xi32>
    %gt3A_56 = vector.broadcast %broadcast_in_dim3A_55 : vector<256x1xi32> to vector<256x4096xi32>
    %gt3A_57 = arith.cmpi sgt, %select_n3A_47, %gt3A_56 : vector<256x4096xi32>
    %jit3A_58 = arith.constant 2147483647 : i32
    %broadcast_in_dim3A_59 = vector.broadcast %jit3A_58 : i32 to vector<256x4096xi32>
    %select_n3A_60 = arith.select %gt3A_57, %select_n3A_47, %broadcast_in_dim3A_59 : vector<256x4096xi1>, vector<256x4096xi32>
    %reduce_min3A_61 = arith.constant dense<2147483647> : vector<256xi32>
    %reduce_min3A_62 = vector.multi_reduction <minsi>, %select_n3A_60, %reduce_min3A_61 [1] : vector<256x4096xi32> to vector<256xi32>
    %broadcast_in_dim3A_63 = vector.shape_cast %reduce_min3A_62 : vector<256xi32> to vector<256x1xi32>
    %gt3A_64 = vector.broadcast %broadcast_in_dim3A_63 : vector<256x1xi32> to vector<256x4096xi32>
    %gt3A_65 = arith.cmpi sgt, %select_n3A_47, %gt3A_64 : vector<256x4096xi32>
    %jit3A_66 = arith.constant 2147483647 : i32
    %broadcast_in_dim3A_67 = vector.broadcast %jit3A_66 : i32 to vector<256x4096xi32>
    %select_n3A_68 = arith.select %gt3A_65, %select_n3A_47, %broadcast_in_dim3A_67 : vector<256x4096xi1>, vector<256x4096xi32>
    %reduce_min3A_69 = arith.constant dense<2147483647> : vector<256xi32>
    %reduce_min3A_70 = vector.multi_reduction <minsi>, %select_n3A_68, %reduce_min3A_69 [1] : vector<256x4096xi32> to vector<256xi32>
    %broadcast_in_dim3A_71 = vector.shape_cast %reduce_min3A_70 : vector<256xi32> to vector<256x1xi32>
    %gt3A_72 = vector.broadcast %broadcast_in_dim3A_71 : vector<256x1xi32> to vector<256x4096xi32>
    %gt3A_73 = arith.cmpi sgt, %select_n3A_47, %gt3A_72 : vector<256x4096xi32>
    %jit3A_74 = arith.constant 2147483647 : i32
    %broadcast_in_dim3A_75 = vector.broadcast %jit3A_74 : i32 to vector<256x4096xi32>
    %select_n3A_76 = arith.select %gt3A_73, %select_n3A_47, %broadcast_in_dim3A_75 : vector<256x4096xi1>, vector<256x4096xi32>
    %reduce_min3A_77 = arith.constant dense<2147483647> : vector<256xi32>
    %reduce_min3A_78 = vector.multi_reduction <minsi>, %select_n3A_76, %reduce_min3A_77 [1] : vector<256x4096xi32> to vector<256xi32>
    %broadcast_in_dim3A_79 = vector.shape_cast %reduce_min3A_78 : vector<256xi32> to vector<256x1xi32>
    %gt3A_80 = vector.broadcast %broadcast_in_dim3A_79 : vector<256x1xi32> to vector<256x4096xi32>
    %gt3A_81 = arith.cmpi sgt, %select_n3A_47, %gt3A_80 : vector<256x4096xi32>
    %jit3A_82 = arith.constant 2147483647 : i32
    %broadcast_in_dim3A_83 = vector.broadcast %jit3A_82 : i32 to vector<256x4096xi32>
    %select_n3A_84 = arith.select %gt3A_81, %select_n3A_47, %broadcast_in_dim3A_83 : vector<256x4096xi1>, vector<256x4096xi32>
    %reduce_min3A_85 = arith.constant dense<2147483647> : vector<256xi32>
    %reduce_min3A_86 = vector.multi_reduction <minsi>, %select_n3A_84, %reduce_min3A_85 [1] : vector<256x4096xi32> to vector<256xi32>
    %broadcast_in_dim3A_87 = vector.shape_cast %reduce_min3A_86 : vector<256xi32> to vector<256x1xi32>
    %gt3A_88 = vector.broadcast %broadcast_in_dim3A_87 : vector<256x1xi32> to vector<256x4096xi32>
    %gt3A_89 = arith.cmpi sgt, %select_n3A_47, %gt3A_88 : vector<256x4096xi32>
    %jit3A_90 = arith.constant 2147483647 : i32
    %broadcast_in_dim3A_91 = vector.broadcast %jit3A_90 : i32 to vector<256x4096xi32>
    %select_n3A_92 = arith.select %gt3A_89, %select_n3A_47, %broadcast_in_dim3A_91 : vector<256x4096xi1>, vector<256x4096xi32>
    %reduce_min3A_93 = arith.constant dense<2147483647> : vector<256xi32>
    %reduce_min3A_94 = vector.multi_reduction <minsi>, %select_n3A_92, %reduce_min3A_93 [1] : vector<256x4096xi32> to vector<256xi32>
    %broadcast_in_dim3A_95 = vector.shape_cast %reduce_min3A_94 : vector<256xi32> to vector<256x1xi32>
    %gt3A_96 = vector.broadcast %broadcast_in_dim3A_95 : vector<256x1xi32> to vector<256x4096xi32>
    %gt3A_97 = arith.cmpi sgt, %select_n3A_47, %gt3A_96 : vector<256x4096xi32>
    %jit3A_98 = arith.constant 2147483647 : i32
    %broadcast_in_dim3A_99 = vector.broadcast %jit3A_98 : i32 to vector<256x4096xi32>
    %select_n3A_100 = arith.select %gt3A_97, %select_n3A_47, %broadcast_in_dim3A_99 : vector<256x4096xi1>, vector<256x4096xi32>
    %reduce_min3A_101 = arith.constant dense<2147483647> : vector<256xi32>
    %reduce_min3A_102 = vector.multi_reduction <minsi>, %select_n3A_100, %reduce_min3A_101 [1] : vector<256x4096xi32> to vector<256xi32>
    %broadcast_in_dim3A_103 = vector.shape_cast %reduce_min3A_102 : vector<256xi32> to vector<256x1xi32>
    %gt3A_104 = vector.broadcast %broadcast_in_dim3A_103 : vector<256x1xi32> to vector<256x4096xi32>
    %gt3A_105 = arith.cmpi sgt, %select_n3A_47, %gt3A_104 : vector<256x4096xi32>
    %jit3A_106 = arith.constant 2147483647 : i32
    %broadcast_in_dim3A_107 = vector.broadcast %jit3A_106 : i32 to vector<256x4096xi32>
    %select_n3A_108 = arith.select %gt3A_105, %select_n3A_47, %broadcast_in_dim3A_107 : vector<256x4096xi1>, vector<256x4096xi32>
    %reduce_min3A_109 = arith.constant dense<2147483647> : vector<256xi32>
    %reduce_min3A_110 = vector.multi_reduction <minsi>, %select_n3A_108, %reduce_min3A_109 [1] : vector<256x4096xi32> to vector<256xi32>
    %broadcast_in_dim3A_111 = vector.shape_cast %reduce_min3A_110 : vector<256xi32> to vector<256x1xi32>
    %gt3A_112 = vector.broadcast %broadcast_in_dim3A_111 : vector<256x1xi32> to vector<256x4096xi32>
    %gt3A_113 = arith.cmpi sgt, %select_n3A_47, %gt3A_112 : vector<256x4096xi32>
    %jit3A_114 = arith.constant 2147483647 : i32
    %broadcast_in_dim3A_115 = vector.broadcast %jit3A_114 : i32 to vector<256x4096xi32>
    %select_n3A_116 = arith.select %gt3A_113, %select_n3A_47, %broadcast_in_dim3A_115 : vector<256x4096xi1>, vector<256x4096xi32>
    %reduce_min3A_117 = arith.constant dense<2147483647> : vector<256xi32>
    %reduce_min3A_118 = vector.multi_reduction <minsi>, %select_n3A_116, %reduce_min3A_117 [1] : vector<256x4096xi32> to vector<256xi32>
    %broadcast_in_dim3A_119 = vector.shape_cast %reduce_min3A_118 : vector<256xi32> to vector<256x1xi32>
    %gt3A_120 = vector.broadcast %broadcast_in_dim3A_119 : vector<256x1xi32> to vector<256x4096xi32>
    %gt3A_121 = arith.cmpi sgt, %select_n3A_47, %gt3A_120 : vector<256x4096xi32>
    %jit3A_122 = arith.constant 2147483647 : i32
    %broadcast_in_dim3A_123 = vector.broadcast %jit3A_122 : i32 to vector<256x4096xi32>
    %select_n3A_124 = arith.select %gt3A_121, %select_n3A_47, %broadcast_in_dim3A_123 : vector<256x4096xi1>, vector<256x4096xi32>
    %reduce_min3A_125 = arith.constant dense<2147483647> : vector<256xi32>
    %reduce_min3A_126 = vector.multi_reduction <minsi>, %select_n3A_124, %reduce_min3A_125 [1] : vector<256x4096xi32> to vector<256xi32>
    %broadcast_in_dim3A_127 = vector.shape_cast %reduce_min3A_126 : vector<256xi32> to vector<256x1xi32>
    %gt3A_128 = vector.broadcast %broadcast_in_dim3A_127 : vector<256x1xi32> to vector<256x4096xi32>
    %gt3A_129 = arith.cmpi sgt, %select_n3A_47, %gt3A_128 : vector<256x4096xi32>
    %jit3A_130 = arith.constant 2147483647 : i32
    %broadcast_in_dim3A_131 = vector.broadcast %jit3A_130 : i32 to vector<256x4096xi32>
    %select_n3A_132 = arith.select %gt3A_129, %select_n3A_47, %broadcast_in_dim3A_131 : vector<256x4096xi1>, vector<256x4096xi32>
    %reduce_min3A_133 = arith.constant dense<2147483647> : vector<256xi32>
    %reduce_min3A_134 = vector.multi_reduction <minsi>, %select_n3A_132, %reduce_min3A_133 [1] : vector<256x4096xi32> to vector<256xi32>
    %broadcast_in_dim3A_135 = vector.shape_cast %reduce_min3A_134 : vector<256xi32> to vector<256x1xi32>
    %gt3A_136 = vector.broadcast %broadcast_in_dim3A_135 : vector<256x1xi32> to vector<256x4096xi32>
    %gt3A_137 = arith.cmpi sgt, %select_n3A_47, %gt3A_136 : vector<256x4096xi32>
    %jit3A_138 = arith.constant 2147483647 : i32
    %broadcast_in_dim3A_139 = vector.broadcast %jit3A_138 : i32 to vector<256x4096xi32>
    %select_n3A_140 = arith.select %gt3A_137, %select_n3A_47, %broadcast_in_dim3A_139 : vector<256x4096xi1>, vector<256x4096xi32>
    %reduce_min3A_141 = arith.constant dense<2147483647> : vector<256xi32>
    %reduce_min3A_142 = vector.multi_reduction <minsi>, %select_n3A_140, %reduce_min3A_141 [1] : vector<256x4096xi32> to vector<256xi32>
    %broadcast_in_dim3A_143 = vector.shape_cast %reduce_min3A_142 : vector<256xi32> to vector<256x1xi32>
    %gt3A_144 = vector.broadcast %broadcast_in_dim3A_143 : vector<256x1xi32> to vector<256x4096xi32>
    %gt3A_145 = arith.cmpi sgt, %select_n3A_47, %gt3A_144 : vector<256x4096xi32>
    %jit3A_146 = arith.constant 2147483647 : i32
    %broadcast_in_dim3A_147 = vector.broadcast %jit3A_146 : i32 to vector<256x4096xi32>
    %select_n3A_148 = arith.select %gt3A_145, %select_n3A_47, %broadcast_in_dim3A_147 : vector<256x4096xi1>, vector<256x4096xi32>
    %reduce_min3A_149 = arith.constant dense<2147483647> : vector<256xi32>
    %reduce_min3A_150 = vector.multi_reduction <minsi>, %select_n3A_148, %reduce_min3A_149 [1] : vector<256x4096xi32> to vector<256xi32>
    %broadcast_in_dim3A_151 = vector.shape_cast %reduce_min3A_150 : vector<256xi32> to vector<256x1xi32>
    %gt3A_152 = vector.broadcast %broadcast_in_dim3A_151 : vector<256x1xi32> to vector<256x4096xi32>
    %gt3A_153 = arith.cmpi sgt, %select_n3A_47, %gt3A_152 : vector<256x4096xi32>
    %jit3A_154 = arith.constant 2147483647 : i32
    %broadcast_in_dim3A_155 = vector.broadcast %jit3A_154 : i32 to vector<256x4096xi32>
    %select_n3A_156 = arith.select %gt3A_153, %select_n3A_47, %broadcast_in_dim3A_155 : vector<256x4096xi1>, vector<256x4096xi32>
    %reduce_min3A_157 = arith.constant dense<2147483647> : vector<256xi32>
    %reduce_min3A_158 = vector.multi_reduction <minsi>, %select_n3A_156, %reduce_min3A_157 [1] : vector<256x4096xi32> to vector<256xi32>
    %broadcast_in_dim3A_159 = vector.shape_cast %reduce_min3A_158 : vector<256xi32> to vector<256x1xi32>
    %gt3A_160 = vector.broadcast %broadcast_in_dim3A_159 : vector<256x1xi32> to vector<256x4096xi32>
    %gt3A_161 = arith.cmpi sgt, %select_n3A_47, %gt3A_160 : vector<256x4096xi32>
    %jit3A_162 = arith.constant 2147483647 : i32
    %broadcast_in_dim3A_163 = vector.broadcast %jit3A_162 : i32 to vector<256x4096xi32>
    %select_n3A_164 = arith.select %gt3A_161, %select_n3A_47, %broadcast_in_dim3A_163 : vector<256x4096xi1>, vector<256x4096xi32>
    %reduce_min3A_165 = arith.constant dense<2147483647> : vector<256xi32>
    %reduce_min3A_166 = vector.multi_reduction <minsi>, %select_n3A_164, %reduce_min3A_165 [1] : vector<256x4096xi32> to vector<256xi32>
    %broadcast_in_dim3A_167 = vector.shape_cast %reduce_min3A_166 : vector<256xi32> to vector<256x1xi32>
    %gt3A_168 = vector.broadcast %broadcast_in_dim3A_167 : vector<256x1xi32> to vector<256x4096xi32>
    %gt3A_169 = arith.cmpi sgt, %select_n3A_47, %gt3A_168 : vector<256x4096xi32>
    %jit3A_170 = arith.constant 2147483647 : i32
    %broadcast_in_dim3A_171 = vector.broadcast %jit3A_170 : i32 to vector<256x4096xi32>
    %select_n3A_172 = arith.select %gt3A_169, %select_n3A_47, %broadcast_in_dim3A_171 : vector<256x4096xi1>, vector<256x4096xi32>
    %reduce_min3A_173 = arith.constant dense<2147483647> : vector<256xi32>
    %reduce_min3A_174 = vector.multi_reduction <minsi>, %select_n3A_172, %reduce_min3A_173 [1] : vector<256x4096xi32> to vector<256xi32>
    %broadcast_in_dim3A_175 = vector.shape_cast %reduce_min3A_174 : vector<256xi32> to vector<256x1xi32>
    %gt3A_176 = vector.broadcast %broadcast_in_dim3A_175 : vector<256x1xi32> to vector<256x4096xi32>
    %gt3A_177 = arith.cmpi sgt, %select_n3A_47, %gt3A_176 : vector<256x4096xi32>
    %jit3A_178 = arith.constant 2147483647 : i32
    %broadcast_in_dim3A_179 = vector.broadcast %jit3A_178 : i32 to vector<256x4096xi32>
    %select_n3A_180 = arith.select %gt3A_177, %select_n3A_47, %broadcast_in_dim3A_179 : vector<256x4096xi1>, vector<256x4096xi32>
    %reduce_min3A_181 = arith.constant dense<2147483647> : vector<256xi32>
    %reduce_min3A_182 = vector.multi_reduction <minsi>, %select_n3A_180, %reduce_min3A_181 [1] : vector<256x4096xi32> to vector<256xi32>
    %broadcast_in_dim3A_183 = vector.shape_cast %reduce_min3A_182 : vector<256xi32> to vector<256x1xi32>
    %gt3A_184 = vector.broadcast %broadcast_in_dim3A_183 : vector<256x1xi32> to vector<256x4096xi32>
    %gt3A_185 = arith.cmpi sgt, %select_n3A_47, %gt3A_184 : vector<256x4096xi32>
    %jit3A_186 = arith.constant 2147483647 : i32
    %broadcast_in_dim3A_187 = vector.broadcast %jit3A_186 : i32 to vector<256x4096xi32>
    %select_n3A_188 = arith.select %gt3A_185, %select_n3A_47, %broadcast_in_dim3A_187 : vector<256x4096xi1>, vector<256x4096xi32>
    %reduce_min3A_189 = arith.constant dense<2147483647> : vector<256xi32>
    %reduce_min3A_190 = vector.multi_reduction <minsi>, %select_n3A_188, %reduce_min3A_189 [1] : vector<256x4096xi32> to vector<256xi32>
    %broadcast_in_dim3A_191 = vector.shape_cast %reduce_min3A_190 : vector<256xi32> to vector<256x1xi32>
    %gt3A_192 = vector.broadcast %broadcast_in_dim3A_191 : vector<256x1xi32> to vector<256x4096xi32>
    %gt3A_193 = arith.cmpi sgt, %select_n3A_47, %gt3A_192 : vector<256x4096xi32>
    %jit3A_194 = arith.constant 2147483647 : i32
    %broadcast_in_dim3A_195 = vector.broadcast %jit3A_194 : i32 to vector<256x4096xi32>
    %select_n3A_196 = arith.select %gt3A_193, %select_n3A_47, %broadcast_in_dim3A_195 : vector<256x4096xi1>, vector<256x4096xi32>
    %reduce_min3A_197 = arith.constant dense<2147483647> : vector<256xi32>
    %reduce_min3A_198 = vector.multi_reduction <minsi>, %select_n3A_196, %reduce_min3A_197 [1] : vector<256x4096xi32> to vector<256xi32>
    %broadcast_in_dim3A_199 = vector.shape_cast %reduce_min3A_198 : vector<256xi32> to vector<256x1xi32>
    %gt3A_200 = vector.broadcast %broadcast_in_dim3A_199 : vector<256x1xi32> to vector<256x4096xi32>
    %gt3A_201 = arith.cmpi sgt, %select_n3A_47, %gt3A_200 : vector<256x4096xi32>
    %jit3A_202 = arith.constant 2147483647 : i32
    %broadcast_in_dim3A_203 = vector.broadcast %jit3A_202 : i32 to vector<256x4096xi32>
    %select_n3A_204 = arith.select %gt3A_201, %select_n3A_47, %broadcast_in_dim3A_203 : vector<256x4096xi1>, vector<256x4096xi32>
    %reduce_min3A_205 = arith.constant dense<2147483647> : vector<256xi32>
    %reduce_min3A_206 = vector.multi_reduction <minsi>, %select_n3A_204, %reduce_min3A_205 [1] : vector<256x4096xi32> to vector<256xi32>
    %broadcast_in_dim3A_207 = vector.shape_cast %reduce_min3A_206 : vector<256xi32> to vector<256x1xi32>
    %gt3A_208 = vector.broadcast %broadcast_in_dim3A_207 : vector<256x1xi32> to vector<256x4096xi32>
    %gt3A_209 = arith.cmpi sgt, %select_n3A_47, %gt3A_208 : vector<256x4096xi32>
    %jit3A_210 = arith.constant 2147483647 : i32
    %broadcast_in_dim3A_211 = vector.broadcast %jit3A_210 : i32 to vector<256x4096xi32>
    %select_n3A_212 = arith.select %gt3A_209, %select_n3A_47, %broadcast_in_dim3A_211 : vector<256x4096xi1>, vector<256x4096xi32>
    %reduce_min3A_213 = arith.constant dense<2147483647> : vector<256xi32>
    %reduce_min3A_214 = vector.multi_reduction <minsi>, %select_n3A_212, %reduce_min3A_213 [1] : vector<256x4096xi32> to vector<256xi32>
    %broadcast_in_dim3A_215 = vector.shape_cast %reduce_min3A_214 : vector<256xi32> to vector<256x1xi32>
    %gt3A_216 = vector.broadcast %broadcast_in_dim3A_215 : vector<256x1xi32> to vector<256x4096xi32>
    %gt3A_217 = arith.cmpi sgt, %select_n3A_47, %gt3A_216 : vector<256x4096xi32>
    %jit3A_218 = arith.constant 2147483647 : i32
    %broadcast_in_dim3A_219 = vector.broadcast %jit3A_218 : i32 to vector<256x4096xi32>
    %select_n3A_220 = arith.select %gt3A_217, %select_n3A_47, %broadcast_in_dim3A_219 : vector<256x4096xi1>, vector<256x4096xi32>
    %reduce_min3A_221 = arith.constant dense<2147483647> : vector<256xi32>
    %reduce_min3A_222 = vector.multi_reduction <minsi>, %select_n3A_220, %reduce_min3A_221 [1] : vector<256x4096xi32> to vector<256xi32>
    %broadcast_in_dim3A_223 = vector.shape_cast %reduce_min3A_222 : vector<256xi32> to vector<256x1xi32>
    %gt3A_224 = vector.broadcast %broadcast_in_dim3A_223 : vector<256x1xi32> to vector<256x4096xi32>
    %gt3A_225 = arith.cmpi sgt, %select_n3A_47, %gt3A_224 : vector<256x4096xi32>
    %jit3A_226 = arith.constant 2147483647 : i32
    %broadcast_in_dim3A_227 = vector.broadcast %jit3A_226 : i32 to vector<256x4096xi32>
    %select_n3A_228 = arith.select %gt3A_225, %select_n3A_47, %broadcast_in_dim3A_227 : vector<256x4096xi1>, vector<256x4096xi32>
    %reduce_min3A_229 = arith.constant dense<2147483647> : vector<256xi32>
    %reduce_min3A_230 = vector.multi_reduction <minsi>, %select_n3A_228, %reduce_min3A_229 [1] : vector<256x4096xi32> to vector<256xi32>
    %broadcast_in_dim3A_231 = vector.shape_cast %reduce_min3A_230 : vector<256xi32> to vector<256x1xi32>
    %gt3A_232 = vector.broadcast %broadcast_in_dim3A_231 : vector<256x1xi32> to vector<256x4096xi32>
    %gt3A_233 = arith.cmpi sgt, %select_n3A_47, %gt3A_232 : vector<256x4096xi32>
    %jit3A_234 = arith.constant 2147483647 : i32
    %broadcast_in_dim3A_235 = vector.broadcast %jit3A_234 : i32 to vector<256x4096xi32>
    %select_n3A_236 = arith.select %gt3A_233, %select_n3A_47, %broadcast_in_dim3A_235 : vector<256x4096xi1>, vector<256x4096xi32>
    %reduce_min3A_237 = arith.constant dense<2147483647> : vector<256xi32>
    %reduce_min3A_238 = vector.multi_reduction <minsi>, %select_n3A_236, %reduce_min3A_237 [1] : vector<256x4096xi32> to vector<256xi32>
    %broadcast_in_dim3A_239 = vector.shape_cast %reduce_min3A_238 : vector<256xi32> to vector<256x1xi32>
    %gt3A_240 = vector.broadcast %broadcast_in_dim3A_239 : vector<256x1xi32> to vector<256x4096xi32>
    %gt3A_241 = arith.cmpi sgt, %select_n3A_47, %gt3A_240 : vector<256x4096xi32>
    %jit3A_242 = arith.constant 2147483647 : i32
    %broadcast_in_dim3A_243 = vector.broadcast %jit3A_242 : i32 to vector<256x4096xi32>
    %select_n3A_244 = arith.select %gt3A_241, %select_n3A_47, %broadcast_in_dim3A_243 : vector<256x4096xi1>, vector<256x4096xi32>
    %reduce_min3A_245 = arith.constant dense<2147483647> : vector<256xi32>
    %reduce_min3A_246 = vector.multi_reduction <minsi>, %select_n3A_244, %reduce_min3A_245 [1] : vector<256x4096xi32> to vector<256xi32>
    %broadcast_in_dim3A_247 = vector.shape_cast %reduce_min3A_246 : vector<256xi32> to vector<256x1xi32>
    %gt3A_248 = vector.broadcast %broadcast_in_dim3A_247 : vector<256x1xi32> to vector<256x4096xi32>
    %gt3A_249 = arith.cmpi sgt, %select_n3A_47, %gt3A_248 : vector<256x4096xi32>
    %jit3A_250 = arith.constant 2147483647 : i32
    %broadcast_in_dim3A_251 = vector.broadcast %jit3A_250 : i32 to vector<256x4096xi32>
    %select_n3A_252 = arith.select %gt3A_249, %select_n3A_47, %broadcast_in_dim3A_251 : vector<256x4096xi1>, vector<256x4096xi32>
    %reduce_min3A_253 = arith.constant dense<2147483647> : vector<256xi32>
    %reduce_min3A_254 = vector.multi_reduction <minsi>, %select_n3A_252, %reduce_min3A_253 [1] : vector<256x4096xi32> to vector<256xi32>
    %broadcast_in_dim3A_255 = vector.shape_cast %reduce_min3A_254 : vector<256xi32> to vector<256x1xi32>
    %gt3A_256 = vector.broadcast %broadcast_in_dim3A_255 : vector<256x1xi32> to vector<256x4096xi32>
    %gt3A_257 = arith.cmpi sgt, %select_n3A_47, %gt3A_256 : vector<256x4096xi32>
    %jit3A_258 = arith.constant 2147483647 : i32
    %broadcast_in_dim3A_259 = vector.broadcast %jit3A_258 : i32 to vector<256x4096xi32>
    %select_n3A_260 = arith.select %gt3A_257, %select_n3A_47, %broadcast_in_dim3A_259 : vector<256x4096xi1>, vector<256x4096xi32>
    %reduce_min3A_261 = arith.constant dense<2147483647> : vector<256xi32>
    %reduce_min3A_262 = vector.multi_reduction <minsi>, %select_n3A_260, %reduce_min3A_261 [1] : vector<256x4096xi32> to vector<256xi32>
    %broadcast_in_dim3A_263 = vector.shape_cast %reduce_min3A_262 : vector<256xi32> to vector<256x1xi32>
    %gt3A_264 = vector.broadcast %broadcast_in_dim3A_263 : vector<256x1xi32> to vector<256x4096xi32>
    %gt3A_265 = arith.cmpi sgt, %select_n3A_47, %gt3A_264 : vector<256x4096xi32>
    %jit3A_266 = arith.constant 2147483647 : i32
    %broadcast_in_dim3A_267 = vector.broadcast %jit3A_266 : i32 to vector<256x4096xi32>
    %select_n3A_268 = arith.select %gt3A_265, %select_n3A_47, %broadcast_in_dim3A_267 : vector<256x4096xi1>, vector<256x4096xi32>
    %reduce_min3A_269 = arith.constant dense<2147483647> : vector<256xi32>
    %reduce_min3A_270 = vector.multi_reduction <minsi>, %select_n3A_268, %reduce_min3A_269 [1] : vector<256x4096xi32> to vector<256xi32>
    %broadcast_in_dim3A_271 = vector.shape_cast %reduce_min3A_270 : vector<256xi32> to vector<256x1xi32>
    %gt3A_272 = vector.broadcast %broadcast_in_dim3A_271 : vector<256x1xi32> to vector<256x4096xi32>
    %gt3A_273 = arith.cmpi sgt, %select_n3A_47, %gt3A_272 : vector<256x4096xi32>
    %jit3A_274 = arith.constant 2147483647 : i32
    %broadcast_in_dim3A_275 = vector.broadcast %jit3A_274 : i32 to vector<256x4096xi32>
    %select_n3A_276 = arith.select %gt3A_273, %select_n3A_47, %broadcast_in_dim3A_275 : vector<256x4096xi1>, vector<256x4096xi32>
    %reduce_min3A_277 = arith.constant dense<2147483647> : vector<256xi32>
    %reduce_min3A_278 = vector.multi_reduction <minsi>, %select_n3A_276, %reduce_min3A_277 [1] : vector<256x4096xi32> to vector<256xi32>
    %broadcast_in_dim3A_279 = vector.shape_cast %reduce_min3A_278 : vector<256xi32> to vector<256x1xi32>
    %gt3A_280 = vector.broadcast %broadcast_in_dim3A_279 : vector<256x1xi32> to vector<256x4096xi32>
    %gt3A_281 = arith.cmpi sgt, %select_n3A_47, %gt3A_280 : vector<256x4096xi32>
    %jit3A_282 = arith.constant 2147483647 : i32
    %broadcast_in_dim3A_283 = vector.broadcast %jit3A_282 : i32 to vector<256x4096xi32>
    %select_n3A_284 = arith.select %gt3A_281, %select_n3A_47, %broadcast_in_dim3A_283 : vector<256x4096xi1>, vector<256x4096xi32>
    %reduce_min3A_285 = arith.constant dense<2147483647> : vector<256xi32>
    %reduce_min3A_286 = vector.multi_reduction <minsi>, %select_n3A_284, %reduce_min3A_285 [1] : vector<256x4096xi32> to vector<256xi32>
    %broadcast_in_dim3A_287 = vector.shape_cast %reduce_min3A_286 : vector<256xi32> to vector<256x1xi32>
    %gt3A_288 = vector.broadcast %broadcast_in_dim3A_287 : vector<256x1xi32> to vector<256x4096xi32>
    %gt3A_289 = arith.cmpi sgt, %select_n3A_47, %gt3A_288 : vector<256x4096xi32>
    %jit3A_290 = arith.constant 2147483647 : i32
    %broadcast_in_dim3A_291 = vector.broadcast %jit3A_290 : i32 to vector<256x4096xi32>
    %select_n3A_292 = arith.select %gt3A_289, %select_n3A_47, %broadcast_in_dim3A_291 : vector<256x4096xi1>, vector<256x4096xi32>
    %reduce_min3A_293 = arith.constant dense<2147483647> : vector<256xi32>
    %reduce_min3A_294 = vector.multi_reduction <minsi>, %select_n3A_292, %reduce_min3A_293 [1] : vector<256x4096xi32> to vector<256xi32>
    %broadcast_in_dim3A_295 = vector.shape_cast %reduce_min3A_294 : vector<256xi32> to vector<256x1xi32>
    %gt3A_296 = vector.broadcast %broadcast_in_dim3A_295 : vector<256x1xi32> to vector<256x4096xi32>
    %gt3A_297 = arith.cmpi sgt, %select_n3A_47, %gt3A_296 : vector<256x4096xi32>
    %jit3A_298 = arith.constant 2147483647 : i32
    %broadcast_in_dim3A_299 = vector.broadcast %jit3A_298 : i32 to vector<256x4096xi32>
    %select_n3A_300 = arith.select %gt3A_297, %select_n3A_47, %broadcast_in_dim3A_299 : vector<256x4096xi1>, vector<256x4096xi32>
    %reduce_min3A_301 = arith.constant dense<2147483647> : vector<256xi32>
    %reduce_min3A_302 = vector.multi_reduction <minsi>, %select_n3A_300, %reduce_min3A_301 [1] : vector<256x4096xi32> to vector<256xi32>
    %broadcast_in_dim3A_303 = vector.shape_cast %reduce_min3A_302 : vector<256xi32> to vector<256x1xi32>
    %concatenate3A = tpu.concatenate %broadcast_in_dim3A_55, %broadcast_in_dim3A_63, %broadcast_in_dim3A_71, %broadcast_in_dim3A_79, %broadcast_in_dim3A_87, %broadcast_in_dim3A_95, %broadcast_in_dim3A_103, %broadcast_in_dim3A_111, %broadcast_in_dim3A_119, %broadcast_in_dim3A_127, %broadcast_in_dim3A_135, %broadcast_in_dim3A_143, %broadcast_in_dim3A_151, %broadcast_in_dim3A_159, %broadcast_in_dim3A_167, %broadcast_in_dim3A_175, %broadcast_in_dim3A_183, %broadcast_in_dim3A_191, %broadcast_in_dim3A_199, %broadcast_in_dim3A_207, %broadcast_in_dim3A_215, %broadcast_in_dim3A_223, %broadcast_in_dim3A_231, %broadcast_in_dim3A_239, %broadcast_in_dim3A_247, %broadcast_in_dim3A_255, %broadcast_in_dim3A_263, %broadcast_in_dim3A_271, %broadcast_in_dim3A_279, %broadcast_in_dim3A_287, %broadcast_in_dim3A_295, %broadcast_in_dim3A_303 in 1 : vector<256x1xi32>, vector<256x1xi32>, vector<256x1xi32>, vector<256x1xi32>, vector<256x1xi32>, vector<256x1xi32>, vector<256x1xi32>, vector<256x1xi32>, vector<256x1xi32>, vector<256x1xi32>, vector<256x1xi32>, vector<256x1xi32>, vector<256x1xi32>, vector<256x1xi32>, vector<256x1xi32>, vector<256x1xi32>, vector<256x1xi32>, vector<256x1xi32>, vector<256x1xi32>, vector<256x1xi32>, vector<256x1xi32>, vector<256x1xi32>, vector<256x1xi32>, vector<256x1xi32>, vector<256x1xi32>, vector<256x1xi32>, vector<256x1xi32>, vector<256x1xi32>, vector<256x1xi32>, vector<256x1xi32>, vector<256x1xi32>, vector<256x1xi32> -> vector<256x32xi32>
    %and3A_304 = arith.constant 4095 : i32
    %and3A_305 = vector.broadcast %and3A_304 : i32 to vector<256x32xi32>
    %and3A_306 = arith.andi %concatenate3A, %and3A_305 : vector<256x32xi32>
    %broadcast_in_dim3A_307 = arith.constant 0 : i32
    %broadcast_in_dim3A_308 = vector.broadcast %broadcast_in_dim3A_307 : i32 to vector<256x96xi32>
    %concatenate3A_309 = tpu.concatenate %and3A_306, %broadcast_in_dim3A_308 in 1 : vector<256x32xi32>, vector<256x96xi32> -> vector<256x128xi32>
    %swap3A = arith.constant 0 : index
    %swap3A_310 = arith.constant 0 : index
    %swap3A_311 = vector.load %arg3[%swap3A, %swap3A_310] : memref<256x128xi32, #tpu.memory_space<vmem>>, vector<256x128xi32>
    tpu.vector_store %arg3[%swap3A, %swap3A_310], %concatenate3A_309 {strides = array<i32>} : memref<256x128xi32, #tpu.memory_space<vmem>>, vector<256x128xi32>,
    %jit3A_312 = arith.constant 2.91038305E-11 : f32
    %jit3A_313 = arith.constant 5.82076609E-11 : f32
    %broadcast_in_dim3A_314 = vector.broadcast %jit3A_312 : f32 to vector<256x1xf32>
    %broadcast_in_dim3A_315 = vector.broadcast %jit3A_313 : f32 to vector<256x1xf32>
    %select_n3A_316 = arith.select %ge3A_26, %broadcast_in_dim3A_314, %broadcast_in_dim3A_315 : vector<256x1xi1>, vector<256x1xf32>
    %and3A_317 = arith.constant -4096 : i32
    %and3A_318 = vector.broadcast %and3A_317 : i32 to vector<256x32xi32>
    %and3A_319 = arith.andi %concatenate3A, %and3A_318 : vector<256x32xi32>
    %convert_element_type3A_320 = arith.sitofp %and3A_319 : vector<256x32xi32> to vector<256x32xf32>
    %mul3A_321 = vector.broadcast %select_n3A_316 : vector<256x1xf32> to vector<256x32xf32>
    %mul3A_322 = arith.mulf %convert_element_type3A_320, %mul3A_321 : vector<256x32xf32>
    %swap3A_323 = arith.constant 0 : index
    %swap3A_324 = arith.constant 0 : index
    %swap3A_325 = vector.load %arg4[%swap3A_323, %swap3A_324] : memref<256x32xf32, #tpu.memory_space<vmem>>, vector<256x32xf32>
    tpu.vector_store %arg4[%swap3A_323, %swap3A_324], %mul3A_322 {strides = array<i32>} : memref<256x32xf32, #tpu.memory_space<vmem>>, vector<256x32xf32>,
    return
  }
  func.func @transform_0(%arg0: i32) -> (i32, i32) {
    %c0_i32 = arith.constant 0 : i32
    %c0_i32_0 = arith.constant 0 : i32
    return %arg0, %c0_i32 : i32, i32
  }
  func.func @transform_1(%arg0: i32) -> (i32, i32) {
    %c0_i32 = arith.constant 0 : i32
    %c0_i32_0 = arith.constant 0 : i32
    %c0_i32_1 = arith.constant 0 : i32
    return %c0_i32, %c0_i32_0 : i32, i32
  }
  func.func @transform_2(%arg0: i32) -> (i32, i32) {
    %c0_i32 = arith.constant 0 : i32
    %c0_i32_0 = arith.constant 0 : i32
    return %arg0, %c0_i32 : i32, i32
  }
  func.func @transform_3(%arg0: i32) -> (i32, i32) {
    %c0_i32 = arith.constant 0 : i32
    %c0_i32_0 = arith.constant 0 : i32
    return %arg0, %c0_i32 : i32, i32
  }
}

module attributes {stable_mosaic.version = 14 : i64} {
  func.func @_conv_body(%arg0: i32, %arg1: memref<256x64xf32, #tpu.memory_space<vmem>>, %arg2: memref<256x64xf32, #tpu.memory_space<vmem>>, %arg3: memref<8192x128xf32, #tpu.memory_space<vmem>>, %arg4: memref<256x32xf32, #tpu.memory_space<vmem>>, %arg5: memref<1x128xf32, #tpu.memory_space<vmem>>, %arg6: memref<128x64xf32, #tpu.memory_space<vmem>>, %arg7: memref<1x64xf32, #tpu.memory_space<vmem>>, %arg8: memref<64x64xf32, #tpu.memory_space<vmem>>, %arg9: memref<64x64xf32, #tpu.memory_space<vmem>>, %arg10: memref<1x64xf32, #tpu.memory_space<vmem>>, %arg11: memref<64x64xf32, #tpu.memory_space<vmem>>, %arg12: memref<1x64xf32, #tpu.memory_space<vmem>>, %arg13: memref<64x64xf32, #tpu.memory_space<vmem>>, %arg14: memref<1x64xf32, #tpu.memory_space<vmem>>, %arg15: memref<64x64xf32, #tpu.memory_space<vmem>>, %arg16: memref<256x64xf32, #tpu.memory_space<vmem>>, %arg17: memref<256x64xf32, #tpu.memory_space<vmem>>, %arg18: memref<256x128xf32, #tpu.memory_space<vmem>>) attributes {dimension_semantics = [#tpu.dimension_semantics<arbitrary>], iteration_bounds = array<i64: 16>, scalar_prefetch = 0 : i64, scratch_operands = 0 : i64, tpu.core_type = #tpu.core_type<tc>, window_params = [{transform_indices = @transform_0, window_bounds = array<i64: 256, 64>}, {transform_indices = @transform_1, window_bounds = array<i64: 256, 64>}, {transform_indices = @transform_2, window_bounds = array<i64: 8192, 128>}, {transform_indices = @transform_3, window_bounds = array<i64: 256, 32>}, {pipeline_mode = #tpu.pipeline_mode<synchronous>, transform_indices = @transform_4, window_bounds = array<i64: 1, 128>}, {pipeline_mode = #tpu.pipeline_mode<synchronous>, transform_indices = @transform_5, window_bounds = array<i64: 128, 64>}, {pipeline_mode = #tpu.pipeline_mode<synchronous>, transform_indices = @transform_6, window_bounds = array<i64: 1, 64>}, {pipeline_mode = #tpu.pipeline_mode<synchronous>, transform_indices = @transform_7, window_bounds = array<i64: 64, 64>}, {pipeline_mode = #tpu.pipeline_mode<synchronous>, transform_indices = @transform_8, window_bounds = array<i64: 64, 64>}, {pipeline_mode = #tpu.pipeline_mode<synchronous>, transform_indices = @transform_9, window_bounds = array<i64: 1, 64>}, {pipeline_mode = #tpu.pipeline_mode<synchronous>, transform_indices = @transform_10, window_bounds = array<i64: 64, 64>}, {pipeline_mode = #tpu.pipeline_mode<synchronous>, transform_indices = @transform_11, window_bounds = array<i64: 1, 64>}, {pipeline_mode = #tpu.pipeline_mode<synchronous>, transform_indices = @transform_12, window_bounds = array<i64: 64, 64>}, {pipeline_mode = #tpu.pipeline_mode<synchronous>, transform_indices = @transform_13, window_bounds = array<i64: 1, 64>}, {pipeline_mode = #tpu.pipeline_mode<synchronous>, transform_indices = @transform_14, window_bounds = array<i64: 64, 64>}, {transform_indices = @transform_15, window_bounds = array<i64: 256, 64>}, {transform_indices = @transform_16, window_bounds = array<i64: 256, 64>}, {transform_indices = @transform_17, window_bounds = array<i64: 256, 128>}]} {
    %get3A = arith.constant 0 : index
    %get3A_0 = arith.constant 0 : index
    %get3A_1 = vector.load %arg3[%get3A, %get3A_0] : memref<8192x128xf32, #tpu.memory_space<vmem>>, vector<8192x128xf32>
    %reshape3A = vector.shape_cast %get3A_1 : vector<8192x128xf32> to vector<256x32x128xf32>
    %get3A_2 = arith.constant 0 : index
    %get3A_3 = arith.constant 0 : index
    %get3A_4 = vector.load %arg2[%get3A_2, %get3A_3] : memref<256x64xf32, #tpu.memory_space<vmem>>, vector<256x64xf32>
    %broadcast_in_dim3A = arith.constant 0.000000e+00 : f32
    %broadcast_in_dim3A_5 = vector.broadcast %broadcast_in_dim3A : f32 to vector<256x64xf32>
    %concatenate3A = tpu.concatenate %get3A_4, %broadcast_in_dim3A_5 in 1 : vector<256x64xf32>, vector<256x64xf32> -> vector<256x128xf32>
    %broadcast_in_dim3A_6 = vector.shape_cast %concatenate3A : vector<256x128xf32> to vector<256x1x128xf32>
    %add3A = vector.broadcast %broadcast_in_dim3A_6 : vector<256x1x128xf32> to vector<256x32x128xf32>
    %add3A_7 = arith.addf %reshape3A, %add3A : vector<256x32x128xf32>
    %get3A_8 = arith.constant 0 : index
    %get3A_9 = arith.constant 0 : index
    %get3A_10 = vector.load %arg4[%get3A_8, %get3A_9] : memref<256x32xf32, #tpu.memory_space<vmem>>, vector<256x32xf32>
    %broadcast_in_dim3A_11 = vector.shape_cast %get3A_10 : vector<256x32xf32> to vector<256x32x1xf32>
    %get3A_12 = arith.constant 0 : index
    %get3A_13 = arith.constant 0 : index
    %get3A_14 = vector.load %arg5[%get3A_12, %get3A_13] : memref<1x128xf32, #tpu.memory_space<vmem>>, vector<1x128xf32>
    %squeeze3A = vector.shape_cast %get3A_14 : vector<1x128xf32> to vector<128xf32>
    %broadcast_in_dim3A_15 = vector.shape_cast %squeeze3A : vector<128xf32> to vector<1x1x128xf32>
    %mul3A = vector.broadcast %broadcast_in_dim3A_11 : vector<256x32x1xf32> to vector<256x32x128xf32>
    %mul3A_16 = vector.broadcast %broadcast_in_dim3A_15 : vector<1x1x128xf32> to vector<256x32x128xf32>
    %mul3A_17 = arith.mulf %mul3A, %mul3A_16 : vector<256x32x128xf32>
    %add3A_18 = arith.addf %add3A_7, %mul3A_17 : vector<256x32x128xf32>
    %logistic3A = arith.negf %add3A_18 : vector<256x32x128xf32>
    %logistic3A_19 = math.exp %logistic3A : vector<256x32x128xf32>
    %logistic3A_20 = arith.constant 1.000000e+00 : f32
    %logistic3A_21 = vector.broadcast %logistic3A_20 : f32 to vector<256x32x128xf32>
    %logistic3A_22 = arith.addf %logistic3A_21, %logistic3A_19 : vector<256x32x128xf32>
    %logistic3A_23 = arith.divf %logistic3A_21, %logistic3A_22 : vector<256x32x128xf32>
    %mul3A_24 = arith.mulf %add3A_18, %logistic3A_23 : vector<256x32x128xf32>
    %reshape3A_25 = vector.shape_cast %mul3A_24 : vector<256x32x128xf32> to vector<8192x128xf32>
    %get3A_26 = arith.constant 0 : index
    %get3A_27 = arith.constant 0 : index
    %get3A_28 = vector.load %arg6[%get3A_26, %get3A_27] : memref<128x64xf32, #tpu.memory_space<vmem>>, vector<128x64xf32>
    %dot_general3A = arith.constant dense<0.000000e+00> : vector<8192x64xf32>
    %dot_general3A_29 = tpu.matmul %reshape3A_25, %get3A_28, %dot_general3A {dimension_numbers = #tpu.dot_dimension_numbers<[1], [0], [0], [1], [0, 0, 1, 1], [], []>, transpose_lhs_hint = false} : vector<8192x128xf32>, vector<128x64xf32>, vector<8192x64xf32> -> vector<8192x64xf32>
    %get3A_30 = arith.constant 0 : index
    %get3A_31 = arith.constant 0 : index
    %get3A_32 = vector.load %arg7[%get3A_30, %get3A_31] : memref<1x64xf32, #tpu.memory_space<vmem>>, vector<1x64xf32>
    %add3A_33 = vector.broadcast %get3A_32 : vector<1x64xf32> to vector<8192x64xf32>
    %add3A_34 = arith.addf %dot_general3A_29, %add3A_33 : vector<8192x64xf32>
    %logistic3A_35 = arith.negf %add3A_34 : vector<8192x64xf32>
    %logistic3A_36 = math.exp %logistic3A_35 : vector<8192x64xf32>
    %logistic3A_37 = arith.constant 1.000000e+00 : f32
    %logistic3A_38 = vector.broadcast %logistic3A_37 : f32 to vector<8192x64xf32>
    %logistic3A_39 = arith.addf %logistic3A_38, %logistic3A_36 : vector<8192x64xf32>
    %logistic3A_40 = arith.divf %logistic3A_38, %logistic3A_39 : vector<8192x64xf32>
    %mul3A_41 = arith.mulf %add3A_34, %logistic3A_40 : vector<8192x64xf32>
    %reshape3A_42 = vector.shape_cast %mul3A_41 : vector<8192x64xf32> to vector<256x32x64xf32>
    %reduce_sum3A = arith.constant dense<0.000000e+00> : vector<256x64xf32>
    %reduce_sum3A_43 = vector.multi_reduction <add>, %reshape3A_42, %reduce_sum3A [1] : vector<256x32x64xf32> to vector<256x64xf32>
    %get3A_44 = arith.constant 0 : index
    %get3A_45 = arith.constant 0 : index
    %get3A_46 = vector.load %arg1[%get3A_44, %get3A_45] : memref<256x64xf32, #tpu.memory_space<vmem>>, vector<256x64xf32>
    %get3A_47 = arith.constant 0 : index
    %get3A_48 = arith.constant 0 : index
    %get3A_49 = vector.load %arg8[%get3A_47, %get3A_48] : memref<64x64xf32, #tpu.memory_space<vmem>>, vector<64x64xf32>
    %dot_general3A_50 = arith.constant dense<0.000000e+00> : vector<256x64xf32>
    %dot_general3A_51 = tpu.matmul %get3A_46, %get3A_49, %dot_general3A_50 {dimension_numbers = #tpu.dot_dimension_numbers<[1], [0], [0], [1], [0, 0, 1, 1], [], []>, transpose_lhs_hint = false} : vector<256x64xf32>, vector<64x64xf32>, vector<256x64xf32> -> vector<256x64xf32>
    %get3A_52 = arith.constant 0 : index
    %get3A_53 = arith.constant 0 : index
    %get3A_54 = vector.load %arg9[%get3A_52, %get3A_53] : memref<64x64xf32, #tpu.memory_space<vmem>>, vector<64x64xf32>
    %dot_general3A_55 = arith.constant dense<0.000000e+00> : vector<256x64xf32>
    %dot_general3A_56 = tpu.matmul %reduce_sum3A_43, %get3A_54, %dot_general3A_55 {dimension_numbers = #tpu.dot_dimension_numbers<[1], [0], [0], [1], [0, 0, 1, 1], [], []>, transpose_lhs_hint = false} : vector<256x64xf32>, vector<64x64xf32>, vector<256x64xf32> -> vector<256x64xf32>
    %add3A_57 = arith.addf %dot_general3A_51, %dot_general3A_56 : vector<256x64xf32>
    %get3A_58 = arith.constant 0 : index
    %get3A_59 = arith.constant 0 : index
    %get3A_60 = vector.load %arg10[%get3A_58, %get3A_59] : memref<1x64xf32, #tpu.memory_space<vmem>>, vector<1x64xf32>
    %add3A_61 = vector.broadcast %get3A_60 : vector<1x64xf32> to vector<256x64xf32>
    %add3A_62 = arith.addf %add3A_57, %add3A_61 : vector<256x64xf32>
    %logistic3A_63 = arith.negf %add3A_62 : vector<256x64xf32>
    %logistic3A_64 = math.exp %logistic3A_63 : vector<256x64xf32>
    %logistic3A_65 = arith.constant 1.000000e+00 : f32
    %logistic3A_66 = vector.broadcast %logistic3A_65 : f32 to vector<256x64xf32>
    %logistic3A_67 = arith.addf %logistic3A_66, %logistic3A_64 : vector<256x64xf32>
    %logistic3A_68 = arith.divf %logistic3A_66, %logistic3A_67 : vector<256x64xf32>
    %mul3A_69 = arith.mulf %add3A_62, %logistic3A_68 : vector<256x64xf32>
    %get3A_70 = arith.constant 0 : index
    %get3A_71 = arith.constant 0 : index
    %get3A_72 = vector.load %arg11[%get3A_70, %get3A_71] : memref<64x64xf32, #tpu.memory_space<vmem>>, vector<64x64xf32>
    %dot_general3A_73 = arith.constant dense<0.000000e+00> : vector<256x64xf32>
    %dot_general3A_74 = tpu.matmul %mul3A_69, %get3A_72, %dot_general3A_73 {dimension_numbers = #tpu.dot_dimension_numbers<[1], [0], [0], [1], [0, 0, 1, 1], [], []>, transpose_lhs_hint = false} : vector<256x64xf32>, vector<64x64xf32>, vector<256x64xf32> -> vector<256x64xf32>
    %get3A_75 = arith.constant 0 : index
    %get3A_76 = arith.constant 0 : index
    %get3A_77 = vector.load %arg12[%get3A_75, %get3A_76] : memref<1x64xf32, #tpu.memory_space<vmem>>, vector<1x64xf32>
    %add3A_78 = vector.broadcast %get3A_77 : vector<1x64xf32> to vector<256x64xf32>
    %add3A_79 = arith.addf %dot_general3A_74, %add3A_78 : vector<256x64xf32>
    %swap3A = arith.constant 0 : index
    %swap3A_80 = arith.constant 0 : index
    %swap3A_81 = vector.load %arg16[%swap3A, %swap3A_80] : memref<256x64xf32, #tpu.memory_space<vmem>>, vector<256x64xf32>
    tpu.vector_store %arg16[%swap3A, %swap3A_80], %add3A_79 {strides = array<i32>} : memref<256x64xf32, #tpu.memory_space<vmem>>, vector<256x64xf32>,
    %get3A_82 = arith.constant 0 : index
    %get3A_83 = arith.constant 0 : index
    %get3A_84 = vector.load %arg13[%get3A_82, %get3A_83] : memref<64x64xf32, #tpu.memory_space<vmem>>, vector<64x64xf32>
    %dot_general3A_85 = arith.constant dense<0.000000e+00> : vector<256x64xf32>
    %dot_general3A_86 = tpu.matmul %add3A_79, %get3A_84, %dot_general3A_85 {dimension_numbers = #tpu.dot_dimension_numbers<[1], [0], [0], [1], [0, 0, 1, 1], [], []>, transpose_lhs_hint = false} : vector<256x64xf32>, vector<64x64xf32>, vector<256x64xf32> -> vector<256x64xf32>
    %get3A_87 = arith.constant 0 : index
    %get3A_88 = arith.constant 0 : index
    %get3A_89 = vector.load %arg14[%get3A_87, %get3A_88] : memref<1x64xf32, #tpu.memory_space<vmem>>, vector<1x64xf32>
    %add3A_90 = vector.broadcast %get3A_89 : vector<1x64xf32> to vector<256x64xf32>
    %add3A_91 = arith.addf %dot_general3A_86, %add3A_90 : vector<256x64xf32>
    %swap3A_92 = arith.constant 0 : index
    %swap3A_93 = arith.constant 0 : index
    %swap3A_94 = vector.load %arg17[%swap3A_92, %swap3A_93] : memref<256x64xf32, #tpu.memory_space<vmem>>, vector<256x64xf32>
    tpu.vector_store %arg17[%swap3A_92, %swap3A_93], %add3A_91 {strides = array<i32>} : memref<256x64xf32, #tpu.memory_space<vmem>>, vector<256x64xf32>,
    %get3A_95 = arith.constant 0 : index
    %get3A_96 = arith.constant 0 : index
    %get3A_97 = vector.load %arg15[%get3A_95, %get3A_96] : memref<64x64xf32, #tpu.memory_space<vmem>>, vector<64x64xf32>
    %dot_general3A_98 = arith.constant dense<0.000000e+00> : vector<256x64xf32>
    %dot_general3A_99 = tpu.matmul %add3A_79, %get3A_97, %dot_general3A_98 {dimension_numbers = #tpu.dot_dimension_numbers<[1], [0], [0], [1], [0, 0, 1, 1], [], []>, transpose_lhs_hint = false} : vector<256x64xf32>, vector<64x64xf32>, vector<256x64xf32> -> vector<256x64xf32>
    %broadcast_in_dim3A_100 = arith.constant 0.000000e+00 : f32
    %broadcast_in_dim3A_101 = vector.broadcast %broadcast_in_dim3A_100 : f32 to vector<256x64xf32>
    %concatenate3A_102 = tpu.concatenate %dot_general3A_99, %broadcast_in_dim3A_101 in 1 : vector<256x64xf32>, vector<256x64xf32> -> vector<256x128xf32>
    %swap3A_103 = arith.constant 0 : index
    %swap3A_104 = arith.constant 0 : index
    %swap3A_105 = vector.load %arg18[%swap3A_103, %swap3A_104] : memref<256x128xf32, #tpu.memory_space<vmem>>, vector<256x128xf32>
    tpu.vector_store %arg18[%swap3A_103, %swap3A_104], %concatenate3A_102 {strides = array<i32>} : memref<256x128xf32, #tpu.memory_space<vmem>>, vector<256x128xf32>,
    return
  }
  func.func @transform_0(%arg0: i32) -> (i32, i32) {
    %c0_i32 = arith.constant 0 : i32
    %c0_i32_0 = arith.constant 0 : i32
    return %arg0, %c0_i32 : i32, i32
  }
  func.func @transform_1(%arg0: i32) -> (i32, i32) {
    %c0_i32 = arith.constant 0 : i32
    %c0_i32_0 = arith.constant 0 : i32
    return %arg0, %c0_i32 : i32, i32
  }
  func.func @transform_2(%arg0: i32) -> (i32, i32) {
    %c0_i32 = arith.constant 0 : i32
    %c0_i32_0 = arith.constant 0 : i32
    return %arg0, %c0_i32 : i32, i32
  }
  func.func @transform_3(%arg0: i32) -> (i32, i32) {
    %c0_i32 = arith.constant 0 : i32
    %c0_i32_0 = arith.constant 0 : i32
    return %arg0, %c0_i32 : i32, i32
  }
  func.func @transform_4(%arg0: i32) -> (i32, i32) {
    %c0_i32 = arith.constant 0 : i32
    %c0_i32_0 = arith.constant 0 : i32
    %c0_i32_1 = arith.constant 0 : i32
    return %c0_i32, %c0_i32_0 : i32, i32
  }
  func.func @transform_5(%arg0: i32) -> (i32, i32) {
    %c0_i32 = arith.constant 0 : i32
    %c0_i32_0 = arith.constant 0 : i32
    %c0_i32_1 = arith.constant 0 : i32
    return %c0_i32, %c0_i32_0 : i32, i32
  }
  func.func @transform_6(%arg0: i32) -> (i32, i32) {
    %c0_i32 = arith.constant 0 : i32
    %c0_i32_0 = arith.constant 0 : i32
    %c0_i32_1 = arith.constant 0 : i32
    return %c0_i32, %c0_i32_0 : i32, i32
  }
  func.func @transform_7(%arg0: i32) -> (i32, i32) {
    %c0_i32 = arith.constant 0 : i32
    %c0_i32_0 = arith.constant 0 : i32
    %c0_i32_1 = arith.constant 0 : i32
    return %c0_i32, %c0_i32_0 : i32, i32
  }
  func.func @transform_8(%arg0: i32) -> (i32, i32) {
    %c0_i32 = arith.constant 0 : i32
    %c0_i32_0 = arith.constant 0 : i32
    %c0_i32_1 = arith.constant 0 : i32
    return %c0_i32, %c0_i32_0 : i32, i32
  }
  func.func @transform_9(%arg0: i32) -> (i32, i32) {
    %c0_i32 = arith.constant 0 : i32
    %c0_i32_0 = arith.constant 0 : i32
    %c0_i32_1 = arith.constant 0 : i32
    return %c0_i32, %c0_i32_0 : i32, i32
  }
  func.func @transform_10(%arg0: i32) -> (i32, i32) {
    %c0_i32 = arith.constant 0 : i32
    %c0_i32_0 = arith.constant 0 : i32
    %c0_i32_1 = arith.constant 0 : i32
    return %c0_i32, %c0_i32_0 : i32, i32
  }
  func.func @transform_11(%arg0: i32) -> (i32, i32) {
    %c0_i32 = arith.constant 0 : i32
    %c0_i32_0 = arith.constant 0 : i32
    %c0_i32_1 = arith.constant 0 : i32
    return %c0_i32, %c0_i32_0 : i32, i32
  }
  func.func @transform_12(%arg0: i32) -> (i32, i32) {
    %c0_i32 = arith.constant 0 : i32
    %c0_i32_0 = arith.constant 0 : i32
    %c0_i32_1 = arith.constant 0 : i32
    return %c0_i32, %c0_i32_0 : i32, i32
  }
  func.func @transform_13(%arg0: i32) -> (i32, i32) {
    %c0_i32 = arith.constant 0 : i32
    %c0_i32_0 = arith.constant 0 : i32
    %c0_i32_1 = arith.constant 0 : i32
    return %c0_i32, %c0_i32_0 : i32, i32
  }
  func.func @transform_14(%arg0: i32) -> (i32, i32) {
    %c0_i32 = arith.constant 0 : i32
    %c0_i32_0 = arith.constant 0 : i32
    %c0_i32_1 = arith.constant 0 : i32
    return %c0_i32, %c0_i32_0 : i32, i32
  }
  func.func @transform_15(%arg0: i32) -> (i32, i32) {
    %c0_i32 = arith.constant 0 : i32
    %c0_i32_0 = arith.constant 0 : i32
    return %arg0, %c0_i32 : i32, i32
  }
  func.func @transform_16(%arg0: i32) -> (i32, i32) {
    %c0_i32 = arith.constant 0 : i32
    %c0_i32_0 = arith.constant 0 : i32
    return %arg0, %c0_i32 : i32, i32
  }
  func.func @transform_17(%arg0: i32) -> (i32, i32) {
    %c0_i32 = arith.constant 0 : i32
    %c0_i32_0 = arith.constant 0 : i32
    return %arg0, %c0_i32 : i32, i32
  }
}

module attributes {stable_mosaic.version = 14 : i64} {
  func.func @_conv3_body(%arg0: i32, %arg1: memref<256x64xf32, #tpu.memory_space<vmem>>, %arg2: memref<256x64xf32, #tpu.memory_space<vmem>>, %arg3: memref<8192x128xf32, #tpu.memory_space<vmem>>, %arg4: memref<256x32xf32, #tpu.memory_space<vmem>>, %arg5: memref<1x128xf32, #tpu.memory_space<vmem>>, %arg6: memref<128x64xf32, #tpu.memory_space<vmem>>, %arg7: memref<1x64xf32, #tpu.memory_space<vmem>>, %arg8: memref<64x64xf32, #tpu.memory_space<vmem>>, %arg9: memref<64x64xf32, #tpu.memory_space<vmem>>, %arg10: memref<1x64xf32, #tpu.memory_space<vmem>>, %arg11: memref<64x64xf32, #tpu.memory_space<vmem>>, %arg12: memref<1x64xf32, #tpu.memory_space<vmem>>, %arg13: memref<64x64xf32, #tpu.memory_space<vmem>>, %arg14: memref<1x64xf32, #tpu.memory_space<vmem>>, %arg15: memref<64x1xf32, #tpu.memory_space<vmem>>, %arg16: memref<1x1xf32, #tpu.memory_space<vmem>>, %arg17: memref<1x1xf32, #tpu.memory_space<vmem>>, %arg18: memref<1x64xf32, #tpu.memory_space<vmem>>) attributes {dimension_semantics = [#tpu.dimension_semantics<arbitrary>], iteration_bounds = array<i64: 4>, scalar_prefetch = 0 : i64, scratch_operands = 1 : i64, tpu.core_type = #tpu.core_type<tc>, window_params = [{transform_indices = @transform_0, window_bounds = array<i64: 256, 64>}, {transform_indices = @transform_1, window_bounds = array<i64: 256, 64>}, {transform_indices = @transform_2, window_bounds = array<i64: 8192, 128>}, {transform_indices = @transform_3, window_bounds = array<i64: 256, 32>}, {pipeline_mode = #tpu.pipeline_mode<synchronous>, transform_indices = @transform_4, window_bounds = array<i64: 1, 128>}, {pipeline_mode = #tpu.pipeline_mode<synchronous>, transform_indices = @transform_5, window_bounds = array<i64: 128, 64>}, {pipeline_mode = #tpu.pipeline_mode<synchronous>, transform_indices = @transform_6, window_bounds = array<i64: 1, 64>}, {pipeline_mode = #tpu.pipeline_mode<synchronous>, transform_indices = @transform_7, window_bounds = array<i64: 64, 64>}, {pipeline_mode = #tpu.pipeline_mode<synchronous>, transform_indices = @transform_8, window_bounds = array<i64: 64, 64>}, {pipeline_mode = #tpu.pipeline_mode<synchronous>, transform_indices = @transform_9, window_bounds = array<i64: 1, 64>}, {pipeline_mode = #tpu.pipeline_mode<synchronous>, transform_indices = @transform_10, window_bounds = array<i64: 64, 64>}, {pipeline_mode = #tpu.pipeline_mode<synchronous>, transform_indices = @transform_11, window_bounds = array<i64: 1, 64>}, {pipeline_mode = #tpu.pipeline_mode<synchronous>, transform_indices = @transform_12, window_bounds = array<i64: 64, 64>}, {pipeline_mode = #tpu.pipeline_mode<synchronous>, transform_indices = @transform_13, window_bounds = array<i64: 1, 64>}, {pipeline_mode = #tpu.pipeline_mode<synchronous>, transform_indices = @transform_14, window_bounds = array<i64: 64, 1>}, {pipeline_mode = #tpu.pipeline_mode<synchronous>, transform_indices = @transform_15, window_bounds = array<i64: 1, 1>}, {pipeline_mode = #tpu.pipeline_mode<synchronous>, transform_indices = @transform_16, window_bounds = array<i64: 1, 1>}]} {
    %get3A = arith.constant 0 : index
    %get3A_0 = arith.constant 0 : index
    %get3A_1 = vector.load %arg3[%get3A, %get3A_0] : memref<8192x128xf32, #tpu.memory_space<vmem>>, vector<8192x128xf32>
    %reshape3A = vector.shape_cast %get3A_1 : vector<8192x128xf32> to vector<256x32x128xf32>
    %get3A_2 = arith.constant 0 : index
    %get3A_3 = arith.constant 0 : index
    %get3A_4 = vector.load %arg2[%get3A_2, %get3A_3] : memref<256x64xf32, #tpu.memory_space<vmem>>, vector<256x64xf32>
    %broadcast_in_dim3A = arith.constant 0.000000e+00 : f32
    %broadcast_in_dim3A_5 = vector.broadcast %broadcast_in_dim3A : f32 to vector<256x64xf32>
    %concatenate3A = tpu.concatenate %get3A_4, %broadcast_in_dim3A_5 in 1 : vector<256x64xf32>, vector<256x64xf32> -> vector<256x128xf32>
    %broadcast_in_dim3A_6 = vector.shape_cast %concatenate3A : vector<256x128xf32> to vector<256x1x128xf32>
    %add3A = vector.broadcast %broadcast_in_dim3A_6 : vector<256x1x128xf32> to vector<256x32x128xf32>
    %add3A_7 = arith.addf %reshape3A, %add3A : vector<256x32x128xf32>
    %get3A_8 = arith.constant 0 : index
    %get3A_9 = arith.constant 0 : index
    %get3A_10 = vector.load %arg4[%get3A_8, %get3A_9] : memref<256x32xf32, #tpu.memory_space<vmem>>, vector<256x32xf32>
    %broadcast_in_dim3A_11 = vector.shape_cast %get3A_10 : vector<256x32xf32> to vector<256x32x1xf32>
    %get3A_12 = arith.constant 0 : index
    %get3A_13 = arith.constant 0 : index
    %get3A_14 = vector.load %arg5[%get3A_12, %get3A_13] : memref<1x128xf32, #tpu.memory_space<vmem>>, vector<1x128xf32>
    %squeeze3A = vector.shape_cast %get3A_14 : vector<1x128xf32> to vector<128xf32>
    %broadcast_in_dim3A_15 = vector.shape_cast %squeeze3A : vector<128xf32> to vector<1x1x128xf32>
    %mul3A = vector.broadcast %broadcast_in_dim3A_11 : vector<256x32x1xf32> to vector<256x32x128xf32>
    %mul3A_16 = vector.broadcast %broadcast_in_dim3A_15 : vector<1x1x128xf32> to vector<256x32x128xf32>
    %mul3A_17 = arith.mulf %mul3A, %mul3A_16 : vector<256x32x128xf32>
    %add3A_18 = arith.addf %add3A_7, %mul3A_17 : vector<256x32x128xf32>
    %logistic3A = arith.negf %add3A_18 : vector<256x32x128xf32>
    %logistic3A_19 = math.exp %logistic3A : vector<256x32x128xf32>
    %logistic3A_20 = arith.constant 1.000000e+00 : f32
    %logistic3A_21 = vector.broadcast %logistic3A_20 : f32 to vector<256x32x128xf32>
    %logistic3A_22 = arith.addf %logistic3A_21, %logistic3A_19 : vector<256x32x128xf32>
    %logistic3A_23 = arith.divf %logistic3A_21, %logistic3A_22 : vector<256x32x128xf32>
    %mul3A_24 = arith.mulf %add3A_18, %logistic3A_23 : vector<256x32x128xf32>
    %reshape3A_25 = vector.shape_cast %mul3A_24 : vector<256x32x128xf32> to vector<8192x128xf32>
    %get3A_26 = arith.constant 0 : index
    %get3A_27 = arith.constant 0 : index
    %get3A_28 = vector.load %arg6[%get3A_26, %get3A_27] : memref<128x64xf32, #tpu.memory_space<vmem>>, vector<128x64xf32>
    %dot_general3A = arith.constant dense<0.000000e+00> : vector<8192x64xf32>
    %dot_general3A_29 = tpu.matmul %reshape3A_25, %get3A_28, %dot_general3A {dimension_numbers = #tpu.dot_dimension_numbers<[1], [0], [0], [1], [0, 0, 1, 1], [], []>, transpose_lhs_hint = false} : vector<8192x128xf32>, vector<128x64xf32>, vector<8192x64xf32> -> vector<8192x64xf32>
    %get3A_30 = arith.constant 0 : index
    %get3A_31 = arith.constant 0 : index
    %get3A_32 = vector.load %arg7[%get3A_30, %get3A_31] : memref<1x64xf32, #tpu.memory_space<vmem>>, vector<1x64xf32>
    %add3A_33 = vector.broadcast %get3A_32 : vector<1x64xf32> to vector<8192x64xf32>
    %add3A_34 = arith.addf %dot_general3A_29, %add3A_33 : vector<8192x64xf32>
    %logistic3A_35 = arith.negf %add3A_34 : vector<8192x64xf32>
    %logistic3A_36 = math.exp %logistic3A_35 : vector<8192x64xf32>
    %logistic3A_37 = arith.constant 1.000000e+00 : f32
    %logistic3A_38 = vector.broadcast %logistic3A_37 : f32 to vector<8192x64xf32>
    %logistic3A_39 = arith.addf %logistic3A_38, %logistic3A_36 : vector<8192x64xf32>
    %logistic3A_40 = arith.divf %logistic3A_38, %logistic3A_39 : vector<8192x64xf32>
    %mul3A_41 = arith.mulf %add3A_34, %logistic3A_40 : vector<8192x64xf32>
    %reshape3A_42 = vector.shape_cast %mul3A_41 : vector<8192x64xf32> to vector<256x32x64xf32>
    %reduce_sum3A = arith.constant dense<0.000000e+00> : vector<256x64xf32>
    %reduce_sum3A_43 = vector.multi_reduction <add>, %reshape3A_42, %reduce_sum3A [1] : vector<256x32x64xf32> to vector<256x64xf32>
    %get3A_44 = arith.constant 0 : index
    %get3A_45 = arith.constant 0 : index
    %get3A_46 = vector.load %arg1[%get3A_44, %get3A_45] : memref<256x64xf32, #tpu.memory_space<vmem>>, vector<256x64xf32>
    %get3A_47 = arith.constant 0 : index
    %get3A_48 = arith.constant 0 : index
    %get3A_49 = vector.load %arg8[%get3A_47, %get3A_48] : memref<64x64xf32, #tpu.memory_space<vmem>>, vector<64x64xf32>
    %dot_general3A_50 = arith.constant dense<0.000000e+00> : vector<256x64xf32>
    %dot_general3A_51 = tpu.matmul %get3A_46, %get3A_49, %dot_general3A_50 {dimension_numbers = #tpu.dot_dimension_numbers<[1], [0], [0], [1], [0, 0, 1, 1], [], []>, transpose_lhs_hint = false} : vector<256x64xf32>, vector<64x64xf32>, vector<256x64xf32> -> vector<256x64xf32>
    %get3A_52 = arith.constant 0 : index
    %get3A_53 = arith.constant 0 : index
    %get3A_54 = vector.load %arg9[%get3A_52, %get3A_53] : memref<64x64xf32, #tpu.memory_space<vmem>>, vector<64x64xf32>
    %dot_general3A_55 = arith.constant dense<0.000000e+00> : vector<256x64xf32>
    %dot_general3A_56 = tpu.matmul %reduce_sum3A_43, %get3A_54, %dot_general3A_55 {dimension_numbers = #tpu.dot_dimension_numbers<[1], [0], [0], [1], [0, 0, 1, 1], [], []>, transpose_lhs_hint = false} : vector<256x64xf32>, vector<64x64xf32>, vector<256x64xf32> -> vector<256x64xf32>
    %add3A_57 = arith.addf %dot_general3A_51, %dot_general3A_56 : vector<256x64xf32>
    %get3A_58 = arith.constant 0 : index
    %get3A_59 = arith.constant 0 : index
    %get3A_60 = vector.load %arg10[%get3A_58, %get3A_59] : memref<1x64xf32, #tpu.memory_space<vmem>>, vector<1x64xf32>
    %add3A_61 = vector.broadcast %get3A_60 : vector<1x64xf32> to vector<256x64xf32>
    %add3A_62 = arith.addf %add3A_57, %add3A_61 : vector<256x64xf32>
    %logistic3A_63 = arith.negf %add3A_62 : vector<256x64xf32>
    %logistic3A_64 = math.exp %logistic3A_63 : vector<256x64xf32>
    %logistic3A_65 = arith.constant 1.000000e+00 : f32
    %logistic3A_66 = vector.broadcast %logistic3A_65 : f32 to vector<256x64xf32>
    %logistic3A_67 = arith.addf %logistic3A_66, %logistic3A_64 : vector<256x64xf32>
    %logistic3A_68 = arith.divf %logistic3A_66, %logistic3A_67 : vector<256x64xf32>
    %mul3A_69 = arith.mulf %add3A_62, %logistic3A_68 : vector<256x64xf32>
    %get3A_70 = arith.constant 0 : index
    %get3A_71 = arith.constant 0 : index
    %get3A_72 = vector.load %arg11[%get3A_70, %get3A_71] : memref<64x64xf32, #tpu.memory_space<vmem>>, vector<64x64xf32>
    %dot_general3A_73 = arith.constant dense<0.000000e+00> : vector<256x64xf32>
    %dot_general3A_74 = tpu.matmul %mul3A_69, %get3A_72, %dot_general3A_73 {dimension_numbers = #tpu.dot_dimension_numbers<[1], [0], [0], [1], [0, 0, 1, 1], [], []>, transpose_lhs_hint = false} : vector<256x64xf32>, vector<64x64xf32>, vector<256x64xf32> -> vector<256x64xf32>
    %get3A_75 = arith.constant 0 : index
    %get3A_76 = arith.constant 0 : index
    %get3A_77 = vector.load %arg12[%get3A_75, %get3A_76] : memref<1x64xf32, #tpu.memory_space<vmem>>, vector<1x64xf32>
    %add3A_78 = vector.broadcast %get3A_77 : vector<1x64xf32> to vector<256x64xf32>
    %add3A_79 = arith.addf %dot_general3A_74, %add3A_78 : vector<256x64xf32>
    %reduce_sum3A_80 = arith.constant dense<0.000000e+00> : vector<64xf32>
    %reduce_sum3A_81 = vector.multi_reduction <add>, %add3A_79, %reduce_sum3A_80 [0] : vector<256x64xf32> to vector<64xf32>
    %broadcast_in_dim3A_82 = vector.shape_cast %reduce_sum3A_81 : vector<64xf32> to vector<1x64xf32>
    %eq3A = arith.constant 0 : i32
    %eq3A_83 = arith.cmpi eq, %arg0, %eq3A : i32
    %convert_element_type3A = arith.extui %eq3A_83 : i1 to i32
    %cond3A = arith.constant 0 : i32
    %cond3A_84 = arith.cmpi ne, %convert_element_type3A, %cond3A : i32
    scf.if %cond3A_84 {
      %broadcast_in_dim3A_96 = arith.constant 0.000000e+00 : f32
      %broadcast_in_dim3A_97 = vector.broadcast %broadcast_in_dim3A_96 : f32 to vector<1x64xf32>
      %swap3A_98 = arith.constant 0 : index
      %swap3A_99 = arith.constant 0 : index
      %swap3A_100 = vector.load %arg18[%swap3A_98, %swap3A_99] : memref<1x64xf32, #tpu.memory_space<vmem>>, vector<1x64xf32>
      tpu.vector_store %arg18[%swap3A_98, %swap3A_99], %broadcast_in_dim3A_97 {strides = array<i32>} : memref<1x64xf32, #tpu.memory_space<vmem>>, vector<1x64xf32>,
    } else {
    }
    %get3A_85 = arith.constant 0 : index
    %get3A_86 = arith.constant 0 : index
    %get3A_87 = vector.load %arg18[%get3A_85, %get3A_86] : memref<1x64xf32, #tpu.memory_space<vmem>>, vector<1x64xf32>
    %add3A_88 = arith.addf %get3A_87, %broadcast_in_dim3A_82 : vector<1x64xf32>
    %swap3A = arith.constant 0 : index
    %swap3A_89 = arith.constant 0 : index
    %swap3A_90 = vector.load %arg18[%swap3A, %swap3A_89] : memref<1x64xf32, #tpu.memory_space<vmem>>, vector<1x64xf32>
    tpu.vector_store %arg18[%swap3A, %swap3A_89], %add3A_88 {strides = array<i32>} : memref<1x64xf32, #tpu.memory_space<vmem>>, vector<1x64xf32>,
    %eq3A_91 = arith.constant 3 : i32
    %eq3A_92 = arith.cmpi eq, %arg0, %eq3A_91 : i32
    %convert_element_type3A_93 = arith.extui %eq3A_92 : i1 to i32
    %cond3A_94 = arith.constant 0 : i32
    %cond3A_95 = arith.cmpi ne, %convert_element_type3A_93, %cond3A_94 : i32
    scf.if %cond3A_95 {
      %get3A_96 = arith.constant 0 : index
      %get3A_97 = arith.constant 0 : index
      %get3A_98 = vector.load %arg18[%get3A_96, %get3A_97] : memref<1x64xf32, #tpu.memory_space<vmem>>, vector<1x64xf32>
      %mul3A_99 = arith.constant 9.765625E-4 : f32
      %mul3A_100 = vector.broadcast %mul3A_99 : f32 to vector<1x64xf32>
      %mul3A_101 = arith.mulf %get3A_98, %mul3A_100 : vector<1x64xf32>
      %get3A_102 = arith.constant 0 : index
      %get3A_103 = arith.constant 0 : index
      %get3A_104 = vector.load %arg13[%get3A_102, %get3A_103] : memref<64x64xf32, #tpu.memory_space<vmem>>, vector<64x64xf32>
      %dot_general3A_105 = arith.constant dense<0.000000e+00> : vector<1x64xf32>
      %dot_general3A_106 = tpu.matmul %mul3A_101, %get3A_104, %dot_general3A_105 {dimension_numbers = #tpu.dot_dimension_numbers<[1], [0], [0], [1], [0, 0, 1, 1], [], []>, transpose_lhs_hint = false} : vector<1x64xf32>, vector<64x64xf32>, vector<1x64xf32> -> vector<1x64xf32>
      %get3A_107 = arith.constant 0 : index
      %get3A_108 = arith.constant 0 : index
      %get3A_109 = vector.load %arg14[%get3A_107, %get3A_108] : memref<1x64xf32, #tpu.memory_space<vmem>>, vector<1x64xf32>
      %add3A_110 = arith.addf %dot_general3A_106, %get3A_109 : vector<1x64xf32>
      %logistic3A_111 = arith.negf %add3A_110 : vector<1x64xf32>
      %logistic3A_112 = math.exp %logistic3A_111 : vector<1x64xf32>
      %logistic3A_113 = arith.constant 1.000000e+00 : f32
      %logistic3A_114 = vector.broadcast %logistic3A_113 : f32 to vector<1x64xf32>
      %logistic3A_115 = arith.addf %logistic3A_114, %logistic3A_112 : vector<1x64xf32>
      %logistic3A_116 = arith.divf %logistic3A_114, %logistic3A_115 : vector<1x64xf32>
      %mul3A_117 = arith.mulf %add3A_110, %logistic3A_116 : vector<1x64xf32>
      %get3A_118 = arith.constant 0 : index
      %get3A_119 = arith.constant 0 : index
      %get3A_120 = vector.load %arg15[%get3A_118, %get3A_119] : memref<64x1xf32, #tpu.memory_space<vmem>>, vector<64x1xf32>
      %dot_general3A_121 = arith.constant dense<0.000000e+00> : vector<1x1xf32>
      %dot_general3A_122 = tpu.matmul %mul3A_117, %get3A_120, %dot_general3A_121 {dimension_numbers = #tpu.dot_dimension_numbers<[1], [0], [0], [1], [0, 0, 1, 1], [], []>, transpose_lhs_hint = false} : vector<1x64xf32>, vector<64x1xf32>, vector<1x1xf32> -> vector<1x1xf32>
      %get3A_123 = arith.constant 0 : index
      %get3A_124 = arith.constant 0 : index
      %get3A_125 = vector.load %arg16[%get3A_123, %get3A_124] : memref<1x1xf32, #tpu.memory_space<vmem>>, vector<1x1xf32>
      %add3A_126 = arith.addf %dot_general3A_122, %get3A_125 : vector<1x1xf32>
      %swap3A_127 = arith.constant 0 : index
      %swap3A_128 = arith.constant 0 : index
      %swap3A_129 = vector.load %arg17[%swap3A_127, %swap3A_128] : memref<1x1xf32, #tpu.memory_space<vmem>>, vector<1x1xf32>
      tpu.vector_store %arg17[%swap3A_127, %swap3A_128], %add3A_126 {strides = array<i32>} : memref<1x1xf32, #tpu.memory_space<vmem>>, vector<1x1xf32>,
    } else {
    }
    return
  }
  func.func @transform_0(%arg0: i32) -> (i32, i32) {
    %c0_i32 = arith.constant 0 : i32
    %c0_i32_0 = arith.constant 0 : i32
    return %arg0, %c0_i32 : i32, i32
  }
  func.func @transform_1(%arg0: i32) -> (i32, i32) {
    %c0_i32 = arith.constant 0 : i32
    %c0_i32_0 = arith.constant 0 : i32
    return %arg0, %c0_i32 : i32, i32
  }
  func.func @transform_2(%arg0: i32) -> (i32, i32) {
    %c0_i32 = arith.constant 0 : i32
    %c0_i32_0 = arith.constant 0 : i32
    return %arg0, %c0_i32 : i32, i32
  }
  func.func @transform_3(%arg0: i32) -> (i32, i32) {
    %c0_i32 = arith.constant 0 : i32
    %c0_i32_0 = arith.constant 0 : i32
    return %arg0, %c0_i32 : i32, i32
  }
  func.func @transform_4(%arg0: i32) -> (i32, i32) {
    %c0_i32 = arith.constant 0 : i32
    %c0_i32_0 = arith.constant 0 : i32
    %c0_i32_1 = arith.constant 0 : i32
    return %c0_i32, %c0_i32_0 : i32, i32
  }
  func.func @transform_5(%arg0: i32) -> (i32, i32) {
    %c0_i32 = arith.constant 0 : i32
    %c0_i32_0 = arith.constant 0 : i32
    %c0_i32_1 = arith.constant 0 : i32
    return %c0_i32, %c0_i32_0 : i32, i32
  }
  func.func @transform_6(%arg0: i32) -> (i32, i32) {
    %c0_i32 = arith.constant 0 : i32
    %c0_i32_0 = arith.constant 0 : i32
    %c0_i32_1 = arith.constant 0 : i32
    return %c0_i32, %c0_i32_0 : i32, i32
  }
  func.func @transform_7(%arg0: i32) -> (i32, i32) {
    %c0_i32 = arith.constant 0 : i32
    %c0_i32_0 = arith.constant 0 : i32
    %c0_i32_1 = arith.constant 0 : i32
    return %c0_i32, %c0_i32_0 : i32, i32
  }
  func.func @transform_8(%arg0: i32) -> (i32, i32) {
    %c0_i32 = arith.constant 0 : i32
    %c0_i32_0 = arith.constant 0 : i32
    %c0_i32_1 = arith.constant 0 : i32
    return %c0_i32, %c0_i32_0 : i32, i32
  }
  func.func @transform_9(%arg0: i32) -> (i32, i32) {
    %c0_i32 = arith.constant 0 : i32
    %c0_i32_0 = arith.constant 0 : i32
    %c0_i32_1 = arith.constant 0 : i32
    return %c0_i32, %c0_i32_0 : i32, i32
  }
  func.func @transform_10(%arg0: i32) -> (i32, i32) {
    %c0_i32 = arith.constant 0 : i32
    %c0_i32_0 = arith.constant 0 : i32
    %c0_i32_1 = arith.constant 0 : i32
    return %c0_i32, %c0_i32_0 : i32, i32
  }
  func.func @transform_11(%arg0: i32) -> (i32, i32) {
    %c0_i32 = arith.constant 0 : i32
    %c0_i32_0 = arith.constant 0 : i32
    %c0_i32_1 = arith.constant 0 : i32
    return %c0_i32, %c0_i32_0 : i32, i32
  }
  func.func @transform_12(%arg0: i32) -> (i32, i32) {
    %c0_i32 = arith.constant 0 : i32
    %c0_i32_0 = arith.constant 0 : i32
    %c0_i32_1 = arith.constant 0 : i32
    return %c0_i32, %c0_i32_0 : i32, i32
  }
  func.func @transform_13(%arg0: i32) -> (i32, i32) {
    %c0_i32 = arith.constant 0 : i32
    %c0_i32_0 = arith.constant 0 : i32
    %c0_i32_1 = arith.constant 0 : i32
    return %c0_i32, %c0_i32_0 : i32, i32
  }
  func.func @transform_14(%arg0: i32) -> (i32, i32) {
    %c0_i32 = arith.constant 0 : i32
    %c0_i32_0 = arith.constant 0 : i32
    %c0_i32_1 = arith.constant 0 : i32
    return %c0_i32, %c0_i32_0 : i32, i32
  }
  func.func @transform_15(%arg0: i32) -> (i32, i32) {
    %c0_i32 = arith.constant 0 : i32
    %c0_i32_0 = arith.constant 0 : i32
    %c0_i32_1 = arith.constant 0 : i32
    return %c0_i32, %c0_i32_0 : i32, i32
  }
  func.func @transform_16(%arg0: i32) -> (i32, i32) {
    %c0_i32 = arith.constant 0 : i32
    %c0_i32_0 = arith.constant 0 : i32
    %c0_i32_1 = arith.constant 0 : i32
    return %c0_i32, %c0_i32_0 : i32, i32
  }
}

</mosaic_0001>

<sc_bundles>
// kernel: kernel.10.cloned.1.call-start
scs
__scs_entry_jumppad:
0x0: {  	(pc) =	sbr.rel $0x88, $3  }
0x1: {  	(tag) =	ssettag $0x0;
	lr =	simm.s32 $0x1  }
0x2: {  	[smem:$0x3F78] =	sst lr;
	_ =	strace $0xD0000000  }
0x3: {  	_ = 	snop  }
0x4: {  	_ = 	snop  }
0x5: {  	_ = 	snop  }
0x6: {  	_ = 	snop  }
0x7: {  	_ = 	snop  }
__scs_overlays_trampoline_lowered:
0x8: {  	[smem:$0x3F87] =	sst s0  }
0x9: {  	[smem:$0x3F88] =	sst s1  }
0xa: {  	[smem:$0x3F89] =	sst s2  }
0xb: {  	[smem:$0x3F8A] =	sst s3  }
0xc: {  	[smem:$0x3F8B] =	sst s4  }
0xd: {  	[smem:$0x3F8C] =	sst s5  }
0xe: {  	[smem:$0x3F8D] =	sst s6  }
0xf: {  	[smem:$0x3F8E] =	sst s7  }
0x10: {  	[smem:$0x3F8F] =	sst s8  }
0x11: {  	[smem:$0x3F90] =	sst s9;
	s0 =	simm.s32 @!p0 $0x0  }
0x12: {  	s1 =	sld [smem:$0x3F76];
	s0 =	simm.s32 @p0 $0x1  }
0x13: {  	[smem:$0x3F91] =	sst s0;
	s0 =	simm.s32 @!p1 $0x0  }
0x14: {  	s2 =	sld [smem:$0x3F75];
	s0 =	simm.s32 @p1 $0x1  }
0x15: {  	[smem:$0x3F92] =	sst s0;
	s0 =	simm.s32 @!p2 $0x0  }
0x16: {  	s3 =	sld [smem:$0x3FDB];
	s0 =	simm.s32 @p2 $0x1  }
0x17: {  	s4 =	simm.s32 $0x1BF5;
	[smem:$0x3F94] =	sst s0  }
0x18: {  	s0 =	sld [smem:$0x3F77];
	_ =	swait.ge [sflag:s4], $0x0  }
0x19: {  	s7 =	sld [smem:$0x3F78]  }
0x1a: {  	s8 =	sadd.s32 $0xFFFFE003, lr  }
0x1b: {  	s9 =	sadd.s32 $0xFFFFFEF7, lr;
	s5 =	simm.s32 $0xFFFFFFFF;
	p2 =	slt.u32 s8, $0xFFFFF086  }
0x1c: {  	p1 =	slt.u32 s9, $0xF7A;
	s5 =	simm.s32 @!p2 $0x0  }
0x1d: {  	s5 =	simm.s32 @p1 $0x1;
	p0 =	seq.s32 s7, s2  }
0x1e: {  	s7 =	smul.u32 @!p0 $0xF7A, s2;
	p2 =	seq.s32 @!p0 s5, $0x0  }
0x1f: {  	s9 =	smul.u32 $0xF7A, s1;
	s8 =	simm.s32 @!p0 $0x1BF5;
	p2 =	por !p2, p0  }
0x20: {  	[sflag:s8] =	ssyncset.s32 @!p0 $0xFFFFF086;
	s6 =	sadd.s32 @!p0 s3, s7;
	s7 =	simm.s32 @!p0 $0x108  }
0x21: {  	s3 =	sadd.s32 s3, s9;
	s6 =	sadd.s32 @!p0 $0x88, s6;
	s7 =	simm.s32 @p2 $0x1082  }
0x22: {  	[simem:s7], [sflag:s8] =	dma.local @!p0 [hbm:s6], $0xF7A  }
0x23: {  	s9 =	sor.u32 $0xD0000000, s2;
	s6 =	simm.s32 $0x108;
	_ =	swait.ge @!p0 [sflag:s8], $0x0  }
0x24: {  	s3 =	sadd.s32 $0x88, s3;
	s6 =	simm.s32 @!p1 $0x1082;
	[sflag:s4] =	ssyncset.s32 $0xFFFFF086  }
0x25: {  	[simem:s6], [sflag:s4] =	dma.local [hbm:s3], $0xF7A  }
0x26: {  	[smem:$0x3F78] =	sst s1;
	(tag) =	ssettag s2;
	_ =	strace s9  }
0x27: {  	s1 =	sld [smem:$0x3F88]  }
0x28: {  	s2 =	sld [smem:$0x3F89]  }
0x29: {  	s4 =	sld [smem:$0x3F8B]  }
0x2a: {  	p0 =	seq.s32 s5, $0x0;
	s5 =	sld [smem:$0x3F8C]  }
0x2b: {  	s6 =	sld [smem:$0x3F8D]  }
0x2c: {  	s7 =	sld [smem:$0x3F8E]  }
0x2d: {  	s3 =	simm.s32 $0x108;
	s8 =	sld [smem:$0x3F8F]  }
0x2e: {  	s3 =	simm.s32 @!p0 $0x1082;
	s9 =	sld [smem:$0x3F90]  }
0x2f: {  	lr =	sadd.s32 s0, s3;
	s0 =	sld [smem:$0x3F87]  }
0x30: {  	s3 =	sld [smem:$0x3F8A]  }
0x31: {  	[smem:$0x3F93] =	sst s10  }
0x32: {  	s10 =	sld [smem:$0x3F91];
	_ =	sdelay $0x3  }
0x33: {  	p0 =	seq.s32 s10, $0x1;
	s10 =	sld [smem:$0x3F93];
	_ =	sdelay $0x3  }
0x34: {  	[smem:$0x3F93] =	sst s10  }
0x35: {  	s10 =	sld [smem:$0x3F92];
	_ =	sdelay $0x3  }
0x36: {  	p1 =	seq.s32 s10, $0x1;
	s10 =	sld [smem:$0x3F93];
	_ =	sdelay $0x3  }
0x37: {  	[smem:$0x3F93] =	sst s10  }
0x38: {  	s10 =	sld [smem:$0x3F94]  }
0x39: {  	_ = 	snop;
	(pc) =	sbr.ind lr, $3  }
0x3a: {  	_ = 	snop  }
0x3b: {  	_ = 	snop  }
0x3c: {  	p2 =	seq.s32 s10, $0x1;
	s10 =	sld [smem:$0x3F93]  }
0x3d: {  	_ =	shalt  }
0x3e: {  	_ =	shalt  }
0x3f: {  	_ =	shalt  }
0x40: {  	_ =	shalt  }
0x41: {  	_ =	shalt  }
0x42: {  	_ =	shalt  }
0x43: {  	_ =	shalt  }
0x44: {  	_ =	shalt  }
0x45: {  	_ =	shalt  }
0x46: {  	_ =	shalt  }
0x47: {  	_ =	shalt  }
0x48: {  	_ =	shalt  }
0x49: {  	_ =	shalt  }
0x4a: {  	_ =	shalt  }
0x4b: {  	_ =	shalt  }
0x4c: {  	_ =	shalt  }
0x4d: {  	_ =	shalt  }
0x4e: {  	_ =	shalt  }
0x4f: {  	_ =	shalt  }
0x50: {  	_ =	shalt  }
0x51: {  	_ =	shalt  }
0x52: {  	_ =	shalt  }
0x53: {  	_ =	shalt  }
0x54: {  	_ =	shalt  }
0x55: {  	_ =	shalt  }
0x56: {  	_ =	shalt  }
0x57: {  	_ =	shalt  }
0x58: {  	_ =	shalt  }
0x59: {  	_ =	shalt  }
0x5a: {  	_ =	shalt  }
0x5b: {  	_ =	shalt  }
0x5c: {  	_ =	shalt  }
0x5d: {  	_ =	shalt  }
0x5e: {  	_ =	shalt  }
0x5f: {  	_ =	shalt  }
0x60: {  	_ =	shalt  }
0x61: {  	_ =	shalt  }
0x62: {  	_ =	shalt  }
0x63: {  	_ =	shalt  }
0x64: {  	_ =	shalt  }
0x65: {  	_ =	shalt  }
0x66: {  	_ =	shalt  }
0x67: {  	_ =	shalt  }
0x68: {  	_ =	shalt  }
0x69: {  	_ =	shalt  }
0x6a: {  	_ =	shalt  }
0x6b: {  	_ =	shalt  }
0x6c: {  	_ =	shalt  }
0x6d: {  	_ =	shalt  }
0x6e: {  	_ =	shalt  }
0x6f: {  	_ =	shalt  }
0x70: {  	_ =	shalt  }
0x71: {  	_ =	shalt  }
0x72: {  	_ =	shalt  }
0x73: {  	_ =	shalt  }
0x74: {  	_ =	shalt  }
0x75: {  	_ =	shalt  }
0x76: {  	_ =	shalt  }
0x77: {  	_ =	shalt  }
0x78: {  	_ =	shalt  }
0x79: {  	_ =	shalt  }
0x7a: {  	_ =	shalt  }
0x7b: {  	_ =	shalt  }
0x7c: {  	_ =	shalt  }
0x7d: {  	_ =	shalt  }
0x7e: {  	_ =	shalt  }
0x7f: {  	_ =	shalt  }
0x80: {  	_ =	shalt  }
0x81: {  	_ =	shalt  }
0x82: {  	_ =	shalt  }
0x83: {  	_ =	shalt  }
0x84: {  	_ =	shalt  }
0x85: {  	_ =	shalt  }
0x86: {  	_ =	shalt  }
0x87: {  	_ =	shalt  }
.Lfunc_end0:
.L_simem_size_0:
called_computation_lowered:
.L_overlay_start_0:
0x88: {  	s2 =	sld [smem:$0x3FD9]  }
0x89: {  	s3 =	sld [smem:$0x3FFE];
	_ =	sdelay $0x1  }
0x8a: {  	s1 =	srdreg.scid  }
0x8b: {  	s0 =	sand.u32 $0x1, s1  }
0x8c: {  	s16 =	sshll.u32 s0, $0xA;
	s2 =	sadd.s32 s3, s2  }
0x8d: {  	s2 =	sadd.s32 s2, s16  }
0x8e: {  	[smem:$0x3F9F] =	sst s2  }
0x8f: {  	_ = 	snop  }
0x90: {  	(tm) =	ssettm $0x1  }
0x91: {  	s17 =	sld [smem:$0x3FFB];
	_ =	sdelay $0x3  }
0x92: {  	_ =	strace s17  }
0x93: {  	s2 =	sld [smem:$0x3FFC];
	_ =	sdelay $0x3  }
0x94: {  	_ =	strace s2  }
0x95: {  	s2 =	sld [smem:$0x3FFD];
	_ =	sdelay $0x3  }
0x96: {  	_ =	strace s2  }
0x97: {  	_ =	strace $0x8FFFFFFF  }
0x98: {  	s18 =	sld [smem:$0x3FDB];
	_ =	sdelay $0x1  }
0x99: {  	s19 =	simm.s32 $_scs_section_size  }
0x9a: {  	s4 =	simm.s32 $_size__tile_overlayer_lowered;
	s5 =	simm.s32 $_tile_overlayer_lowered  }
0x9b: {  	s22 =	simm.s32 $0x1BFF;
	s21 =	sshll.u32 s5, $0x1;
	s2 =	sadd.s32 s19, s18  }
0x9c: {  	s6 =	simm.s32 $0x0;
	s20 =	sshll.u32 s4, $0x1;
	s4 =	sadd.s32 s21, s2  }
0x9d: {  	[timem:s6], [sflag:s22] =	dma.local [hbm:s4], s20  }
0x9e: {  	_ =	swait.ge [sflag:s22], s20  }
0x9f: {  	s3 =	ssub.s32 $0x0, s20;
	[sflag:s22] =	ssyncset.done $0x0  }
0xa0: {  	[sflag:s22] =	ssyncadd.s32 s3;
	_ =	sdelay $0x1  }
0xa1: {  	s23 =	simm.s32 $0x1B8B  }
0xa2: {  	_ =	swait.ge [sflag:s23], $0x1  }
0xa3: {  	[sflag:s23] =	ssyncset.done $0x0  }
0xa4: {  	s25 =	simm.s32 $0x1B8E;
	s24 =	sld [smem:$0x3FFE];
	[sflag:s23] =	ssyncadd.s32 $0xFFFFFFFF  }
0xa5: {  	s26 =	simm.s32 $execute0_lowered;
	[smem:$0x3FD2] =	sst s25  }
0xa6: {  	s4 =	sshll.u32 s26, $0x1;
	_ =	strace $0x80000046;
	[dreg:$0x1] =	wrdreg $0xFFFFFFFF  }
0xa7: {  	s28 =	simm.s32 $_size_execute0_lowered;
	s2 =	sadd.s32 s2, s4;
	[dreg:$0x0] =	wrdreg $0x0  }
0xa8: {  	s4 =	sshll.u32 s28, $0x1;
	[dreg:$0x2] =	wrdreg s2  }
0xa9: {  	[dreg:$0x3] =	wrdreg s4  }
0xaa: {  	[dreg:$0x4] =	wrdreg $0xC0  }
0xab: {  	_ =	task [dreg:s6], $0x5FFFF  }
0xac: {  	[dreg:$0x1] =	wrdreg $0xFFFFFFFF  }
0xad: {  	[dreg:$0x0] =	wrdreg $0x60  }
0xae: {  	[dreg:$0x2] =	wrdreg s24  }
0xaf: {  	[dreg:$0x3] =	wrdreg $0x9  }
0xb0: {  	_ =	task.clear_ibuf [dreg:s6], $0x4FFFF;
	_ =	strace $0x90000046  }
0xb1: {  	s29 =	simm.s32 $0x9;
	_ =	strace $0x80000048  }
0xb2: {  	_ =	swait.ge [sflag:s29], $0x1  }
0xb3: {  	[sflag:s29] =	ssyncadd.s32 $0xFFFFFFFF  }
0xb4: {  	_ =	strace $0x90000048  }
0xb5: {  	_ =	sfence  }
0xb6: {  	s30 =	sld [smem:$0x0];
	_ =	sdelay $0x2  }
0xb7: {  	s31 =	sshll.u32 s1, $0xD;
	s1 =	sshrl.u32 s1, $0x2  }
0xb8: {  	s3 =	sand.u32 $0x4000, s31;
	s1 =	sadd.s32 s1, s30  }
0xb9: {  	s0 =	sor.u32 s3, s0;
	s1 =	sshll.u32 s1, $0x11  }
0xba: {  	s0 =	sor.u32 s1, s0  }
0xbb: {  	s0 =	sadd.s32 $0x8F2B, s0  }
0xbc: {  	[sflag:s0] =	ssyncadd.remote.s32 $0x1  }
0xbd: {  	_ =	sfence.sel $0xFFFF  }
0xbe: {  	[dreg:$0x0] =	wrdreg $0xFFFFFFFF;
	(pc) =	sbr.abs _section_cstart, $3  }
0xbf: {  	[dreg:$0x1] =	wrdreg $0xFFFFFFFF  }
0xc0: {  	_ =	task.clear_ibuf [dreg:s6], $0x2FFFF;
	_ =	strace $0x9FFFFFFF  }
0xc1: {  	(tm) =	ssettm $0x7FFFFFFF  }
tec
execute0_lowered:
.L_overlay_start_1:
0x0: {  	(tag) =	ssettag $0x1  }
0x1: {  	s4 =	rddreg [dreg:$0x0]  }
0x2: {  	s0 =	rddreg [dreg:$0x1]  }
0x3: {  	s3 =	srdreg.scid;
	s1 =	stileid.u32;
	s2 =	simm.s32 $0x0  }
0x4: {  	s12 =	simm.s32 $0x80;
	s13 =	simm.s32 $0x4000;
	s14 =	simm.s32 $0x5000  }
0x5: {  	s15 =	simm.s32 $0x4080;
	s16 =	simm.s32 $0x9000;
	s17 =	simm.s32 $0x4100  }
0x6: {  	s18 =	simm.s32 $0xD000;
	s19 =	simm.s32 $0x4180;
	s20 =	simm.s32 $0x11000  }
0x7: {  	s21 =	simm.s32 $0x1;
	s22 =	simm.s32 $0x2;
	s23 =	simm.s32 $0x0  }
0x8: {  	s9 =	sand.u32 $0x1, s3;
	s29 =	sshll.u32 s1, $0x1;
	[smem:$0x7FF] =	sst s2  }
0x9: {  	s3 =	sadd.s32 $0x18000, s4;
	s10 =	sadd.s32 $0x28000, s4;
	s11 =	sshll.u32 s1, $0x11  }
0xa: {  	s5 =	sor.u32 s9, s29;
	_ =	strace $0x80000047;
	s7 =	ssub.s32 $0x2, s9  }
0xb: {  	s31 =	sshll.u32 s9, $0x10;
	s6 =	sshll.u32 s5, $0xB;
	s30 =	sshrl.u32 s7, $0x1  }
0xc: {  	s5 =	sshll.u32 s5, $0x10;
	s6 =	sadd.s32 s6, s4;
	s7 =	ssub.s32 s7, s30  }
0xd: {  	s5 =	sadd.s32 s10, s5;
	s10 =	sadd.s32 s11, s10;
	s11 =	simm.s32 $0x3  }
0xe: {  	s4 =	sadd.s32 $0x8000, s6;
	s6 =	smax.u32 s7, $0x1;
	s7 =	sadd.s32 $0x800, s5  }
0xf: {  	s8 =	sadd.s32 $0x1000, s5;
	s9 =	sadd.s32 $0x1800, s5;
	s10 =	sadd.s32 s31, s10  }
.LBB2_1:
0x10: {  	[tilespmem:s2], [sflag:$0x3] =	stream.linear.gather [hbm4b:s4+s2], $0x4000, $0x38;
	[tilespmem:$0x15000] =	vst v63  }
0x11: {  	_ =	swait.ge [sflag:s11], $0x4000  }
0x12: {  	[sflag:s11] =	ssyncset.done $0x0  }
0x13: {  	s24 =	simm.s32 $0x10;
	[sflag:s11] =	ssyncadd.s32 $0xFFFFC000  }
0x14: {  	s25 =	simm.s32 $0x80;
	s26 =	simm.s32 $0x0;
	v0 =	vld [tilespmem:s24+$0xFFFFFFF0]  }
.LBB2_2:
0x15: {  	p0 =	sne.s32 s25, $0x3F80;
	_ =	sdelay $0x2  }
0x16: {  	s28 =	sshra.s32 s26, $0x2;
	s26 =	smov.u32 s25  }
0x17: {  	[tilespmem:s28+$0x4000] =	vst v0  }
0x18: {  	v0 =	vld [tilespmem:s24+$0x0];
	_ =	sdelay $0x1  }
.Ltmp0:
0x19: {  	(pc) =	sbr.rel @p0 .LBB2_2-.Ltmp0, $3  }
0x1a: {  	_ =	sdelay $0x1  }
0x1b: {  	s24 =	sadd.s32 $0x80, s24;
	[tilespmem:s28+$0x4010] =	vst v0  }
0x1c: {  	s25 =	sadd.s32 $0x80, s25;
	v0 =	vld [tilespmem:s24+$0xFFFFFFF0]  }
0x1d: {  	_ =	sdelay $0x2  }
0x1e: {  	s25 =	sshra.s32 s26, $0x2  }
0x1f: {  	[tilespmem:s25+$0x4000] =	vst v0  }
0x20: {  	v0 =	vld [tilespmem:s24+$0x0];
	_ =	sdelay $0x4  }
0x21: {  	[tilespmem:s25+$0x4010] =	vst v0  }
0x22: {  	[tilespmem:s14], [sflag:$0x1] =	stream.indirect.gather [hbm4b:s3+s12], $0x80, s13, s12, $0xb8;
	[tilespmem:$0x15000] =	vst v63  }
0x23: {  	_ = 	snop  }
0x24: {  	[tilespmem:s16], [sflag:$0x1] =	stream.indirect.gather [hbm4b:s3+s12], $0x80, s15, s12, $0xb8;
	[tilespmem:$0x15000] =	vst v63  }
0x25: {  	_ = 	snop  }
0x26: {  	[tilespmem:s18], [sflag:$0x1] =	stream.indirect.gather [hbm4b:s3+s12], $0x80, s17, s12, $0xb8;
	[tilespmem:$0x15000] =	vst v63  }
0x27: {  	_ = 	snop  }
0x28: {  	[tilespmem:s20], [sflag:$0x1] =	stream.indirect.gather [hbm4b:s3+s12], $0x80, s19, s12, $0xb8;
	[tilespmem:$0x15000] =	vst v63  }
0x29: {  	_ =	swait.ge [sflag:s21], $0x4000  }
0x2a: {  	[sflag:s21] =	ssyncset.done $0x0  }
0x2b: {  	[sflag:s21] =	ssyncadd.s32 $0xFFFFC000  }
0x2c: {  	_ =	swait.ge [sflag:s21], $0x4000  }
0x2d: {  	[sflag:s21] =	ssyncset.done $0x0  }
0x2e: {  	[sflag:s21] =	ssyncadd.s32 $0xFFFFC000  }
0x2f: {  	_ =	swait.ge [sflag:s21], $0x4000  }
0x30: {  	[sflag:s21] =	ssyncset.done $0x0  }
0x31: {  	[sflag:s21] =	ssyncadd.s32 $0xFFFFC000  }
0x32: {  	_ =	swait.ge [sflag:s21], $0x4000  }
0x33: {  	[sflag:s21] =	ssyncset.done $0x0  }
0x34: {  	s29 =	simm.s32 $0x0;
	[sflag:s21] =	ssyncadd.s32 $0xFFFFC000  }
0x35: {  	[hbm4b:s5+s29] =	stream.linear.scatter [tilespmem:s14], [sflag:$0x2], $0x4000, $0x38;
	[tilespmem:$0x15000] =	vst v63  }
0x36: {  	_ = 	snop  }
0x37: {  	[hbm4b:s7+s29] =	stream.linear.scatter [tilespmem:s16], [sflag:$0x2], $0x4000, $0x38;
	[tilespmem:$0x15000] =	vst v63  }
0x38: {  	_ = 	snop  }
0x39: {  	[hbm4b:s8+s29] =	stream.linear.scatter [tilespmem:s18], [sflag:$0x2], $0x4000, $0x38;
	[tilespmem:$0x15000] =	vst v63  }
0x3a: {  	_ = 	snop  }
0x3b: {  	[hbm4b:s9+s29] =	stream.linear.scatter [tilespmem:s20], [sflag:$0x2], $0x4000, $0x38;
	[tilespmem:$0x15000] =	vst v63  }
0x3c: {  	_ =	swait.ge [sflag:s22], $0x4000  }
0x3d: {  	[sflag:s22] =	ssyncset.done $0x0  }
0x3e: {  	[sflag:s22] =	ssyncadd.s32 $0xFFFFC000  }
0x3f: {  	_ =	swait.ge [sflag:s22], $0x4000  }
0x40: {  	[sflag:s22] =	ssyncset.done $0x0  }
0x41: {  	[sflag:s22] =	ssyncadd.s32 $0xFFFFC000  }
0x42: {  	_ =	swait.ge [sflag:s22], $0x4000  }
0x43: {  	[sflag:s22] =	ssyncset.done $0x0  }
0x44: {  	[sflag:s22] =	ssyncadd.s32 $0xFFFFC000  }
0x45: {  	_ =	swait.ge [sflag:s22], $0x4000  }
0x46: {  	[sflag:s22] =	ssyncset.done $0x0  }
0x47: {  	s30 =	simm.s32 $0x4200;
	[sflag:s22] =	ssyncadd.s32 $0xFFFFC000  }
0x48: {  	[tilespmem:s14], [sflag:$0x1] =	stream.indirect.gather [hbm4b:s3+s12], $0x80, s30, s12, $0xb8;
	[tilespmem:$0x15000] =	vst v63  }
0x49: {  	s31 =	simm.s32 $0x4280  }
0x4a: {  	[tilespmem:s16], [sflag:$0x1] =	stream.indirect.gather [hbm4b:s3+s12], $0x80, s31, s12, $0xb8;
	[tilespmem:$0x15000] =	vst v63  }
0x4b: {  	s25 =	simm.s32 $0x4300  }
0x4c: {  	[tilespmem:s18], [sflag:$0x1] =	stream.indirect.gather [hbm4b:s3+s12], $0x80, s25, s12, $0xb8;
	[tilespmem:$0x15000] =	vst v63  }
0x4d: {  	s26 =	simm.s32 $0x4380  }
0x4e: {  	[tilespmem:s20], [sflag:$0x1] =	stream.indirect.gather [hbm4b:s3+s12], $0x80, s26, s12, $0xb8;
	[tilespmem:$0x15000] =	vst v63  }
0x4f: {  	_ =	swait.ge [sflag:s21], $0x4000  }
0x50: {  	[sflag:s21] =	ssyncset.done $0x0  }
0x51: {  	[sflag:s21] =	ssyncadd.s32 $0xFFFFC000  }
0x52: {  	_ =	swait.ge [sflag:s21], $0x4000  }
0x53: {  	[sflag:s21] =	ssyncset.done $0x0  }
0x54: {  	[sflag:s21] =	ssyncadd.s32 $0xFFFFC000  }
0x55: {  	_ =	swait.ge [sflag:s21], $0x4000  }
0x56: {  	[sflag:s21] =	ssyncset.done $0x0  }
0x57: {  	[sflag:s21] =	ssyncadd.s32 $0xFFFFC000  }
0x58: {  	_ =	swait.ge [sflag:s21], $0x4000  }
0x59: {  	s28 =	sadd.s32 $0x0, s10;
	[sflag:s21] =	ssyncset.done $0x0  }
0x5a: {  	s29 =	sadd.s32 $0x2000, s28;
	[sflag:s21] =	ssyncadd.s32 $0xFFFFC000  }
0x5b: {  	[hbm4b:s29+s2] =	stream.linear.scatter [tilespmem:s14], [sflag:$0x2], $0x4000, $0x38;
	[tilespmem:$0x15000] =	vst v63  }
0x5c: {  	s24 =	simm.s32 $0x2000;
	s30 =	sadd.s32 $0x2800, s28  }
0x5d: {  	[hbm4b:s30+s2] =	stream.linear.scatter [tilespmem:s16], [sflag:$0x2], $0x4000, $0x38;
	[tilespmem:$0x15000] =	vst v63  }
0x5e: {  	s31 =	sadd.s32 $0x3000, s28;
	s25 =	simm.s32 $0x4580;
	s26 =	sadd.s32 $0x3800, s28  }
0x5f: {  	[hbm4b:s31+s2] =	stream.linear.scatter [tilespmem:s18], [sflag:$0x2], $0x4000, $0x38;
	[tilespmem:$0x15000] =	vst v63  }
.LBB2_4:
0x60: {  	[hbm4b:s26+s2] =	stream.linear.scatter [tilespmem:s20], [sflag:$0x2], $0x4000, $0x38;
	[tilespmem:$0x15000] =	vst v63  }
0x61: {  	s26 =	smov.u32 s24  }
0x62: {  	p0 =	sne.s32 s24, $0xC000;
	s24 =	sadd.s32 $0x2000, s24;
	_ =	swait.ge [sflag:s22], $0x4000  }
0x63: {  	[sflag:s22] =	ssyncset.done $0x0  }
0x64: {  	[sflag:s22] =	ssyncadd.s32 $0xFFFFC000  }
0x65: {  	_ =	swait.ge [sflag:s22], $0x4000  }
0x66: {  	[sflag:s22] =	ssyncset.done $0x0  }
0x67: {  	[sflag:s22] =	ssyncadd.s32 $0xFFFFC000  }
0x68: {  	_ =	swait.ge [sflag:s22], $0x4000  }
0x69: {  	[sflag:s22] =	ssyncset.done $0x0  }
0x6a: {  	[sflag:s22] =	ssyncadd.s32 $0xFFFFC000  }
0x6b: {  	_ =	swait.ge [sflag:s22], $0x4000  }
0x6c: {  	[sflag:s22] =	ssyncset.done $0x0  }
0x6d: {  	s28 =	sadd.s32 $0xFFFFFE80, s25;
	[sflag:s22] =	ssyncadd.s32 $0xFFFFC000  }
0x6e: {  	[tilespmem:s14], [sflag:$0x1] =	stream.indirect.gather [hbm4b:s3+s12], $0x80, s28, s12, $0xb8;
	[tilespmem:$0x15000] =	vst v63  }
0x6f: {  	s28 =	sadd.s32 $0xFFFFFF00, s25  }
0x70: {  	[tilespmem:s16], [sflag:$0x1] =	stream.indirect.gather [hbm4b:s3+s12], $0x80, s28, s12, $0xb8;
	[tilespmem:$0x15000] =	vst v63  }
0x71: {  	s28 =	sadd.s32 $0xFFFFFF80, s25  }
0x72: {  	[tilespmem:s18], [sflag:$0x1] =	stream.indirect.gather [hbm4b:s3+s12], $0x80, s28, s12, $0xb8;
	[tilespmem:$0x15000] =	vst v63  }
0x73: {  	_ = 	snop  }
0x74: {  	[tilespmem:s20], [sflag:$0x1] =	stream.indirect.gather [hbm4b:s3+s12], $0x80, s25, s12, $0xb8;
	[tilespmem:$0x15000] =	vst v63  }
0x75: {  	_ =	swait.ge [sflag:s21], $0x4000  }
0x76: {  	[sflag:s21] =	ssyncset.done $0x0  }
0x77: {  	[sflag:s21] =	ssyncadd.s32 $0xFFFFC000  }
0x78: {  	_ =	swait.ge [sflag:s21], $0x4000  }
0x79: {  	[sflag:s21] =	ssyncset.done $0x0  }
0x7a: {  	[sflag:s21] =	ssyncadd.s32 $0xFFFFC000  }
0x7b: {  	_ =	swait.ge [sflag:s21], $0x4000  }
0x7c: {  	[sflag:s21] =	ssyncset.done $0x0  }
0x7d: {  	[sflag:s21] =	ssyncadd.s32 $0xFFFFC000  }
0x7e: {  	_ =	swait.ge [sflag:s21], $0x4000  }
0x7f: {  	s26 =	sadd.s32 s26, s10;
	[sflag:s21] =	ssyncset.done $0x0  }
0x80: {  	s28 =	sadd.s32 $0x2000, s26;
	[sflag:s21] =	ssyncadd.s32 $0xFFFFC000  }
0x81: {  	[hbm4b:s28+s2] =	stream.linear.scatter [tilespmem:s14], [sflag:$0x2], $0x4000, $0x38;
	[tilespmem:$0x15000] =	vst v63  }
.Ltmp1:
0x82: {  	s28 =	sadd.s32 $0x2800, s26;
	(pc) =	sbr.rel @p0 .LBB2_4-.Ltmp1, $4  }
0x83: {  	[hbm4b:s28+s2] =	stream.linear.scatter [tilespmem:s16], [sflag:$0x2], $0x4000, $0x38;
	[tilespmem:$0x15000] =	vst v63  }
0x84: {  	s28 =	sadd.s32 $0x3000, s26  }
0x85: {  	[hbm4b:s28+s2] =	stream.linear.scatter [tilespmem:s18], [sflag:$0x2], $0x4000, $0x38;
	[tilespmem:$0x15000] =	vst v63  }
0x86: {  	s25 =	sadd.s32 $0x200, s25;
	s26 =	sadd.s32 $0x3800, s26  }
0x87: {  	[hbm4b:s26+s2] =	stream.linear.scatter [tilespmem:s20], [sflag:$0x2], $0x4000, $0x38;
	[tilespmem:$0x15000] =	vst v63  }
0x88: {  	_ =	swait.ge [sflag:s22], $0x4000  }
0x89: {  	[sflag:s22] =	ssyncset.done $0x0  }
0x8a: {  	[sflag:s22] =	ssyncadd.s32 $0xFFFFC000  }
0x8b: {  	_ =	swait.ge [sflag:s22], $0x4000  }
0x8c: {  	[sflag:s22] =	ssyncset.done $0x0  }
0x8d: {  	s23 =	sadd.s32 $0x1, s23;
	[sflag:s22] =	ssyncadd.s32 $0xFFFFC000  }
0x8e: {  	p0 =	sne.s32 s23, s6;
	_ =	swait.ge [sflag:s22], $0x4000  }
.Ltmp2:
0x8f: {  	[sflag:s22] =	ssyncset.done $0x0;
	(pc) =	sbr.rel @p0 .LBB2_1-.Ltmp2, $4  }
0x90: {  	[sflag:s22] =	ssyncadd.s32 $0xFFFFC000  }
0x91: {  	_ =	swait.ge [sflag:s22], $0x4000  }
0x92: {  	[sflag:s22] =	ssyncset.done $0x0  }
0x93: {  	[sflag:s22] =	ssyncadd.s32 $0xFFFFC000  }
0x94: {  	_ =	sfence.sel $0x180000  }
0x95: {  	[bflag:$0x0] =	sbarrier.arrive $0xFFFF  }
0x96: {  	p0 =	sne.s32 s1, $0x0;
	_ =	strace $0x90000047  }
0x97: {  	s0 =	sadd.s32 @!p0 $0x100000, s0;
	[bflag:$0x2] =	sbarrier.arrive $0xFFFF  }
0x98: {  	[sflag:s0] =	ssyncadd.tile.s32 @!p0 $0x1;
	_ =	shalt  }
.Lfunc_end2:
_tile_overlayer_lowered:
.L_overlay_start_2:
0x99: {  	(tag) =	ssettag $0x2  }
0x9a: {  	s0 =	rddreg [dreg:$0x0];
	s2 =	stileid.u32  }
0x9b: {  	s1 =	rddreg [dreg:$0x1];
	p0 =	sne.s32 s2, $0x0  }
0x9c: {  	s3 =	rddreg [dreg:$0x2];
	[bflag:$0x3] =	sbarrier.arrive $0xFFFF;
	s2 =	simm.s32 @!p0 $0x1C03  }
0x9d: {  	[timem:s3], [sflag:s2] =	dma.local @!p0 [hbm:s0], s1  }
0x9e: {  	s0 =	simm.s32 @!p0 $0x3  }
0x9f: {  	_ =	swait.ge @!p0 [sflag:s0], s1  }
0xa0: {  	s1 =	ssub.s32 @!p0 $0x0, s1;
	[sflag:s0] =	ssyncset.done @!p0 $0x0  }
0xa1: {  	[sflag:s0] =	ssyncadd.s32 @!p0 s1  }
0xa2: {  	[bflag:$0x3] =	sbarrier.arrive $0xFFFF  }
0xa3: {  	_ =	shalt  }

// kernel: kernel.13.cloned.1.call-start
scs
__scs_entry_jumppad:
0x0: {  	(pc) =	sbr.rel $0x88, $3  }
0x1: {  	(tag) =	ssettag $0x0;
	lr =	simm.s32 $0x1  }
0x2: {  	[smem:$0x3F78] =	sst lr;
	_ =	strace $0xD0000000  }
0x3: {  	_ = 	snop  }
0x4: {  	_ = 	snop  }
0x5: {  	_ = 	snop  }
0x6: {  	_ = 	snop  }
0x7: {  	_ = 	snop  }
__scs_overlays_trampoline_lowered:
0x8: {  	[smem:$0x3F87] =	sst s0  }
0x9: {  	[smem:$0x3F88] =	sst s1  }
0xa: {  	[smem:$0x3F89] =	sst s2  }
0xb: {  	[smem:$0x3F8A] =	sst s3  }
0xc: {  	[smem:$0x3F8B] =	sst s4  }
0xd: {  	[smem:$0x3F8C] =	sst s5  }
0xe: {  	[smem:$0x3F8D] =	sst s6  }
0xf: {  	[smem:$0x3F8E] =	sst s7  }
0x10: {  	[smem:$0x3F8F] =	sst s8  }
0x11: {  	[smem:$0x3F90] =	sst s9;
	s0 =	simm.s32 @!p0 $0x0  }
0x12: {  	s1 =	sld [smem:$0x3F76];
	s0 =	simm.s32 @p0 $0x1  }
0x13: {  	[smem:$0x3F91] =	sst s0;
	s0 =	simm.s32 @!p1 $0x0  }
0x14: {  	s2 =	sld [smem:$0x3F75];
	s0 =	simm.s32 @p1 $0x1  }
0x15: {  	[smem:$0x3F92] =	sst s0;
	s0 =	simm.s32 @!p2 $0x0  }
0x16: {  	s3 =	sld [smem:$0x3FDB];
	s0 =	simm.s32 @p2 $0x1  }
0x17: {  	s4 =	simm.s32 $0x1BF5;
	[smem:$0x3F94] =	sst s0  }
0x18: {  	s0 =	sld [smem:$0x3F77];
	_ =	swait.ge [sflag:s4], $0x0  }
0x19: {  	s7 =	sld [smem:$0x3F78]  }
0x1a: {  	s8 =	sadd.s32 $0xFFFFE003, lr  }
0x1b: {  	s9 =	sadd.s32 $0xFFFFFEF7, lr;
	s5 =	simm.s32 $0xFFFFFFFF;
	p2 =	slt.u32 s8, $0xFFFFF086  }
0x1c: {  	p1 =	slt.u32 s9, $0xF7A;
	s5 =	simm.s32 @!p2 $0x0  }
0x1d: {  	s5 =	simm.s32 @p1 $0x1;
	p0 =	seq.s32 s7, s2  }
0x1e: {  	s7 =	smul.u32 @!p0 $0xF7A, s2;
	p2 =	seq.s32 @!p0 s5, $0x0  }
0x1f: {  	s9 =	smul.u32 $0xF7A, s1;
	s8 =	simm.s32 @!p0 $0x1BF5;
	p2 =	por !p2, p0  }
0x20: {  	[sflag:s8] =	ssyncset.s32 @!p0 $0xFFFFF086;
	s6 =	sadd.s32 @!p0 s3, s7;
	s7 =	simm.s32 @!p0 $0x108  }
0x21: {  	s3 =	sadd.s32 s3, s9;
	s6 =	sadd.s32 @!p0 $0x88, s6;
	s7 =	simm.s32 @p2 $0x1082  }
0x22: {  	[simem:s7], [sflag:s8] =	dma.local @!p0 [hbm:s6], $0xF7A  }
0x23: {  	s9 =	sor.u32 $0xD0000000, s2;
	s6 =	simm.s32 $0x108;
	_ =	swait.ge @!p0 [sflag:s8], $0x0  }
0x24: {  	s3 =	sadd.s32 $0x88, s3;
	s6 =	simm.s32 @!p1 $0x1082;
	[sflag:s4] =	ssyncset.s32 $0xFFFFF086  }
0x25: {  	[simem:s6], [sflag:s4] =	dma.local [hbm:s3], $0xF7A  }
0x26: {  	[smem:$0x3F78] =	sst s1;
	(tag) =	ssettag s2;
	_ =	strace s9  }
0x27: {  	s1 =	sld [smem:$0x3F88]  }
0x28: {  	s2 =	sld [smem:$0x3F89]  }
0x29: {  	s4 =	sld [smem:$0x3F8B]  }
0x2a: {  	p0 =	seq.s32 s5, $0x0;
	s5 =	sld [smem:$0x3F8C]  }
0x2b: {  	s6 =	sld [smem:$0x3F8D]  }
0x2c: {  	s7 =	sld [smem:$0x3F8E]  }
0x2d: {  	s3 =	simm.s32 $0x108;
	s8 =	sld [smem:$0x3F8F]  }
0x2e: {  	s3 =	simm.s32 @!p0 $0x1082;
	s9 =	sld [smem:$0x3F90]  }
0x2f: {  	lr =	sadd.s32 s0, s3;
	s0 =	sld [smem:$0x3F87]  }
0x30: {  	s3 =	sld [smem:$0x3F8A]  }
0x31: {  	[smem:$0x3F93] =	sst s10  }
0x32: {  	s10 =	sld [smem:$0x3F91];
	_ =	sdelay $0x3  }
0x33: {  	p0 =	seq.s32 s10, $0x1;
	s10 =	sld [smem:$0x3F93];
	_ =	sdelay $0x3  }
0x34: {  	[smem:$0x3F93] =	sst s10  }
0x35: {  	s10 =	sld [smem:$0x3F92];
	_ =	sdelay $0x3  }
0x36: {  	p1 =	seq.s32 s10, $0x1;
	s10 =	sld [smem:$0x3F93];
	_ =	sdelay $0x3  }
0x37: {  	[smem:$0x3F93] =	sst s10  }
0x38: {  	s10 =	sld [smem:$0x3F94]  }
0x39: {  	_ = 	snop;
	(pc) =	sbr.ind lr, $3  }
0x3a: {  	_ = 	snop  }
0x3b: {  	_ = 	snop  }
0x3c: {  	p2 =	seq.s32 s10, $0x1;
	s10 =	sld [smem:$0x3F93]  }
0x3d: {  	_ =	shalt  }
0x3e: {  	_ =	shalt  }
0x3f: {  	_ =	shalt  }
0x40: {  	_ =	shalt  }
0x41: {  	_ =	shalt  }
0x42: {  	_ =	shalt  }
0x43: {  	_ =	shalt  }
0x44: {  	_ =	shalt  }
0x45: {  	_ =	shalt  }
0x46: {  	_ =	shalt  }
0x47: {  	_ =	shalt  }
0x48: {  	_ =	shalt  }
0x49: {  	_ =	shalt  }
0x4a: {  	_ =	shalt  }
0x4b: {  	_ =	shalt  }
0x4c: {  	_ =	shalt  }
0x4d: {  	_ =	shalt  }
0x4e: {  	_ =	shalt  }
0x4f: {  	_ =	shalt  }
0x50: {  	_ =	shalt  }
0x51: {  	_ =	shalt  }
0x52: {  	_ =	shalt  }
0x53: {  	_ =	shalt  }
0x54: {  	_ =	shalt  }
0x55: {  	_ =	shalt  }
0x56: {  	_ =	shalt  }
0x57: {  	_ =	shalt  }
0x58: {  	_ =	shalt  }
0x59: {  	_ =	shalt  }
0x5a: {  	_ =	shalt  }
0x5b: {  	_ =	shalt  }
0x5c: {  	_ =	shalt  }
0x5d: {  	_ =	shalt  }
0x5e: {  	_ =	shalt  }
0x5f: {  	_ =	shalt  }
0x60: {  	_ =	shalt  }
0x61: {  	_ =	shalt  }
0x62: {  	_ =	shalt  }
0x63: {  	_ =	shalt  }
0x64: {  	_ =	shalt  }
0x65: {  	_ =	shalt  }
0x66: {  	_ =	shalt  }
0x67: {  	_ =	shalt  }
0x68: {  	_ =	shalt  }
0x69: {  	_ =	shalt  }
0x6a: {  	_ =	shalt  }
0x6b: {  	_ =	shalt  }
0x6c: {  	_ =	shalt  }
0x6d: {  	_ =	shalt  }
0x6e: {  	_ =	shalt  }
0x6f: {  	_ =	shalt  }
0x70: {  	_ =	shalt  }
0x71: {  	_ =	shalt  }
0x72: {  	_ =	shalt  }
0x73: {  	_ =	shalt  }
0x74: {  	_ =	shalt  }
0x75: {  	_ =	shalt  }
0x76: {  	_ =	shalt  }
0x77: {  	_ =	shalt  }
0x78: {  	_ =	shalt  }
0x79: {  	_ =	shalt  }
0x7a: {  	_ =	shalt  }
0x7b: {  	_ =	shalt  }
0x7c: {  	_ =	shalt  }
0x7d: {  	_ =	shalt  }
0x7e: {  	_ =	shalt  }
0x7f: {  	_ =	shalt  }
0x80: {  	_ =	shalt  }
0x81: {  	_ =	shalt  }
0x82: {  	_ =	shalt  }
0x83: {  	_ =	shalt  }
0x84: {  	_ =	shalt  }
0x85: {  	_ =	shalt  }
0x86: {  	_ =	shalt  }
0x87: {  	_ =	shalt  }
.Lfunc_end0:
.L_simem_size_0:
called_computation.1_lowered:
.L_overlay_start_0:
0x88: {  	s2 =	sld [smem:$0x3FD9]  }
0x89: {  	s3 =	sld [smem:$0x3FFE];
	_ =	sdelay $0x1  }
0x8a: {  	s1 =	srdreg.scid  }
0x8b: {  	s0 =	sand.u32 $0x1, s1  }
0x8c: {  	s16 =	sshll.u32 s0, $0xA;
	s2 =	sadd.s32 s3, s2  }
0x8d: {  	s2 =	sadd.s32 s2, s16  }
0x8e: {  	[smem:$0x3F9F] =	sst s2  }
0x8f: {  	_ = 	snop  }
0x90: {  	(tm) =	ssettm $0x1  }
0x91: {  	s17 =	sld [smem:$0x3FFB];
	_ =	sdelay $0x3  }
0x92: {  	_ =	strace s17  }
0x93: {  	s2 =	sld [smem:$0x3FFC];
	_ =	sdelay $0x3  }
0x94: {  	_ =	strace s2  }
0x95: {  	s2 =	sld [smem:$0x3FFD];
	_ =	sdelay $0x3  }
0x96: {  	_ =	strace s2  }
0x97: {  	_ =	strace $0x8FFFFFFF  }
0x98: {  	s18 =	sld [smem:$0x3FDB];
	_ =	sdelay $0x1  }
0x99: {  	s19 =	simm.s32 $_scs_section_size  }
0x9a: {  	s4 =	simm.s32 $_size__tile_overlayer_lowered;
	s5 =	simm.s32 $_tile_overlayer_lowered  }
0x9b: {  	s22 =	simm.s32 $0x1BFF;
	s21 =	sshll.u32 s5, $0x1;
	s2 =	sadd.s32 s19, s18  }
0x9c: {  	s6 =	simm.s32 $0x0;
	s20 =	sshll.u32 s4, $0x1;
	s4 =	sadd.s32 s21, s2  }
0x9d: {  	[timem:s6], [sflag:s22] =	dma.local [hbm:s4], s20  }
0x9e: {  	_ =	swait.ge [sflag:s22], s20  }
0x9f: {  	s3 =	ssub.s32 $0x0, s20;
	[sflag:s22] =	ssyncset.done $0x0  }
0xa0: {  	[sflag:s22] =	ssyncadd.s32 s3;
	_ =	sdelay $0x1  }
0xa1: {  	s23 =	simm.s32 $0x1B8B  }
0xa2: {  	_ =	swait.ge [sflag:s23], $0x1  }
0xa3: {  	[sflag:s23] =	ssyncset.done $0x0  }
0xa4: {  	s25 =	simm.s32 $0x1B8E;
	s24 =	sld [smem:$0x3FFE];
	[sflag:s23] =	ssyncadd.s32 $0xFFFFFFFF  }
0xa5: {  	s26 =	simm.s32 $execute0_lowered;
	[smem:$0x3FD2] =	sst s25  }
0xa6: {  	s4 =	sshll.u32 s26, $0x1;
	_ =	strace $0x80000049;
	[dreg:$0x1] =	wrdreg $0xFFFFFFFF  }
0xa7: {  	s28 =	simm.s32 $_size_execute0_lowered;
	s2 =	sadd.s32 s2, s4;
	[dreg:$0x0] =	wrdreg $0x0  }
0xa8: {  	s4 =	sshll.u32 s28, $0x1;
	[dreg:$0x2] =	wrdreg s2  }
0xa9: {  	[dreg:$0x3] =	wrdreg s4  }
0xaa: {  	[dreg:$0x4] =	wrdreg $0xC0  }
0xab: {  	_ =	task [dreg:s6], $0x5FFFF  }
0xac: {  	[dreg:$0x1] =	wrdreg $0xFFFFFFFF  }
0xad: {  	[dreg:$0x0] =	wrdreg $0x60  }
0xae: {  	[dreg:$0x2] =	wrdreg s24  }
0xaf: {  	[dreg:$0x3] =	wrdreg $0x9  }
0xb0: {  	_ =	task.clear_ibuf [dreg:s6], $0x4FFFF;
	_ =	strace $0x90000049  }
0xb1: {  	s29 =	simm.s32 $0x9;
	_ =	strace $0x8000004B  }
0xb2: {  	_ =	swait.ge [sflag:s29], $0x1  }
0xb3: {  	[sflag:s29] =	ssyncadd.s32 $0xFFFFFFFF  }
0xb4: {  	_ =	strace $0x9000004B  }
0xb5: {  	_ =	sfence  }
0xb6: {  	s30 =	sld [smem:$0x0];
	_ =	sdelay $0x2  }
0xb7: {  	s31 =	sshll.u32 s1, $0xD;
	s1 =	sshrl.u32 s1, $0x2  }
0xb8: {  	s3 =	sand.u32 $0x4000, s31;
	s1 =	sadd.s32 s1, s30  }
0xb9: {  	s0 =	sor.u32 s3, s0;
	s1 =	sshll.u32 s1, $0x11  }
0xba: {  	s0 =	sor.u32 s1, s0  }
0xbb: {  	s0 =	sadd.s32 $0x8F2B, s0  }
0xbc: {  	[sflag:s0] =	ssyncadd.remote.s32 $0x1  }
0xbd: {  	_ =	sfence.sel $0xFFFF  }
0xbe: {  	[dreg:$0x0] =	wrdreg $0xFFFFFFFF;
	(pc) =	sbr.abs _section_cstart, $3  }
0xbf: {  	[dreg:$0x1] =	wrdreg $0xFFFFFFFF  }
0xc0: {  	_ =	task.clear_ibuf [dreg:s6], $0x2FFFF;
	_ =	strace $0x9FFFFFFF  }
0xc1: {  	(tm) =	ssettm $0x7FFFFFFF  }
tec
execute0_lowered:
.L_overlay_start_1:
0x0: {  	(tag) =	ssettag $0x1  }
0x1: {  	s4 =	rddreg [dreg:$0x0]  }
0x2: {  	s0 =	rddreg [dreg:$0x1]  }
0x3: {  	s3 =	srdreg.scid;
	s1 =	stileid.u32;
	s2 =	simm.s32 $0x0  }
0x4: {  	s12 =	simm.s32 $0x80;
	s13 =	simm.s32 $0x4000;
	s14 =	simm.s32 $0x5000  }
0x5: {  	s15 =	simm.s32 $0x4080;
	s16 =	simm.s32 $0x9000;
	s17 =	simm.s32 $0x4100  }
0x6: {  	s18 =	simm.s32 $0xD000;
	s19 =	simm.s32 $0x4180;
	s20 =	simm.s32 $0x11000  }
0x7: {  	s21 =	simm.s32 $0x1;
	s22 =	simm.s32 $0x2;
	s23 =	simm.s32 $0x0  }
0x8: {  	s9 =	sand.u32 $0x1, s3;
	s29 =	sshll.u32 s1, $0x1;
	[smem:$0x7FF] =	sst s2  }
0x9: {  	s3 =	sadd.s32 $0x18000, s4;
	s10 =	sadd.s32 $0x28000, s4;
	s11 =	sshll.u32 s1, $0x11  }
0xa: {  	s5 =	sor.u32 s9, s29;
	_ =	strace $0x8000004A;
	s7 =	ssub.s32 $0x2, s9  }
0xb: {  	s31 =	sshll.u32 s9, $0x10;
	s6 =	sshll.u32 s5, $0xB;
	s30 =	sshrl.u32 s7, $0x1  }
0xc: {  	s5 =	sshll.u32 s5, $0x10;
	s6 =	sadd.s32 s6, s4;
	s7 =	ssub.s32 s7, s30  }
0xd: {  	s5 =	sadd.s32 s10, s5;
	s10 =	sadd.s32 s11, s10;
	s11 =	simm.s32 $0x3  }
0xe: {  	s4 =	sadd.s32 $0x8000, s6;
	s6 =	smax.u32 s7, $0x1;
	s7 =	sadd.s32 $0x800, s5  }
0xf: {  	s8 =	sadd.s32 $0x1000, s5;
	s9 =	sadd.s32 $0x1800, s5;
	s10 =	sadd.s32 s31, s10  }
.LBB2_1:
0x10: {  	[tilespmem:s2], [sflag:$0x3] =	stream.linear.gather [hbm4b:s4+s2], $0x4000, $0x38;
	[tilespmem:$0x15000] =	vst v63  }
0x11: {  	_ =	swait.ge [sflag:s11], $0x4000  }
0x12: {  	[sflag:s11] =	ssyncset.done $0x0  }
0x13: {  	s24 =	simm.s32 $0x10;
	[sflag:s11] =	ssyncadd.s32 $0xFFFFC000  }
0x14: {  	s25 =	simm.s32 $0x80;
	s26 =	simm.s32 $0x0;
	v0 =	vld [tilespmem:s24+$0xFFFFFFF0]  }
.LBB2_2:
0x15: {  	p0 =	sne.s32 s25, $0x3F80;
	_ =	sdelay $0x2  }
0x16: {  	s28 =	sshra.s32 s26, $0x2;
	s26 =	smov.u32 s25  }
0x17: {  	[tilespmem:s28+$0x4000] =	vst v0  }
0x18: {  	v0 =	vld [tilespmem:s24+$0x0];
	_ =	sdelay $0x1  }
.Ltmp0:
0x19: {  	(pc) =	sbr.rel @p0 .LBB2_2-.Ltmp0, $3  }
0x1a: {  	_ =	sdelay $0x1  }
0x1b: {  	s24 =	sadd.s32 $0x80, s24;
	[tilespmem:s28+$0x4010] =	vst v0  }
0x1c: {  	s25 =	sadd.s32 $0x80, s25;
	v0 =	vld [tilespmem:s24+$0xFFFFFFF0]  }
0x1d: {  	_ =	sdelay $0x2  }
0x1e: {  	s25 =	sshra.s32 s26, $0x2  }
0x1f: {  	[tilespmem:s25+$0x4000] =	vst v0  }
0x20: {  	v0 =	vld [tilespmem:s24+$0x0];
	_ =	sdelay $0x4  }
0x21: {  	[tilespmem:s25+$0x4010] =	vst v0  }
0x22: {  	[tilespmem:s14], [sflag:$0x1] =	stream.indirect.gather [hbm4b:s3+s12], $0x80, s13, s12, $0xb8;
	[tilespmem:$0x15000] =	vst v63  }
0x23: {  	_ = 	snop  }
0x24: {  	[tilespmem:s16], [sflag:$0x1] =	stream.indirect.gather [hbm4b:s3+s12], $0x80, s15, s12, $0xb8;
	[tilespmem:$0x15000] =	vst v63  }
0x25: {  	_ = 	snop  }
0x26: {  	[tilespmem:s18], [sflag:$0x1] =	stream.indirect.gather [hbm4b:s3+s12], $0x80, s17, s12, $0xb8;
	[tilespmem:$0x15000] =	vst v63  }
0x27: {  	_ = 	snop  }
0x28: {  	[tilespmem:s20], [sflag:$0x1] =	stream.indirect.gather [hbm4b:s3+s12], $0x80, s19, s12, $0xb8;
	[tilespmem:$0x15000] =	vst v63  }
0x29: {  	_ =	swait.ge [sflag:s21], $0x4000  }
0x2a: {  	[sflag:s21] =	ssyncset.done $0x0  }
0x2b: {  	[sflag:s21] =	ssyncadd.s32 $0xFFFFC000  }
0x2c: {  	_ =	swait.ge [sflag:s21], $0x4000  }
0x2d: {  	[sflag:s21] =	ssyncset.done $0x0  }
0x2e: {  	[sflag:s21] =	ssyncadd.s32 $0xFFFFC000  }
0x2f: {  	_ =	swait.ge [sflag:s21], $0x4000  }
0x30: {  	[sflag:s21] =	ssyncset.done $0x0  }
0x31: {  	[sflag:s21] =	ssyncadd.s32 $0xFFFFC000  }
0x32: {  	_ =	swait.ge [sflag:s21], $0x4000  }
0x33: {  	[sflag:s21] =	ssyncset.done $0x0  }
0x34: {  	s29 =	simm.s32 $0x0;
	[sflag:s21] =	ssyncadd.s32 $0xFFFFC000  }
0x35: {  	[hbm4b:s5+s29] =	stream.linear.scatter [tilespmem:s14], [sflag:$0x2], $0x4000, $0x38;
	[tilespmem:$0x15000] =	vst v63  }
0x36: {  	_ = 	snop  }
0x37: {  	[hbm4b:s7+s29] =	stream.linear.scatter [tilespmem:s16], [sflag:$0x2], $0x4000, $0x38;
	[tilespmem:$0x15000] =	vst v63  }
0x38: {  	_ = 	snop  }
0x39: {  	[hbm4b:s8+s29] =	stream.linear.scatter [tilespmem:s18], [sflag:$0x2], $0x4000, $0x38;
	[tilespmem:$0x15000] =	vst v63  }
0x3a: {  	_ = 	snop  }
0x3b: {  	[hbm4b:s9+s29] =	stream.linear.scatter [tilespmem:s20], [sflag:$0x2], $0x4000, $0x38;
	[tilespmem:$0x15000] =	vst v63  }
0x3c: {  	_ =	swait.ge [sflag:s22], $0x4000  }
0x3d: {  	[sflag:s22] =	ssyncset.done $0x0  }
0x3e: {  	[sflag:s22] =	ssyncadd.s32 $0xFFFFC000  }
0x3f: {  	_ =	swait.ge [sflag:s22], $0x4000  }
0x40: {  	[sflag:s22] =	ssyncset.done $0x0  }
0x41: {  	[sflag:s22] =	ssyncadd.s32 $0xFFFFC000  }
0x42: {  	_ =	swait.ge [sflag:s22], $0x4000  }
0x43: {  	[sflag:s22] =	ssyncset.done $0x0  }
0x44: {  	[sflag:s22] =	ssyncadd.s32 $0xFFFFC000  }
0x45: {  	_ =	swait.ge [sflag:s22], $0x4000  }
0x46: {  	[sflag:s22] =	ssyncset.done $0x0  }
0x47: {  	s30 =	simm.s32 $0x4200;
	[sflag:s22] =	ssyncadd.s32 $0xFFFFC000  }
0x48: {  	[tilespmem:s14], [sflag:$0x1] =	stream.indirect.gather [hbm4b:s3+s12], $0x80, s30, s12, $0xb8;
	[tilespmem:$0x15000] =	vst v63  }
0x49: {  	s31 =	simm.s32 $0x4280  }
0x4a: {  	[tilespmem:s16], [sflag:$0x1] =	stream.indirect.gather [hbm4b:s3+s12], $0x80, s31, s12, $0xb8;
	[tilespmem:$0x15000] =	vst v63  }
0x4b: {  	s25 =	simm.s32 $0x4300  }
0x4c: {  	[tilespmem:s18], [sflag:$0x1] =	stream.indirect.gather [hbm4b:s3+s12], $0x80, s25, s12, $0xb8;
	[tilespmem:$0x15000] =	vst v63  }
0x4d: {  	s26 =	simm.s32 $0x4380  }
0x4e: {  	[tilespmem:s20], [sflag:$0x1] =	stream.indirect.gather [hbm4b:s3+s12], $0x80, s26, s12, $0xb8;
	[tilespmem:$0x15000] =	vst v63  }
0x4f: {  	_ =	swait.ge [sflag:s21], $0x4000  }
0x50: {  	[sflag:s21] =	ssyncset.done $0x0  }
0x51: {  	[sflag:s21] =	ssyncadd.s32 $0xFFFFC000  }
0x52: {  	_ =	swait.ge [sflag:s21], $0x4000  }
0x53: {  	[sflag:s21] =	ssyncset.done $0x0  }
0x54: {  	[sflag:s21] =	ssyncadd.s32 $0xFFFFC000  }
0x55: {  	_ =	swait.ge [sflag:s21], $0x4000  }
0x56: {  	[sflag:s21] =	ssyncset.done $0x0  }
0x57: {  	[sflag:s21] =	ssyncadd.s32 $0xFFFFC000  }
0x58: {  	_ =	swait.ge [sflag:s21], $0x4000  }
0x59: {  	s28 =	sadd.s32 $0x0, s10;
	[sflag:s21] =	ssyncset.done $0x0  }
0x5a: {  	s29 =	sadd.s32 $0x2000, s28;
	[sflag:s21] =	ssyncadd.s32 $0xFFFFC000  }
0x5b: {  	[hbm4b:s29+s2] =	stream.linear.scatter [tilespmem:s14], [sflag:$0x2], $0x4000, $0x38;
	[tilespmem:$0x15000] =	vst v63  }
0x5c: {  	s24 =	simm.s32 $0x2000;
	s30 =	sadd.s32 $0x2800, s28  }
0x5d: {  	[hbm4b:s30+s2] =	stream.linear.scatter [tilespmem:s16], [sflag:$0x2], $0x4000, $0x38;
	[tilespmem:$0x15000] =	vst v63  }
0x5e: {  	s31 =	sadd.s32 $0x3000, s28;
	s25 =	simm.s32 $0x4580;
	s26 =	sadd.s32 $0x3800, s28  }
0x5f: {  	[hbm4b:s31+s2] =	stream.linear.scatter [tilespmem:s18], [sflag:$0x2], $0x4000, $0x38;
	[tilespmem:$0x15000] =	vst v63  }
.LBB2_4:
0x60: {  	[hbm4b:s26+s2] =	stream.linear.scatter [tilespmem:s20], [sflag:$0x2], $0x4000, $0x38;
	[tilespmem:$0x15000] =	vst v63  }
0x61: {  	s26 =	smov.u32 s24  }
0x62: {  	p0 =	sne.s32 s24, $0xC000;
	s24 =	sadd.s32 $0x2000, s24;
	_ =	swait.ge [sflag:s22], $0x4000  }
0x63: {  	[sflag:s22] =	ssyncset.done $0x0  }
0x64: {  	[sflag:s22] =	ssyncadd.s32 $0xFFFFC000  }
0x65: {  	_ =	swait.ge [sflag:s22], $0x4000  }
0x66: {  	[sflag:s22] =	ssyncset.done $0x0  }
0x67: {  	[sflag:s22] =	ssyncadd.s32 $0xFFFFC000  }
0x68: {  	_ =	swait.ge [sflag:s22], $0x4000  }
0x69: {  	[sflag:s22] =	ssyncset.done $0x0  }
0x6a: {  	[sflag:s22] =	ssyncadd.s32 $0xFFFFC000  }
0x6b: {  	_ =	swait.ge [sflag:s22], $0x4000  }
0x6c: {  	[sflag:s22] =	ssyncset.done $0x0  }
0x6d: {  	s28 =	sadd.s32 $0xFFFFFE80, s25;
	[sflag:s22] =	ssyncadd.s32 $0xFFFFC000  }
0x6e: {  	[tilespmem:s14], [sflag:$0x1] =	stream.indirect.gather [hbm4b:s3+s12], $0x80, s28, s12, $0xb8;
	[tilespmem:$0x15000] =	vst v63  }
0x6f: {  	s28 =	sadd.s32 $0xFFFFFF00, s25  }
0x70: {  	[tilespmem:s16], [sflag:$0x1] =	stream.indirect.gather [hbm4b:s3+s12], $0x80, s28, s12, $0xb8;
	[tilespmem:$0x15000] =	vst v63  }
0x71: {  	s28 =	sadd.s32 $0xFFFFFF80, s25  }
0x72: {  	[tilespmem:s18], [sflag:$0x1] =	stream.indirect.gather [hbm4b:s3+s12], $0x80, s28, s12, $0xb8;
	[tilespmem:$0x15000] =	vst v63  }
0x73: {  	_ = 	snop  }
0x74: {  	[tilespmem:s20], [sflag:$0x1] =	stream.indirect.gather [hbm4b:s3+s12], $0x80, s25, s12, $0xb8;
	[tilespmem:$0x15000] =	vst v63  }
0x75: {  	_ =	swait.ge [sflag:s21], $0x4000  }
0x76: {  	[sflag:s21] =	ssyncset.done $0x0  }
0x77: {  	[sflag:s21] =	ssyncadd.s32 $0xFFFFC000  }
0x78: {  	_ =	swait.ge [sflag:s21], $0x4000  }
0x79: {  	[sflag:s21] =	ssyncset.done $0x0  }
0x7a: {  	[sflag:s21] =	ssyncadd.s32 $0xFFFFC000  }
0x7b: {  	_ =	swait.ge [sflag:s21], $0x4000  }
0x7c: {  	[sflag:s21] =	ssyncset.done $0x0  }
0x7d: {  	[sflag:s21] =	ssyncadd.s32 $0xFFFFC000  }
0x7e: {  	_ =	swait.ge [sflag:s21], $0x4000  }
0x7f: {  	s26 =	sadd.s32 s26, s10;
	[sflag:s21] =	ssyncset.done $0x0  }
0x80: {  	s28 =	sadd.s32 $0x2000, s26;
	[sflag:s21] =	ssyncadd.s32 $0xFFFFC000  }
0x81: {  	[hbm4b:s28+s2] =	stream.linear.scatter [tilespmem:s14], [sflag:$0x2], $0x4000, $0x38;
	[tilespmem:$0x15000] =	vst v63  }
.Ltmp1:
0x82: {  	s28 =	sadd.s32 $0x2800, s26;
	(pc) =	sbr.rel @p0 .LBB2_4-.Ltmp1, $4  }
0x83: {  	[hbm4b:s28+s2] =	stream.linear.scatter [tilespmem:s16], [sflag:$0x2], $0x4000, $0x38;
	[tilespmem:$0x15000] =	vst v63  }
0x84: {  	s28 =	sadd.s32 $0x3000, s26  }
0x85: {  	[hbm4b:s28+s2] =	stream.linear.scatter [tilespmem:s18], [sflag:$0x2], $0x4000, $0x38;
	[tilespmem:$0x15000] =	vst v63  }
0x86: {  	s25 =	sadd.s32 $0x200, s25;
	s26 =	sadd.s32 $0x3800, s26  }
0x87: {  	[hbm4b:s26+s2] =	stream.linear.scatter [tilespmem:s20], [sflag:$0x2], $0x4000, $0x38;
	[tilespmem:$0x15000] =	vst v63  }
0x88: {  	_ =	swait.ge [sflag:s22], $0x4000  }
0x89: {  	[sflag:s22] =	ssyncset.done $0x0  }
0x8a: {  	[sflag:s22] =	ssyncadd.s32 $0xFFFFC000  }
0x8b: {  	_ =	swait.ge [sflag:s22], $0x4000  }
0x8c: {  	[sflag:s22] =	ssyncset.done $0x0  }
0x8d: {  	s23 =	sadd.s32 $0x1, s23;
	[sflag:s22] =	ssyncadd.s32 $0xFFFFC000  }
0x8e: {  	p0 =	sne.s32 s23, s6;
	_ =	swait.ge [sflag:s22], $0x4000  }
.Ltmp2:
0x8f: {  	[sflag:s22] =	ssyncset.done $0x0;
	(pc) =	sbr.rel @p0 .LBB2_1-.Ltmp2, $4  }
0x90: {  	[sflag:s22] =	ssyncadd.s32 $0xFFFFC000  }
0x91: {  	_ =	swait.ge [sflag:s22], $0x4000  }
0x92: {  	[sflag:s22] =	ssyncset.done $0x0  }
0x93: {  	[sflag:s22] =	ssyncadd.s32 $0xFFFFC000  }
0x94: {  	_ =	sfence.sel $0x180000  }
0x95: {  	[bflag:$0x0] =	sbarrier.arrive $0xFFFF  }
0x96: {  	p0 =	sne.s32 s1, $0x0;
	_ =	strace $0x9000004A  }
0x97: {  	s0 =	sadd.s32 @!p0 $0x100000, s0;
	[bflag:$0x2] =	sbarrier.arrive $0xFFFF  }
0x98: {  	[sflag:s0] =	ssyncadd.tile.s32 @!p0 $0x1;
	_ =	shalt  }
.Lfunc_end2:
_tile_overlayer_lowered:
.L_overlay_start_2:
0x99: {  	(tag) =	ssettag $0x2  }
0x9a: {  	s0 =	rddreg [dreg:$0x0];
	s2 =	stileid.u32  }
0x9b: {  	s1 =	rddreg [dreg:$0x1];
	p0 =	sne.s32 s2, $0x0  }
0x9c: {  	s3 =	rddreg [dreg:$0x2];
	[bflag:$0x3] =	sbarrier.arrive $0xFFFF;
	s2 =	simm.s32 @!p0 $0x1C03  }
0x9d: {  	[timem:s3], [sflag:s2] =	dma.local @!p0 [hbm:s0], s1  }
0x9e: {  	s0 =	simm.s32 @!p0 $0x3  }
0x9f: {  	_ =	swait.ge @!p0 [sflag:s0], s1  }
0xa0: {  	s1 =	ssub.s32 @!p0 $0x0, s1;
	[sflag:s0] =	ssyncset.done @!p0 $0x0  }
0xa1: {  	[sflag:s0] =	ssyncadd.s32 @!p0 s1  }
0xa2: {  	[bflag:$0x3] =	sbarrier.arrive $0xFFFF  }
0xa3: {  	_ =	shalt  }

// kernel: kernel.16.cloned.1.call-start
scs
__scs_entry_jumppad:
0x0: {  	(pc) =	sbr.rel $0x88, $3  }
0x1: {  	(tag) =	ssettag $0x0;
	lr =	simm.s32 $0x1  }
0x2: {  	[smem:$0x3F78] =	sst lr;
	_ =	strace $0xD0000000  }
0x3: {  	_ = 	snop  }
0x4: {  	_ = 	snop  }
0x5: {  	_ = 	snop  }
0x6: {  	_ = 	snop  }
0x7: {  	_ = 	snop  }
__scs_overlays_trampoline_lowered:
0x8: {  	[smem:$0x3F87] =	sst s0  }
0x9: {  	[smem:$0x3F88] =	sst s1  }
0xa: {  	[smem:$0x3F89] =	sst s2  }
0xb: {  	[smem:$0x3F8A] =	sst s3  }
0xc: {  	[smem:$0x3F8B] =	sst s4  }
0xd: {  	[smem:$0x3F8C] =	sst s5  }
0xe: {  	[smem:$0x3F8D] =	sst s6  }
0xf: {  	[smem:$0x3F8E] =	sst s7  }
0x10: {  	[smem:$0x3F8F] =	sst s8  }
0x11: {  	[smem:$0x3F90] =	sst s9;
	s0 =	simm.s32 @!p0 $0x0  }
0x12: {  	s1 =	sld [smem:$0x3F76];
	s0 =	simm.s32 @p0 $0x1  }
0x13: {  	[smem:$0x3F91] =	sst s0;
	s0 =	simm.s32 @!p1 $0x0  }
0x14: {  	s2 =	sld [smem:$0x3F75];
	s0 =	simm.s32 @p1 $0x1  }
0x15: {  	[smem:$0x3F92] =	sst s0;
	s0 =	simm.s32 @!p2 $0x0  }
0x16: {  	s3 =	sld [smem:$0x3FDB];
	s0 =	simm.s32 @p2 $0x1  }
0x17: {  	s4 =	simm.s32 $0x1BF5;
	[smem:$0x3F94] =	sst s0  }
0x18: {  	s0 =	sld [smem:$0x3F77];
	_ =	swait.ge [sflag:s4], $0x0  }
0x19: {  	s7 =	sld [smem:$0x3F78]  }
0x1a: {  	s8 =	sadd.s32 $0xFFFFE003, lr  }
0x1b: {  	s9 =	sadd.s32 $0xFFFFFEF7, lr;
	s5 =	simm.s32 $0xFFFFFFFF;
	p2 =	slt.u32 s8, $0xFFFFF086  }
0x1c: {  	p1 =	slt.u32 s9, $0xF7A;
	s5 =	simm.s32 @!p2 $0x0  }
0x1d: {  	s5 =	simm.s32 @p1 $0x1;
	p0 =	seq.s32 s7, s2  }
0x1e: {  	s7 =	smul.u32 @!p0 $0xF7A, s2;
	p2 =	seq.s32 @!p0 s5, $0x0  }
0x1f: {  	s9 =	smul.u32 $0xF7A, s1;
	s8 =	simm.s32 @!p0 $0x1BF5;
	p2 =	por !p2, p0  }
0x20: {  	[sflag:s8] =	ssyncset.s32 @!p0 $0xFFFFF086;
	s6 =	sadd.s32 @!p0 s3, s7;
	s7 =	simm.s32 @!p0 $0x108  }
0x21: {  	s3 =	sadd.s32 s3, s9;
	s6 =	sadd.s32 @!p0 $0x88, s6;
	s7 =	simm.s32 @p2 $0x1082  }
0x22: {  	[simem:s7], [sflag:s8] =	dma.local @!p0 [hbm:s6], $0xF7A  }
0x23: {  	s9 =	sor.u32 $0xD0000000, s2;
	s6 =	simm.s32 $0x108;
	_ =	swait.ge @!p0 [sflag:s8], $0x0  }
0x24: {  	s3 =	sadd.s32 $0x88, s3;
	s6 =	simm.s32 @!p1 $0x1082;
	[sflag:s4] =	ssyncset.s32 $0xFFFFF086  }
0x25: {  	[simem:s6], [sflag:s4] =	dma.local [hbm:s3], $0xF7A  }
0x26: {  	[smem:$0x3F78] =	sst s1;
	(tag) =	ssettag s2;
	_ =	strace s9  }
0x27: {  	s1 =	sld [smem:$0x3F88]  }
0x28: {  	s2 =	sld [smem:$0x3F89]  }
0x29: {  	s4 =	sld [smem:$0x3F8B]  }
0x2a: {  	p0 =	seq.s32 s5, $0x0;
	s5 =	sld [smem:$0x3F8C]  }
0x2b: {  	s6 =	sld [smem:$0x3F8D]  }
0x2c: {  	s7 =	sld [smem:$0x3F8E]  }
0x2d: {  	s3 =	simm.s32 $0x108;
	s8 =	sld [smem:$0x3F8F]  }
0x2e: {  	s3 =	simm.s32 @!p0 $0x1082;
	s9 =	sld [smem:$0x3F90]  }
0x2f: {  	lr =	sadd.s32 s0, s3;
	s0 =	sld [smem:$0x3F87]  }
0x30: {  	s3 =	sld [smem:$0x3F8A]  }
0x31: {  	[smem:$0x3F93] =	sst s10  }
0x32: {  	s10 =	sld [smem:$0x3F91];
	_ =	sdelay $0x3  }
0x33: {  	p0 =	seq.s32 s10, $0x1;
	s10 =	sld [smem:$0x3F93];
	_ =	sdelay $0x3  }
0x34: {  	[smem:$0x3F93] =	sst s10  }
0x35: {  	s10 =	sld [smem:$0x3F92];
	_ =	sdelay $0x3  }
0x36: {  	p1 =	seq.s32 s10, $0x1;
	s10 =	sld [smem:$0x3F93];
	_ =	sdelay $0x3  }
0x37: {  	[smem:$0x3F93] =	sst s10  }
0x38: {  	s10 =	sld [smem:$0x3F94]  }
0x39: {  	_ = 	snop;
	(pc) =	sbr.ind lr, $3  }
0x3a: {  	_ = 	snop  }
0x3b: {  	_ = 	snop  }
0x3c: {  	p2 =	seq.s32 s10, $0x1;
	s10 =	sld [smem:$0x3F93]  }
0x3d: {  	_ =	shalt  }
0x3e: {  	_ =	shalt  }
0x3f: {  	_ =	shalt  }
0x40: {  	_ =	shalt  }
0x41: {  	_ =	shalt  }
0x42: {  	_ =	shalt  }
0x43: {  	_ =	shalt  }
0x44: {  	_ =	shalt  }
0x45: {  	_ =	shalt  }
0x46: {  	_ =	shalt  }
0x47: {  	_ =	shalt  }
0x48: {  	_ =	shalt  }
0x49: {  	_ =	shalt  }
0x4a: {  	_ =	shalt  }
0x4b: {  	_ =	shalt  }
0x4c: {  	_ =	shalt  }
0x4d: {  	_ =	shalt  }
0x4e: {  	_ =	shalt  }
0x4f: {  	_ =	shalt  }
0x50: {  	_ =	shalt  }
0x51: {  	_ =	shalt  }
0x52: {  	_ =	shalt  }
0x53: {  	_ =	shalt  }
0x54: {  	_ =	shalt  }
0x55: {  	_ =	shalt  }
0x56: {  	_ =	shalt  }
0x57: {  	_ =	shalt  }
0x58: {  	_ =	shalt  }
0x59: {  	_ =	shalt  }
0x5a: {  	_ =	shalt  }
0x5b: {  	_ =	shalt  }
0x5c: {  	_ =	shalt  }
0x5d: {  	_ =	shalt  }
0x5e: {  	_ =	shalt  }
0x5f: {  	_ =	shalt  }
0x60: {  	_ =	shalt  }
0x61: {  	_ =	shalt  }
0x62: {  	_ =	shalt  }
0x63: {  	_ =	shalt  }
0x64: {  	_ =	shalt  }
0x65: {  	_ =	shalt  }
0x66: {  	_ =	shalt  }
0x67: {  	_ =	shalt  }
0x68: {  	_ =	shalt  }
0x69: {  	_ =	shalt  }
0x6a: {  	_ =	shalt  }
0x6b: {  	_ =	shalt  }
0x6c: {  	_ =	shalt  }
0x6d: {  	_ =	shalt  }
0x6e: {  	_ =	shalt  }
0x6f: {  	_ =	shalt  }
0x70: {  	_ =	shalt  }
0x71: {  	_ =	shalt  }
0x72: {  	_ =	shalt  }
0x73: {  	_ =	shalt  }
0x74: {  	_ =	shalt  }
0x75: {  	_ =	shalt  }
0x76: {  	_ =	shalt  }
0x77: {  	_ =	shalt  }
0x78: {  	_ =	shalt  }
0x79: {  	_ =	shalt  }
0x7a: {  	_ =	shalt  }
0x7b: {  	_ =	shalt  }
0x7c: {  	_ =	shalt  }
0x7d: {  	_ =	shalt  }
0x7e: {  	_ =	shalt  }
0x7f: {  	_ =	shalt  }
0x80: {  	_ =	shalt  }
0x81: {  	_ =	shalt  }
0x82: {  	_ =	shalt  }
0x83: {  	_ =	shalt  }
0x84: {  	_ =	shalt  }
0x85: {  	_ =	shalt  }
0x86: {  	_ =	shalt  }
0x87: {  	_ =	shalt  }
.Lfunc_end0:
.L_simem_size_0:
called_computation.2_lowered:
.L_overlay_start_0:
0x88: {  	s2 =	sld [smem:$0x3FD9]  }
0x89: {  	s3 =	sld [smem:$0x3FFE];
	_ =	sdelay $0x1  }
0x8a: {  	s1 =	srdreg.scid  }
0x8b: {  	s0 =	sand.u32 $0x1, s1  }
0x8c: {  	s16 =	sshll.u32 s0, $0xA;
	s2 =	sadd.s32 s3, s2  }
0x8d: {  	s2 =	sadd.s32 s2, s16  }
0x8e: {  	[smem:$0x3F9F] =	sst s2  }
0x8f: {  	_ = 	snop  }
0x90: {  	(tm) =	ssettm $0x1  }
0x91: {  	s17 =	sld [smem:$0x3FFB];
	_ =	sdelay $0x3  }
0x92: {  	_ =	strace s17  }
0x93: {  	s2 =	sld [smem:$0x3FFC];
	_ =	sdelay $0x3  }
0x94: {  	_ =	strace s2  }
0x95: {  	s2 =	sld [smem:$0x3FFD];
	_ =	sdelay $0x3  }
0x96: {  	_ =	strace s2  }
0x97: {  	_ =	strace $0x8FFFFFFF  }
0x98: {  	s18 =	sld [smem:$0x3FDB];
	_ =	sdelay $0x1  }
0x99: {  	s19 =	simm.s32 $_scs_section_size  }
0x9a: {  	s4 =	simm.s32 $_size__tile_overlayer_lowered;
	s5 =	simm.s32 $_tile_overlayer_lowered  }
0x9b: {  	s22 =	simm.s32 $0x1BFF;
	s21 =	sshll.u32 s5, $0x1;
	s2 =	sadd.s32 s19, s18  }
0x9c: {  	s6 =	simm.s32 $0x0;
	s20 =	sshll.u32 s4, $0x1;
	s4 =	sadd.s32 s21, s2  }
0x9d: {  	[timem:s6], [sflag:s22] =	dma.local [hbm:s4], s20  }
0x9e: {  	_ =	swait.ge [sflag:s22], s20  }
0x9f: {  	s3 =	ssub.s32 $0x0, s20;
	[sflag:s22] =	ssyncset.done $0x0  }
0xa0: {  	[sflag:s22] =	ssyncadd.s32 s3;
	_ =	sdelay $0x1  }
0xa1: {  	s23 =	simm.s32 $0x1B8B  }
0xa2: {  	_ =	swait.ge [sflag:s23], $0x1  }
0xa3: {  	[sflag:s23] =	ssyncset.done $0x0  }
0xa4: {  	s25 =	simm.s32 $0x1B8E;
	s24 =	sld [smem:$0x3FFE];
	[sflag:s23] =	ssyncadd.s32 $0xFFFFFFFF  }
0xa5: {  	s26 =	simm.s32 $execute0_lowered;
	[smem:$0x3FD2] =	sst s25  }
0xa6: {  	s4 =	sshll.u32 s26, $0x1;
	_ =	strace $0x8000004C;
	[dreg:$0x1] =	wrdreg $0xFFFFFFFF  }
0xa7: {  	s28 =	simm.s32 $_size_execute0_lowered;
	s2 =	sadd.s32 s2, s4;
	[dreg:$0x0] =	wrdreg $0x0  }
0xa8: {  	s4 =	sshll.u32 s28, $0x1;
	[dreg:$0x2] =	wrdreg s2  }
0xa9: {  	[dreg:$0x3] =	wrdreg s4  }
0xaa: {  	[dreg:$0x4] =	wrdreg $0xC0  }
0xab: {  	_ =	task [dreg:s6], $0x5FFFF  }
0xac: {  	[dreg:$0x1] =	wrdreg $0xFFFFFFFF  }
0xad: {  	[dreg:$0x0] =	wrdreg $0x60  }
0xae: {  	[dreg:$0x2] =	wrdreg s24  }
0xaf: {  	[dreg:$0x3] =	wrdreg $0x9  }
0xb0: {  	_ =	task.clear_ibuf [dreg:s6], $0x4FFFF;
	_ =	strace $0x9000004C  }
0xb1: {  	s29 =	simm.s32 $0x9;
	_ =	strace $0x8000004E  }
0xb2: {  	_ =	swait.ge [sflag:s29], $0x1  }
0xb3: {  	[sflag:s29] =	ssyncadd.s32 $0xFFFFFFFF  }
0xb4: {  	_ =	strace $0x9000004E  }
0xb5: {  	_ =	sfence  }
0xb6: {  	s30 =	sld [smem:$0x0];
	_ =	sdelay $0x2  }
0xb7: {  	s31 =	sshll.u32 s1, $0xD;
	s1 =	sshrl.u32 s1, $0x2  }
0xb8: {  	s3 =	sand.u32 $0x4000, s31;
	s1 =	sadd.s32 s1, s30  }
0xb9: {  	s0 =	sor.u32 s3, s0;
	s1 =	sshll.u32 s1, $0x11  }
0xba: {  	s0 =	sor.u32 s1, s0  }
0xbb: {  	s0 =	sadd.s32 $0x8F2B, s0  }
0xbc: {  	[sflag:s0] =	ssyncadd.remote.s32 $0x1  }
0xbd: {  	_ =	sfence.sel $0xFFFF  }
0xbe: {  	[dreg:$0x0] =	wrdreg $0xFFFFFFFF;
	(pc) =	sbr.abs _section_cstart, $3  }
0xbf: {  	[dreg:$0x1] =	wrdreg $0xFFFFFFFF  }
0xc0: {  	_ =	task.clear_ibuf [dreg:s6], $0x2FFFF;
	_ =	strace $0x9FFFFFFF  }
0xc1: {  	(tm) =	ssettm $0x7FFFFFFF  }
tec
execute0_lowered:
.L_overlay_start_1:
0x0: {  	(tag) =	ssettag $0x1  }
0x1: {  	s0 =	rddreg [dreg:$0x0];
	s2 =	simm.s32 $0x0;
	s1 =	srdreg.scid  }
0x2: {  	s3 =	stileid.u32;
	s14 =	simm.s32 $0x3;
	s15 =	simm.s32 $0x80  }
0x3: {  	s17 =	simm.s32 $0x1400;
	s19 =	simm.s32 $0x5400;
	s20 =	simm.s32 $0x1100  }
0x4: {  	s21 =	simm.s32 $0x9400;
	s22 =	simm.s32 $0x1180;
	s23 =	simm.s32 $0xD400  }
0x5: {  	s24 =	simm.s32 $0x1;
	s25 =	simm.s32 $0x2;
	s26 =	simm.s32 $0x1200  }
0x6: {  	s28 =	simm.s32 $0x1280;
	s29 =	simm.s32 $0x1300;
	s30 =	simm.s32 $0x1380  }
0x7: {  	s31 =	simm.s32 $0x0;
	s1 =	sand.u32 $0x1, s1;
	s4 =	sshll.u32 s3, $0x1  }
0x8: {  	[smem:$0x7FF] =	sst s2;
	s3 =	sadd.s32 $0x18000, s0;
	s4 =	sor.u32 s1, s4  }
0x9: {  	_ =	strace $0x8000004D;
	s1 =	ssub.s32 $0x2, s1;
	s5 =	sshll.u32 s4, $0x9  }
0xa: {  	s4 =	sshll.u32 s4, $0xE;
	s6 =	sshrl.u32 s1, $0x1;
	s5 =	sadd.s32 s5, s0  }
0xb: {  	s0 =	sadd.s32 s4, s0;
	s1 =	ssub.s32 s1, s6;
	s4 =	sadd.s32 $0x8000, s5  }
0xc: {  	s5 =	smax.u32 s1, $0x1;
	s6 =	sadd.s32 $0x28000, s0;
	s7 =	sadd.s32 $0x28800, s0  }
0xd: {  	s8 =	sadd.s32 $0x29000, s0;
	s9 =	sadd.s32 $0x29800, s0;
	s10 =	sadd.s32 $0x2A000, s0  }
0xe: {  	s11 =	sadd.s32 $0x2A800, s0;
	s12 =	sadd.s32 $0x2B000, s0;
	s13 =	sadd.s32 $0x2B800, s0  }
.LBB2_1:
0xf: {  	[tilespmem:s2], [sflag:$0x3] =	stream.linear.gather [hbm4b:s4+s2], $0x1000, $0x38;
	[tilespmem:$0x11400] =	vst v63  }
0x10: {  	_ =	swait.ge [sflag:s14], $0x1000  }
0x11: {  	[sflag:s14] =	ssyncset.done $0x0  }
0x12: {  	s0 =	simm.s32 $0x10;
	[sflag:s14] =	ssyncadd.s32 $0xFFFFF000  }
0x13: {  	s1 =	simm.s32 $0x80;
	s16 =	simm.s32 $0x0;
	v0 =	vld [tilespmem:s0+$0xFFFFFFF0]  }
.LBB2_2:
0x14: {  	p0 =	sne.s32 s1, $0xF80;
	_ =	sdelay $0x2  }
0x15: {  	s18 =	sshra.s32 s16, $0x2;
	s16 =	smov.u32 s1  }
0x16: {  	[tilespmem:s18+$0x1000] =	vst v0  }
0x17: {  	v0 =	vld [tilespmem:s0+$0x0];
	_ =	sdelay $0x1  }
.Ltmp0:
0x18: {  	(pc) =	sbr.rel @p0 .LBB2_2-.Ltmp0, $3  }
0x19: {  	_ =	sdelay $0x1  }
0x1a: {  	s0 =	sadd.s32 $0x80, s0;
	[tilespmem:s18+$0x1010] =	vst v0  }
0x1b: {  	s1 =	sadd.s32 $0x80, s1;
	v0 =	vld [tilespmem:s0+$0xFFFFFFF0]  }
0x1c: {  	_ =	sdelay $0x2  }
0x1d: {  	s1 =	sshra.s32 s16, $0x2  }
0x1e: {  	[tilespmem:s1+$0x1000] =	vst v0  }
0x1f: {  	v0 =	vld [tilespmem:s0+$0x0];
	_ =	sdelay $0x4  }
0x20: {  	s16 =	simm.s32 $0x1000;
	[tilespmem:s1+$0x1010] =	vst v0  }
0x21: {  	[tilespmem:s17], [sflag:$0x1] =	stream.indirect.gather [hbm4b:s3+s15], $0x80, s16, s15, $0xb8;
	[tilespmem:$0x11400] =	vst v63  }
0x22: {  	s18 =	simm.s32 $0x1080  }
0x23: {  	[tilespmem:s19], [sflag:$0x1] =	stream.indirect.gather [hbm4b:s3+s15], $0x80, s18, s15, $0xb8;
	[tilespmem:$0x11400] =	vst v63  }
0x24: {  	_ = 	snop  }
0x25: {  	[tilespmem:s21], [sflag:$0x1] =	stream.indirect.gather [hbm4b:s3+s15], $0x80, s20, s15, $0xb8;
	[tilespmem:$0x11400] =	vst v63  }
0x26: {  	_ = 	snop  }
0x27: {  	[tilespmem:s23], [sflag:$0x1] =	stream.indirect.gather [hbm4b:s3+s15], $0x80, s22, s15, $0xb8;
	[tilespmem:$0x11400] =	vst v63  }
0x28: {  	_ =	swait.ge [sflag:s24], $0x4000  }
0x29: {  	[sflag:s24] =	ssyncset.done $0x0  }
0x2a: {  	[sflag:s24] =	ssyncadd.s32 $0xFFFFC000  }
0x2b: {  	_ =	swait.ge [sflag:s24], $0x4000  }
0x2c: {  	[sflag:s24] =	ssyncset.done $0x0  }
0x2d: {  	[sflag:s24] =	ssyncadd.s32 $0xFFFFC000  }
0x2e: {  	_ =	swait.ge [sflag:s24], $0x4000  }
0x2f: {  	[sflag:s24] =	ssyncset.done $0x0  }
0x30: {  	[sflag:s24] =	ssyncadd.s32 $0xFFFFC000  }
0x31: {  	_ =	swait.ge [sflag:s24], $0x4000  }
0x32: {  	[sflag:s24] =	ssyncset.done $0x0  }
0x33: {  	[sflag:s24] =	ssyncadd.s32 $0xFFFFC000  }
0x34: {  	[hbm4b:s6+s2] =	stream.linear.scatter [tilespmem:s17], [sflag:$0x2], $0x4000, $0x38;
	[tilespmem:$0x11400] =	vst v63  }
0x35: {  	_ = 	snop  }
0x36: {  	[hbm4b:s7+s2] =	stream.linear.scatter [tilespmem:s19], [sflag:$0x2], $0x4000, $0x38;
	[tilespmem:$0x11400] =	vst v63  }
0x37: {  	_ = 	snop  }
0x38: {  	[hbm4b:s8+s2] =	stream.linear.scatter [tilespmem:s21], [sflag:$0x2], $0x4000, $0x38;
	[tilespmem:$0x11400] =	vst v63  }
0x39: {  	_ = 	snop  }
0x3a: {  	[hbm4b:s9+s2] =	stream.linear.scatter [tilespmem:s23], [sflag:$0x2], $0x4000, $0x38;
	[tilespmem:$0x11400] =	vst v63  }
0x3b: {  	_ =	swait.ge [sflag:s25], $0x4000  }
0x3c: {  	[sflag:s25] =	ssyncset.done $0x0  }
0x3d: {  	[sflag:s25] =	ssyncadd.s32 $0xFFFFC000  }
0x3e: {  	_ =	swait.ge [sflag:s25], $0x4000  }
0x3f: {  	[sflag:s25] =	ssyncset.done $0x0  }
0x40: {  	[sflag:s25] =	ssyncadd.s32 $0xFFFFC000  }
0x41: {  	_ =	swait.ge [sflag:s25], $0x4000  }
0x42: {  	[sflag:s25] =	ssyncset.done $0x0  }
0x43: {  	[sflag:s25] =	ssyncadd.s32 $0xFFFFC000  }
0x44: {  	_ =	swait.ge [sflag:s25], $0x4000  }
0x45: {  	[sflag:s25] =	ssyncset.done $0x0  }
0x46: {  	[sflag:s25] =	ssyncadd.s32 $0xFFFFC000  }
0x47: {  	[tilespmem:s17], [sflag:$0x1] =	stream.indirect.gather [hbm4b:s3+s15], $0x80, s26, s15, $0xb8;
	[tilespmem:$0x11400] =	vst v63  }
0x48: {  	_ = 	snop  }
0x49: {  	[tilespmem:s19], [sflag:$0x1] =	stream.indirect.gather [hbm4b:s3+s15], $0x80, s28, s15, $0xb8;
	[tilespmem:$0x11400] =	vst v63  }
0x4a: {  	_ = 	snop  }
0x4b: {  	[tilespmem:s21], [sflag:$0x1] =	stream.indirect.gather [hbm4b:s3+s15], $0x80, s29, s15, $0xb8;
	[tilespmem:$0x11400] =	vst v63  }
0x4c: {  	_ = 	snop  }
0x4d: {  	[tilespmem:s23], [sflag:$0x1] =	stream.indirect.gather [hbm4b:s3+s15], $0x80, s30, s15, $0xb8;
	[tilespmem:$0x11400] =	vst v63  }
0x4e: {  	_ =	swait.ge [sflag:s24], $0x4000  }
0x4f: {  	[sflag:s24] =	ssyncset.done $0x0  }
0x50: {  	[sflag:s24] =	ssyncadd.s32 $0xFFFFC000  }
0x51: {  	_ =	swait.ge [sflag:s24], $0x4000  }
0x52: {  	[sflag:s24] =	ssyncset.done $0x0  }
0x53: {  	[sflag:s24] =	ssyncadd.s32 $0xFFFFC000  }
0x54: {  	_ =	swait.ge [sflag:s24], $0x4000  }
0x55: {  	[sflag:s24] =	ssyncset.done $0x0  }
0x56: {  	[sflag:s24] =	ssyncadd.s32 $0xFFFFC000  }
0x57: {  	_ =	swait.ge [sflag:s24], $0x4000  }
0x58: {  	[sflag:s24] =	ssyncset.done $0x0  }
0x59: {  	[sflag:s24] =	ssyncadd.s32 $0xFFFFC000  }
0x5a: {  	[hbm4b:s10+s2] =	stream.linear.scatter [tilespmem:s17], [sflag:$0x2], $0x4000, $0x38;
	[tilespmem:$0x11400] =	vst v63  }
0x5b: {  	_ = 	snop  }
0x5c: {  	[hbm4b:s11+s2] =	stream.linear.scatter [tilespmem:s19], [sflag:$0x2], $0x4000, $0x38;
	[tilespmem:$0x11400] =	vst v63  }
0x5d: {  	_ = 	snop  }
0x5e: {  	[hbm4b:s12+s2] =	stream.linear.scatter [tilespmem:s21], [sflag:$0x2], $0x4000, $0x38;
	[tilespmem:$0x11400] =	vst v63  }
0x5f: {  	_ = 	snop  }
0x60: {  	[hbm4b:s13+s2] =	stream.linear.scatter [tilespmem:s23], [sflag:$0x2], $0x4000, $0x38;
	[tilespmem:$0x11400] =	vst v63  }
0x61: {  	_ =	swait.ge [sflag:s25], $0x4000  }
0x62: {  	[sflag:s25] =	ssyncset.done $0x0  }
0x63: {  	[sflag:s25] =	ssyncadd.s32 $0xFFFFC000  }
0x64: {  	_ =	swait.ge [sflag:s25], $0x4000  }
0x65: {  	[sflag:s25] =	ssyncset.done $0x0  }
0x66: {  	s31 =	sadd.s32 $0x1, s31;
	[sflag:s25] =	ssyncadd.s32 $0xFFFFC000  }
0x67: {  	p0 =	sne.s32 s31, s5;
	_ =	swait.ge [sflag:s25], $0x4000  }
.Ltmp1:
0x68: {  	[sflag:s25] =	ssyncset.done $0x0;
	(pc) =	sbr.rel @p0 .LBB2_1-.Ltmp1, $4  }
0x69: {  	[sflag:s25] =	ssyncadd.s32 $0xFFFFC000  }
0x6a: {  	_ =	swait.ge [sflag:s25], $0x4000  }
0x6b: {  	[sflag:s25] =	ssyncset.done $0x0  }
0x6c: {  	[sflag:s25] =	ssyncadd.s32 $0xFFFFC000  }
0x6d: {  	_ =	sfence.sel $0x180000  }
0x6e: {  	[bflag:$0x0] =	sbarrier.arrive $0xFFFF  }
0x6f: {  	_ =	strace $0x9000004D  }
0x70: {  	s0 =	stileid.u32;
	[bflag:$0x2] =	sbarrier.arrive $0xFFFF  }
0x71: {  	p0 =	sne.s32 s0, $0x0;
	s0 =	rddreg [dreg:$0x1]  }
0x72: {  	s0 =	sadd.s32 @!p0 $0x100000, s0  }
0x73: {  	[sflag:s0] =	ssyncadd.tile.s32 @!p0 $0x1;
	_ =	shalt  }
.Lfunc_end2:
_tile_overlayer_lowered:
.L_overlay_start_2:
0x74: {  	(tag) =	ssettag $0x2  }
0x75: {  	s0 =	rddreg [dreg:$0x0];
	s2 =	stileid.u32  }
0x76: {  	s1 =	rddreg [dreg:$0x1];
	p0 =	sne.s32 s2, $0x0  }
0x77: {  	s3 =	rddreg [dreg:$0x2];
	[bflag:$0x3] =	sbarrier.arrive $0xFFFF;
	s2 =	simm.s32 @!p0 $0x1C03  }
0x78: {  	[timem:s3], [sflag:s2] =	dma.local @!p0 [hbm:s0], s1  }
0x79: {  	s0 =	simm.s32 @!p0 $0x3  }
0x7a: {  	_ =	swait.ge @!p0 [sflag:s0], s1  }
0x7b: {  	s1 =	ssub.s32 @!p0 $0x0, s1;
	[sflag:s0] =	ssyncset.done @!p0 $0x0  }
0x7c: {  	[sflag:s0] =	ssyncadd.s32 @!p0 s1  }
0x7d: {  	[bflag:$0x3] =	sbarrier.arrive $0xFFFF  }
0x7e: {  	_ =	shalt  }

</sc_bundles>
